<compile_context>
chip_gen: v7x
topology: tpu7x:2x2x1
jax: 0.10.2.dev20260603
libtpu: 0.0.44.dev20260713+nightly
codegen_flags: <defaults>
</compile_context>

<pallas_src>
import functools

import jax
import jax.numpy as jnp
from jax import lax
from jax.experimental import pallas as pl
from jax.experimental.pallas import tpu as pltpu
from jax.experimental.pallas import tpu_sc as plsc

N = 100000
E = 1600000
M = 4096
D_IN = 32
H = 64
D_OUT = 128
EPS = 1e-5

NC = 2
NS = 16
NW = NC * NS

N_PAD = 100352
TILE_N = N_PAD // NS
M_PAD = 4224
TILE_M = M_PAD // NS

EDGE_K = 800
E_PER_TILE = E // NS
N_CHUNKS = E_PER_TILE // EDGE_K
DEG_K = 2000
E_PER_W = E // NW
POOL_ROWS = N_PAD // NW
POOL_K = 1568

_MESH = plsc.VectorSubcoreMesh(core_axis_name="c", subcore_axis_name="s")
_SC_PARAMS = pltpu.CompilerParams(use_tc_tiling_on_sc=False)


def _f32(*shape):
    return jax.ShapeDtypeStruct(shape, jnp.float32)


@functools.partial(
    pl.kernel,
    out_type=_f32(NC, N_PAD),
    mesh=_MESH,
    compiler_params=_SC_PARAMS,
    scratch_types=[
        pltpu.VMEM((DEG_K,), jnp.int32),
        pltpu.VMEM((DEG_K,), jnp.float32),
        pltpu.VMEM_SHARED((N_PAD,), jnp.float32),
    ],
)
def _deg_kernel(dst_hbm, zeros_hbm, ones_hbm, out_hbm, idx_v, ones_v, acc):
    c = lax.axis_index("c")
    s = lax.axis_index("s")
    w = c * NS + s
    pltpu.sync_copy(zeros_hbm.at[pl.ds(s * TILE_N, TILE_N)],
                    acc.at[pl.ds(s * TILE_N, TILE_N)])
    pltpu.sync_copy(ones_hbm.at[pl.ds(0, DEG_K)], ones_v)
    plsc.subcore_barrier()

    @pl.loop(0, E_PER_W // DEG_K)
    def _(i):
        base = w * E_PER_W + i * DEG_K
        pltpu.sync_copy(dst_hbm.at[pl.ds(base, DEG_K)], idx_v)
        pltpu.sync_copy(ones_v, acc.at[idx_v], add=True)

    plsc.subcore_barrier()
    pltpu.sync_copy(acc.at[pl.ds(s * TILE_N, TILE_N)],
                    out_hbm.at[c, pl.ds(s * TILE_N, TILE_N)])


def _make_edge_agg(n_passes):
    n_chunks = n_passes * NC

    @functools.partial(
        pl.kernel,
        out_type=_f32(n_chunks, N_PAD, 16),
        mesh=_MESH,
        compiler_params=_SC_PARAMS,
        scratch_types=[
            pltpu.VMEM((2, EDGE_K), jnp.int32),
            pltpu.VMEM((2, EDGE_K), jnp.int32),
            pltpu.VMEM((2, EDGE_K, 16), jnp.float32),
            pltpu.VMEM_SHARED((N_PAD, 16), jnp.float32),
            pltpu.SemaphoreType.DMA((2,)),
            pltpu.SemaphoreType.DMA((2,)),
            pltpu.SemaphoreType.DMA((2,)),
            pltpu.SemaphoreType.DMA((2,)),
        ],
    )
    def agg_kernel(idx_hbm, dst_hbm, zeros_hbm, table_hbm, out_hbm,
                   sidx, didx, rows, acc, sem_si, sem_di, sem_g, sem_s):
        c = lax.axis_index("c")
        s = lax.axis_index("s")

        @pl.loop(0, n_passes)
        def _(p):
            k = c * n_passes + p
            table = table_hbm

            def base_of(i):
                return s * E_PER_TILE + jnp.minimum(i, N_CHUNKS - 1) * EDGE_K

            def sidx_start(i, b):
                pltpu.async_copy(idx_hbm.at[k, pl.ds(base_of(i), EDGE_K)],
                                 sidx.at[b], sem_si.at[b])

            def sidx_wait(i, b):
                pltpu.make_async_copy(idx_hbm.at[k, pl.ds(base_of(i), EDGE_K)],
                                      sidx.at[b], sem_si.at[b]).wait()

            def didx_load(i, b):
                pltpu.async_copy(dst_hbm.at[pl.ds(base_of(i), EDGE_K)],
                                 didx.at[b], sem_di.at[b])
                pltpu.make_async_copy(dst_hbm.at[pl.ds(base_of(i), EDGE_K)],
                                      didx.at[b], sem_di.at[b]).wait()

            def idx_load(i, b):
                sidx_start(i, b)
                didx_load(i, b)
                sidx_wait(i, b)

            def g_start(b):
                pltpu.async_copy(table.at[sidx.at[b]], rows.at[b],
                                 sem_g.at[b])

            def g_wait(b):
                pltpu.make_async_copy(table.at[sidx.at[b]], rows.at[b],
                                      sem_g.at[b]).wait()

            def s_start(b):
                pltpu.async_copy(rows.at[b], acc.at[didx.at[b]],
                                 sem_s.at[b], add=True)

            def s_wait(b):
                pltpu.make_async_copy(rows.at[b], acc.at[didx.at[b]],
                                      sem_s.at[b]).wait()

            pltpu.sync_copy(zeros_hbm.at[pl.ds(s * TILE_N, TILE_N), :],
                            acc.at[pl.ds(s * TILE_N, TILE_N), :])
            plsc.subcore_barrier()
            pltpu.sync_copy(zeros_hbm.at[pl.ds(0, EDGE_K), :], rows.at[1])
            pltpu.sync_copy(dst_hbm.at[pl.ds(s * E_PER_TILE, EDGE_K)],
                            didx.at[1])
            s_start(1)
            idx_load(0, 0)
            g_start(0)

            @pl.loop(0, N_CHUNKS // 2)
            def _(j):
                i0 = 2 * j
                sidx_start(i0 + 1, 1)
                g_wait(0)
                s_start(0)
                s_wait(1)
                didx_load(i0 + 1, 1)
                sidx_wait(i0 + 1, 1)
                g_start(1)
                sidx_start(i0 + 2, 0)
                g_wait(1)
                s_start(1)
                s_wait(0)
                didx_load(i0 + 2, 0)
                sidx_wait(i0 + 2, 0)
                g_start(0)

            g_wait(0)
            s_start(0)
            s_wait(1)
            s_wait(0)
            plsc.subcore_barrier()
            pltpu.sync_copy(acc.at[pl.ds(s * TILE_N, TILE_N), :],
                            out_hbm.at[k, pl.ds(s * TILE_N, TILE_N), :])

    return agg_kernel


_agg2 = _make_edge_agg(1)
_agg4 = _make_edge_agg(2)


@functools.partial(
    pl.kernel,
    out_type=(_f32(NC, M_PAD, H), _f32(NC, M_PAD)),
    mesh=_MESH,
    compiler_params=_SC_PARAMS,
    scratch_types=[
        pltpu.VMEM((POOL_K,), jnp.int32),
        pltpu.VMEM((POOL_K, H), jnp.float32),
        pltpu.VMEM((DEG_K,), jnp.float32),
        pltpu.VMEM_SHARED((M_PAD, H), jnp.float32),
        pltpu.VMEM_SHARED((M_PAD,), jnp.float32),
    ],
)
def _pool_kernel(h2_hbm, bid_hbm, zeros2_hbm, zeros1_hbm, ones_hbm,
                 outs_hbm, outc_hbm, idx_v, rows_v, ones_v, accs, accc):
    c = lax.axis_index("c")
    s = lax.axis_index("s")
    w = c * NS + s
    pltpu.sync_copy(zeros2_hbm.at[pl.ds(s * TILE_M, TILE_M), :],
                    accs.at[pl.ds(s * TILE_M, TILE_M), :])
    pltpu.sync_copy(zeros1_hbm.at[pl.ds(s * TILE_M, TILE_M)],
                    accc.at[pl.ds(s * TILE_M, TILE_M)])
    pltpu.sync_copy(ones_hbm.at[pl.ds(0, DEG_K)], ones_v)
    plsc.subcore_barrier()

    @pl.loop(0, POOL_ROWS // POOL_K)
    def _(j):
        base = w * POOL_ROWS + j * POOL_K
        pltpu.sync_copy(h2_hbm.at[pl.ds(base, POOL_K), :], rows_v)
        pltpu.sync_copy(bid_hbm.at[pl.ds(base, POOL_K)], idx_v)
        pltpu.sync_copy(rows_v, accs.at[idx_v], add=True)
        pltpu.sync_copy(ones_v.at[pl.ds(0, POOL_K)], accc.at[idx_v], add=True)

    plsc.subcore_barrier()
    pltpu.sync_copy(accs.at[pl.ds(s * TILE_M, TILE_M), :],
                    outs_hbm.at[c, pl.ds(s * TILE_M, TILE_M), :])
    pltpu.sync_copy(accc.at[pl.ds(s * TILE_M, TILE_M)],
                    outc_hbm.at[c, pl.ds(s * TILE_M, TILE_M)])


BLK = 2048
GRID_N = N_PAD // BLK


def _ln(h, g, b):
    mu = jnp.mean(h, axis=-1, keepdims=True)
    var = jnp.mean((h - mu) ** 2, axis=-1, keepdims=True)
    return (h - mu) * lax.rsqrt(var + EPS) * g + b


def _prep_body(counts_ref, x_ref, x2_ref, dis_ref):
    cnt = counts_ref[0, :] + counts_ref[1, :]
    dis = lax.rsqrt(cnt + 1.0)
    d2 = jnp.reshape(dis, (BLK, 1))
    x2_ref[...] = x_ref[...] * d2
    dis_ref[...] = d2


def _prep(counts, x):
    return pl.pallas_call(
        _prep_body,
        grid=(GRID_N,),
        in_specs=[
            pl.BlockSpec((NC, BLK), lambda i: (0, i)),
            pl.BlockSpec((BLK, D_IN), lambda i: (i, 0)),
        ],
        out_specs=[
            pl.BlockSpec((BLK, D_IN), lambda i: (i, 0)),
            pl.BlockSpec((BLK, 1), lambda i: (i, 0)),
        ],
        out_shape=[_f32(N_PAD, D_IN), _f32(N_PAD, 1)],
    )(counts, x)


E_ROWS = 3125
E_COLS = 512
E_CBLK = 128


def _idx_prep_body(s_ref, i2_ref, i4_ref):
    s = s_ref[...]
    s2 = s * 2
    s4 = s * 4
    i2_ref[...] = jnp.stack([s2, s2 + 1], axis=0)
    i4_ref[...] = jnp.stack([s4, s4 + 1, s4 + 2, s4 + 3], axis=0)


def _idx_prep(src2d):
    return pl.pallas_call(
        _idx_prep_body,
        grid=(E_COLS // E_CBLK,),
        in_specs=[pl.BlockSpec((E_ROWS, E_CBLK), lambda i: (0, i))],
        out_specs=[
            pl.BlockSpec((2, E_ROWS, E_CBLK), lambda i: (0, 0, i)),
            pl.BlockSpec((4, E_ROWS, E_CBLK), lambda i: (0, 0, i)),
        ],
        out_shape=[
            jax.ShapeDtypeStruct((2, E_ROWS, E_COLS), jnp.int32),
            jax.ShapeDtypeStruct((4, E_ROWS, E_COLS), jnp.int32),
        ],
    )(src2d)


def _layer1_body(agg_ref, x2_ref, dis_ref, w_ref, b_ref, g_ref,
                 be_ref, o_ref):
    d = dis_ref[...]
    w = w_ref[...]
    h = jnp.dot(x2_ref[...] * d, w, preferred_element_type=jnp.float32)
    for c in range(2):
        h = h + jnp.dot(agg_ref[c] * d, w[16 * c:16 * c + 16, :],
                        preferred_element_type=jnp.float32)
    h = h + b_ref[...]
    o_ref[...] = _ln(h, g_ref[...], be_ref[...]) * d


def _layer1(agg1, x2, dis, W1, b1, g1, be1):
    return pl.pallas_call(
        _layer1_body,
        grid=(GRID_N,),
        in_specs=[
            pl.BlockSpec((2, BLK, 16), lambda i: (0, i, 0)),
            pl.BlockSpec((BLK, D_IN), lambda i: (i, 0)),
            pl.BlockSpec((BLK, 1), lambda i: (i, 0)),
            pl.BlockSpec((D_IN, H), lambda i: (0, 0)),
            pl.BlockSpec((1, H), lambda i: (0, 0)),
            pl.BlockSpec((1, H), lambda i: (0, 0)),
            pl.BlockSpec((1, H), lambda i: (0, 0)),
        ],
        out_specs=pl.BlockSpec((BLK, H), lambda i: (i, 0)),
        out_shape=_f32(N_PAD, H),
    )(agg1, x2, dis, W1, b1.reshape(1, -1), g1.reshape(1, -1),
      be1.reshape(1, -1))


def _layer2_body(agg_ref, hp_ref, dis_ref, w_ref, b_ref, g_ref,
                 be_ref, out_ref):
    d = dis_ref[...]
    w = w_ref[...]
    h = jnp.dot(hp_ref[...] * d, w, preferred_element_type=jnp.float32)
    for c in range(4):
        h = h + jnp.dot(agg_ref[c] * d, w[16 * c:16 * c + 16, :],
                        preferred_element_type=jnp.float32)
    h = h + b_ref[...]
    out_ref[...] = _ln(h, g_ref[...], be_ref[...])


def _layer2(agg2, hps, dis, W2, b2, g2, be2):
    return pl.pallas_call(
        _layer2_body,
        grid=(GRID_N,),
        in_specs=[
            pl.BlockSpec((4, BLK, 16), lambda i: (0, i, 0)),
            pl.BlockSpec((BLK, H), lambda i: (i, 0)),
            pl.BlockSpec((BLK, 1), lambda i: (i, 0)),
            pl.BlockSpec((H, H), lambda i: (0, 0)),
            pl.BlockSpec((1, H), lambda i: (0, 0)),
            pl.BlockSpec((1, H), lambda i: (0, 0)),
            pl.BlockSpec((1, H), lambda i: (0, 0)),
        ],
        out_specs=pl.BlockSpec((BLK, H), lambda i: (i, 0)),
        out_shape=_f32(N_PAD, H),
    )(agg2, hps, dis, W2, b2.reshape(1, -1), g2.reshape(1, -1),
      be2.reshape(1, -1))


MBLK = 512


def _head_body(sums_ref, cnts_ref, wr1_ref, br1_ref, wr2_ref, br2_ref,
               go_ref, bo_ref, out_ref):
    s = sums_ref[0] + sums_ref[1]
    cnt = cnts_ref[0, :] + cnts_ref[1, :]
    mean = s * jnp.reshape(1.0 / jnp.maximum(cnt, 1.0), (MBLK, 1))
    pooled = jnp.concatenate([mean, s], axis=-1)
    r = jnp.maximum(
        jnp.dot(pooled, wr1_ref[...], preferred_element_type=jnp.float32)
        + br1_ref[...], 0.0)
    o = jnp.dot(r, wr2_ref[...], preferred_element_type=jnp.float32) + br2_ref[...]
    out_ref[...] = _ln(o, go_ref[...], bo_ref[...])


def _head(sums, cnts, Wr1, br1, Wr2, br2, go, bo):
    return pl.pallas_call(
        _head_body,
        grid=(M // MBLK,),
        in_specs=[
            pl.BlockSpec((NC, MBLK, H), lambda i: (0, i, 0)),
            pl.BlockSpec((NC, MBLK), lambda i: (0, i)),
            pl.BlockSpec((2 * H, H), lambda i: (0, 0)),
            pl.BlockSpec((1, H), lambda i: (0, 0)),
            pl.BlockSpec((H, D_OUT), lambda i: (0, 0)),
            pl.BlockSpec((1, D_OUT), lambda i: (0, 0)),
            pl.BlockSpec((1, D_OUT), lambda i: (0, 0)),
            pl.BlockSpec((1, D_OUT), lambda i: (0, 0)),
        ],
        out_specs=pl.BlockSpec((MBLK, D_OUT), lambda i: (i, 0)),
        out_shape=_f32(M, D_OUT),
    )(sums, cnts, Wr1, br1.reshape(1, -1), Wr2, br2.reshape(1, -1),
      go.reshape(1, -1), bo.reshape(1, -1))


def kernel(x, edge_index, batch_ids, W1, b1, g1, be1, W2, b2, g2, be2,
           Wr1, br1, Wr2, br2, go, bo):
    src = edge_index[0]
    dst = edge_index[1]
    bid_pad = jnp.concatenate(
        [batch_ids, jnp.full((N_PAD - N,), M, jnp.int32)])

    zeros_n1 = jnp.zeros((N_PAD,), jnp.float32)
    zeros_n16 = jnp.zeros((N_PAD, 16), jnp.float32)
    zeros_m2 = jnp.zeros((M_PAD, H), jnp.float32)
    zeros_m1 = jnp.zeros((M_PAD,), jnp.float32)
    ones = jnp.ones((DEG_K,), jnp.float32)

    i2, i4 = _idx_prep(src.reshape(E_ROWS, E_COLS))
    i2 = i2.reshape(2, E)
    i4 = i4.reshape(4, E)
    counts = _deg_kernel(dst, zeros_n1, ones)
    x2, dis = _prep(counts, x)
    agg1 = _agg2(i2, dst, zeros_n16, x2.reshape(2 * N_PAD, 16))
    hp = _layer1(agg1, x2, dis, W1, b1, g1, be1)
    agg2 = _agg4(i4, dst, zeros_n16, hp.reshape(4 * N_PAD, 16))
    h2 = _layer2(agg2, hp, dis, W2, b2, g2, be2)
    sums, cnts = _pool_kernel(h2, bid_pad, zeros_m2, zeros_m1, ones)
    return _head(sums, cnts, Wr1, br1, Wr2, br2, go, bo)

# --- scband reference (transcript-rebuilt; emitter-appended) ---
"""Pipeline reference for scband-molecular-graph-encoder-79972291052146 (READ-ONLY COPY).

The authoritative reference and input builder live on the scoring server;
editing this copy changes nothing except your own understanding.
"""

import jax, jax.numpy as jnp
import numpy as np

N = 100000
E = 1600000
M = 4096
D_IN = 32
H = 64
D_OUT = 128
EPS = 1e-5


def _layernorm(h, g, b):
    mu = jnp.mean(h, axis=-1, keepdims=True)
    var = jnp.mean((h - mu) ** 2, axis=-1, keepdims=True)
    return (h - mu) / jnp.sqrt(var + EPS) * g + b


def setup_inputs(seed: int = 0) -> dict:
    key = jax.random.key(seed)
    ks = jax.random.split(key, 16)

    def lin(k, fi, fo):
        return jax.random.normal(k, (fi, fo), dtype=jnp.float32) / np.sqrt(fi)

    inp = {}
    inp["x"] = jax.random.normal(ks[0], (N, D_IN), dtype=jnp.float32)
    inp["edge_index"] = jax.random.randint(ks[1], (2, E), 0, N, dtype=jnp.int32)
    inp["batch_ids"] = jnp.sort(jax.random.randint(ks[2], (N,), 0, M, dtype=jnp.int32))
    inp["W1"] = lin(ks[3], D_IN, H)
    inp["b1"] = jnp.zeros((H,), jnp.float32)
    inp["g1"] = jnp.ones((H,), jnp.float32)
    inp["be1"] = jnp.zeros((H,), jnp.float32)
    inp["W2"] = lin(ks[4], H, H)
    inp["b2"] = jnp.zeros((H,), jnp.float32)
    inp["g2"] = jnp.ones((H,), jnp.float32)
    inp["be2"] = jnp.zeros((H,), jnp.float32)
    inp["Wr1"] = lin(ks[5], 2 * H, H)
    inp["br1"] = jnp.zeros((H,), jnp.float32)
    inp["Wr2"] = lin(ks[6], H, D_OUT)
    inp["br2"] = jnp.zeros((D_OUT,), jnp.float32)
    inp["go"] = jnp.ones((D_OUT,), jnp.float32)
    inp["bo"] = jnp.zeros((D_OUT,), jnp.float32)
    return inp


def reference(x, edge_index, batch_ids, W1, b1, g1, be1, W2, b2, g2, be2, Wr1, br1, Wr2, br2, go, bo):
    src = edge_index[0]
    dst = edge_index[1]
    # GCN symmetric normalization with self-loops (PyG gcn_norm: deg over col/dst)
    deg = 1.0 + jax.ops.segment_sum(jnp.ones((E,), jnp.float32), dst, num_segments=N)
    dis = jax.lax.rsqrt(deg)
    norm = dis[src] * dis[dst]

    def gcn(h, W, b):
        h = h @ W
        agg = jax.ops.segment_sum(h[src] * norm[:, None], dst, num_segments=N)
        agg = agg + h * (dis * dis)[:, None]  # self-loop contribution
        return agg + b

    h = _layernorm(gcn(x, W1, b1), g1, be1)
    h = _layernorm(gcn(h, W2, b2), g2, be2)
    # mean + sum pooling per molecule
    s = jax.ops.segment_sum(h, batch_ids, num_segments=M)
    cnt = jax.ops.segment_sum(jnp.ones((N,), jnp.float32), batch_ids, num_segments=M)
    mean = s / jnp.maximum(cnt, 1.0)[:, None]
    pooled = jnp.concatenate([mean, s], axis=-1)
    r = jax.nn.relu(pooled @ Wr1 + br1)
    out = r @ Wr2 + br2
    return _layernorm(out, go, bo)

if __name__ == "__main__":
    import jax
    _d = setup_inputs()
    print(jax.jit(kernel)(*tuple(_d.values())))

</pallas_src>

<mosaic_0001>
#map = affine_map<(d0, d1) -> (0, 0)>
#map1 = affine_map<(d0, d1) -> (0)>
#map2 = affine_map<(d0, d1) -> (0, 0, 0)>
module attributes {stable_mosaic.version = 14 : i64} {
  func.func @agg_kernel(%arg0: i32, %arg1: i32, %arg2: memref<2x1600000xi32, #tpu.memory_space<hbm>>, %arg3: memref<1600000xi32, #tpu.memory_space<hbm>>, %arg4: memref<100352x16xf32, #tpu.memory_space<hbm>>, %arg5: memref<200704x16xf32, #tpu.memory_space<hbm>>, %arg6: memref<2x100352x16xf32, #tpu.memory_space<hbm>>, %arg7: memref<2x800xi32, #tpu.memory_space<vmem>>, %arg8: memref<2x800xi32, #tpu.memory_space<vmem>>, %arg9: memref<2x800x16xf32, #tpu.memory_space<vmem>>, %arg10: memref<100352x16xf32, #tpu.memory_space<vmem_shared>>, %arg11: memref<2x!tpu.dma_semaphore, #tpu.memory_space<semaphore_mem>>, %arg12: memref<2x!tpu.dma_semaphore, #tpu.memory_space<semaphore_mem>>, %arg13: memref<2x!tpu.dma_semaphore, #tpu.memory_space<semaphore_mem>>, %arg14: memref<2x!tpu.dma_semaphore, #tpu.memory_space<semaphore_mem>>) attributes {dimension_semantics = [#tpu.dimension_semantics<core_parallel>, #tpu.dimension_semantics<subcore_parallel>], iteration_bounds = array<i64: 2, 16>, scalar_prefetch = 0 : i64, scratch_operands = 8 : i64, tpu.core_type = #tpu.core_type<sc_vector_subcore>, window_params = [{transform_indices = #map}, {transform_indices = #map1}, {transform_indices = #map}, {transform_indices = #map}, {transform_indices = #map2}]} {
    %scan3A = arith.constant 0 : i32
    %mul3A = arith.constant 1 : i32
    %mul3A_0 = arith.muli %scan3A, %mul3A : i32
    %add3A = arith.constant 0 : i32
    %add3A_1 = arith.addi %add3A, %mul3A_0 : i32
    %mul3A_2 = arith.constant 1 : i32
    %mul3A_3 = arith.muli %arg0, %mul3A_2 : i32
    %add3A_4 = arith.addi %mul3A_3, %add3A_1 : i32
    %mul3A_5 = arith.constant 6272 : i32
    %mul3A_6 = arith.muli %arg1, %mul3A_5 : i32
    %mul3A_7 = arith.constant 6272 : i32
    %mul3A_8 = arith.muli %arg1, %mul3A_7 : i32
    "tpu.region"() ({
      %run_scoped3A_194 = tpu.sem_alloc : memref<!tpu.dma_semaphore, #tpu.memory_space<semaphore_mem>>
      %dma_start3A_195 = arith.constant 0 : i32
      %dma_start3A_196 = tpu.memref_slice %arg10[%mul3A_8, %dma_start3A_195] : memref<100352x16xf32, #tpu.memory_space<vmem_shared>> -> memref<6272x16xf32, #tpu.memory_space<vmem_shared>>
      %dma_start3A_197 = arith.constant 0 : i32
      %dma_start3A_198 = tpu.memref_slice %arg4[%mul3A_6, %dma_start3A_197] : memref<100352x16xf32, #tpu.memory_space<hbm>> -> memref<6272x16xf32, #tpu.memory_space<hbm>>
      tpu.enqueue_dma source(%dma_start3A_198 : memref<6272x16xf32, #tpu.memory_space<hbm>>) target(%dma_start3A_196 : memref<6272x16xf32, #tpu.memory_space<vmem_shared>>) target_semaphore(%run_scoped3A_194 : memref<!tpu.dma_semaphore, #tpu.memory_space<semaphore_mem>>)
      %dma_wait3A_199 = arith.constant 0 : i32
      %dma_wait3A_200 = tpu.memref_slice %arg10[%mul3A_8, %dma_wait3A_199] : memref<100352x16xf32, #tpu.memory_space<vmem_shared>> -> memref<6272x16xf32, #tpu.memory_space<vmem_shared>>
      %dma_wait3A_201 = arith.constant 0 : i32
      %dma_wait3A_202 = tpu.memref_slice %arg4[%mul3A_6, %dma_wait3A_201] : memref<100352x16xf32, #tpu.memory_space<hbm>> -> memref<6272x16xf32, #tpu.memory_space<hbm>>
      tpu.wait_dma2 semaphore(%run_scoped3A_194 : memref<!tpu.dma_semaphore, #tpu.memory_space<semaphore_mem>>) src(%dma_wait3A_202 : memref<6272x16xf32, #tpu.memory_space<hbm>>) dst(%dma_wait3A_200 : memref<6272x16xf32, #tpu.memory_space<vmem_shared>>)
      tpu.yield
    }) : () -> ()
    %barrier3A = arith.constant 0 : index
    tpu.barrier barrier_id(%barrier3A)
    %run_scoped3A = arith.constant 1 : i32
    "tpu.region"() ({
      %run_scoped3A_194 = tpu.sem_alloc : memref<!tpu.dma_semaphore, #tpu.memory_space<semaphore_mem>>
      %dma_start3A_195 = arith.constant 0 : i32
      %dma_start3A_196 = arith.constant 0 : i32
      %dma_start3A_197 = tpu.memref_slice %arg9[%run_scoped3A, %dma_start3A_195, %dma_start3A_196] : memref<2x800x16xf32, #tpu.memory_space<vmem>> -> memref<1x800x16xf32, #tpu.memory_space<vmem>>
      %dma_start3A_198 = tpu.memref_squeeze %dma_start3A_197 : memref<1x800x16xf32, #tpu.memory_space<vmem>> -> memref<800x16xf32, #tpu.memory_space<vmem>>
      %dma_start3A_199 = arith.constant 0 : i32
      %dma_start3A_200 = arith.constant 0 : i32
      %dma_start3A_201 = tpu.memref_slice %arg4[%dma_start3A_199, %dma_start3A_200] : memref<100352x16xf32, #tpu.memory_space<hbm>> -> memref<800x16xf32, #tpu.memory_space<hbm>>
      %dma_start3A_202 = arith.constant 0 : i32
      %dma_start3A_203 = arith.constant 0 : i32
      %dma_start3A_204 = tpu.memref_slice %arg9[%run_scoped3A, %dma_start3A_202, %dma_start3A_203] : memref<2x800x16xf32, #tpu.memory_space<vmem>> -> memref<1x800x16xf32, #tpu.memory_space<vmem>>
      %dma_start3A_205 = tpu.memref_squeeze %dma_start3A_204 : memref<1x800x16xf32, #tpu.memory_space<vmem>> -> memref<800x16xf32, #tpu.memory_space<vmem>>
      %dma_start3A_206 = arith.constant 0 : i32
      %dma_start3A_207 = arith.constant 0 : i32
      %dma_start3A_208 = tpu.memref_slice %arg4[%dma_start3A_206, %dma_start3A_207] : memref<100352x16xf32, #tpu.memory_space<hbm>> -> memref<800x16xf32, #tpu.memory_space<hbm>>
      tpu.enqueue_dma source(%dma_start3A_208 : memref<800x16xf32, #tpu.memory_space<hbm>>) target(%dma_start3A_205 : memref<800x16xf32, #tpu.memory_space<vmem>>) target_semaphore(%run_scoped3A_194 : memref<!tpu.dma_semaphore, #tpu.memory_space<semaphore_mem>>)
      %dma_wait3A_209 = arith.constant 0 : i32
      %dma_wait3A_210 = arith.constant 0 : i32
      %dma_wait3A_211 = tpu.memref_slice %arg9[%run_scoped3A, %dma_wait3A_209, %dma_wait3A_210] : memref<2x800x16xf32, #tpu.memory_space<vmem>> -> memref<1x800x16xf32, #tpu.memory_space<vmem>>
      %dma_wait3A_212 = tpu.memref_squeeze %dma_wait3A_211 : memref<1x800x16xf32, #tpu.memory_space<vmem>> -> memref<800x16xf32, #tpu.memory_space<vmem>>
      %dma_wait3A_213 = arith.constant 0 : i32
      %dma_wait3A_214 = arith.constant 0 : i32
      %dma_wait3A_215 = tpu.memref_slice %arg4[%dma_wait3A_213, %dma_wait3A_214] : memref<100352x16xf32, #tpu.memory_space<hbm>> -> memref<800x16xf32, #tpu.memory_space<hbm>>
      %dma_wait3A_216 = arith.constant 0 : i32
      %dma_wait3A_217 = arith.constant 0 : i32
      %dma_wait3A_218 = tpu.memref_slice %arg9[%run_scoped3A, %dma_wait3A_216, %dma_wait3A_217] : memref<2x800x16xf32, #tpu.memory_space<vmem>> -> memref<1x800x16xf32, #tpu.memory_space<vmem>>
      %dma_wait3A_219 = tpu.memref_squeeze %dma_wait3A_218 : memref<1x800x16xf32, #tpu.memory_space<vmem>> -> memref<800x16xf32, #tpu.memory_space<vmem>>
      %dma_wait3A_220 = arith.constant 0 : i32
      %dma_wait3A_221 = arith.constant 0 : i32
      %dma_wait3A_222 = tpu.memref_slice %arg4[%dma_wait3A_220, %dma_wait3A_221] : memref<100352x16xf32, #tpu.memory_space<hbm>> -> memref<800x16xf32, #tpu.memory_space<hbm>>
      tpu.wait_dma2 semaphore(%run_scoped3A_194 : memref<!tpu.dma_semaphore, #tpu.memory_space<semaphore_mem>>) src(%dma_wait3A_222 : memref<800x16xf32, #tpu.memory_space<hbm>>) dst(%dma_wait3A_219 : memref<800x16xf32, #tpu.memory_space<vmem>>)
      tpu.yield
    }) : () -> ()
    %mul3A_9 = arith.constant 100000 : i32
    %mul3A_10 = arith.muli %arg1, %mul3A_9 : i32
    %run_scoped3A_11 = arith.constant 1 : i32
    "tpu.region"() ({
      %run_scoped3A_194 = tpu.sem_alloc : memref<!tpu.dma_semaphore, #tpu.memory_space<semaphore_mem>>
      %dma_start3A_195 = arith.constant 0 : i32
      %dma_start3A_196 = tpu.memref_slice %arg8[%run_scoped3A_11, %dma_start3A_195] : memref<2x800xi32, #tpu.memory_space<vmem>> -> memref<1x800xi32, #tpu.memory_space<vmem>>
      %dma_start3A_197 = tpu.memref_squeeze %dma_start3A_196 : memref<1x800xi32, #tpu.memory_space<vmem>> -> memref<800xi32, #tpu.memory_space<vmem>>
      %dma_start3A_198 = tpu.memref_slice %arg3[%mul3A_10] : memref<1600000xi32, #tpu.memory_space<hbm>> -> memref<800xi32, #tpu.memory_space<hbm>>
      %dma_start3A_199 = arith.constant 0 : i32
      %dma_start3A_200 = tpu.memref_slice %arg8[%run_scoped3A_11, %dma_start3A_199] : memref<2x800xi32, #tpu.memory_space<vmem>> -> memref<1x800xi32, #tpu.memory_space<vmem>>
      %dma_start3A_201 = tpu.memref_squeeze %dma_start3A_200 : memref<1x800xi32, #tpu.memory_space<vmem>> -> memref<800xi32, #tpu.memory_space<vmem>>
      %dma_start3A_202 = tpu.memref_slice %arg3[%mul3A_10] : memref<1600000xi32, #tpu.memory_space<hbm>> -> memref<800xi32, #tpu.memory_space<hbm>>
      tpu.enqueue_dma source(%dma_start3A_202 : memref<800xi32, #tpu.memory_space<hbm>>) target(%dma_start3A_201 : memref<800xi32, #tpu.memory_space<vmem>>) target_semaphore(%run_scoped3A_194 : memref<!tpu.dma_semaphore, #tpu.memory_space<semaphore_mem>>)
      %dma_wait3A_203 = arith.constant 0 : i32
      %dma_wait3A_204 = tpu.memref_slice %arg8[%run_scoped3A_11, %dma_wait3A_203] : memref<2x800xi32, #tpu.memory_space<vmem>> -> memref<1x800xi32, #tpu.memory_space<vmem>>
      %dma_wait3A_205 = tpu.memref_squeeze %dma_wait3A_204 : memref<1x800xi32, #tpu.memory_space<vmem>> -> memref<800xi32, #tpu.memory_space<vmem>>
      %dma_wait3A_206 = tpu.memref_slice %arg3[%mul3A_10] : memref<1600000xi32, #tpu.memory_space<hbm>> -> memref<800xi32, #tpu.memory_space<hbm>>
      %dma_wait3A_207 = arith.constant 0 : i32
      %dma_wait3A_208 = tpu.memref_slice %arg8[%run_scoped3A_11, %dma_wait3A_207] : memref<2x800xi32, #tpu.memory_space<vmem>> -> memref<1x800xi32, #tpu.memory_space<vmem>>
      %dma_wait3A_209 = tpu.memref_squeeze %dma_wait3A_208 : memref<1x800xi32, #tpu.memory_space<vmem>> -> memref<800xi32, #tpu.memory_space<vmem>>
      %dma_wait3A_210 = tpu.memref_slice %arg3[%mul3A_10] : memref<1600000xi32, #tpu.memory_space<hbm>> -> memref<800xi32, #tpu.memory_space<hbm>>
      tpu.wait_dma2 semaphore(%run_scoped3A_194 : memref<!tpu.dma_semaphore, #tpu.memory_space<semaphore_mem>>) src(%dma_wait3A_210 : memref<800xi32, #tpu.memory_space<hbm>>) dst(%dma_wait3A_209 : memref<800xi32, #tpu.memory_space<vmem>>)
      tpu.yield
    }) : () -> ()
    %dma_start3A = arith.constant 1 : i32
    %dma_start3A_12 = arith.constant 1 : i32
    %dma_start3A_13 = arith.constant 1 : i32
    %dma_start3A_14 = arith.constant 0 : i32
    %dma_start3A_15 = arith.constant 0 : i32
    %dma_start3A_16 = tpu.memref_slice %arg9[%dma_start3A, %dma_start3A_14, %dma_start3A_15] : memref<2x800x16xf32, #tpu.memory_space<vmem>> -> memref<1x800x16xf32, #tpu.memory_space<vmem>>
    %dma_start3A_17 = tpu.memref_squeeze %dma_start3A_16 : memref<1x800x16xf32, #tpu.memory_space<vmem>> -> memref<800x16xf32, #tpu.memory_space<vmem>>
    %dma_start3A_18 = arith.constant 0 : i32
    %dma_start3A_19 = tpu.memref_slice %arg8[%dma_start3A_12, %dma_start3A_18] : memref<2x800xi32, #tpu.memory_space<vmem>> -> memref<1x800xi32, #tpu.memory_space<vmem>>
    %dma_start3A_20 = tpu.memref_squeeze %dma_start3A_19 : memref<1x800xi32, #tpu.memory_space<vmem>> -> memref<800xi32, #tpu.memory_space<vmem>>
    %dma_start3A_21 = arith.constant 0 : i32
    %dma_start3A_22 = arith.constant 0 : i32
    %dma_start3A_23 = tpu.memref_slice %arg10[%dma_start3A_21, %dma_start3A_22] : memref<100352x16xf32, #tpu.memory_space<vmem_shared>> -> memref<100352x16xf32, #tpu.memory_space<vmem_shared>>
    %dma_start3A_24 = tpu.memref_slice %arg14[%dma_start3A_13] : memref<2x!tpu.dma_semaphore, #tpu.memory_space<semaphore_mem>> -> memref<1x!tpu.dma_semaphore, #tpu.memory_space<semaphore_mem>>
    %dma_start3A_25 = tpu.memref_squeeze %dma_start3A_24 : memref<1x!tpu.dma_semaphore, #tpu.memory_space<semaphore_mem>> -> memref<!tpu.dma_semaphore, #tpu.memory_space<semaphore_mem>>
    tpu.enqueue_indirect_dma source(%dma_start3A_17 : memref<800x16xf32, #tpu.memory_space<vmem>>) target(%dma_start3A_23 : memref<100352x16xf32, #tpu.memory_space<vmem_shared>>) offsets(%dma_start3A_20 : memref<800xi32, #tpu.memory_space<vmem>>) semaphore(%dma_start3A_25 : memref<!tpu.dma_semaphore, #tpu.memory_space<semaphore_mem>>) {add = true}
    %mul3A_26 = arith.constant 100000 : i32
    %mul3A_27 = arith.muli %arg1, %mul3A_26 : i32
    %min3A = arith.constant 0 : i32
    %min3A_28 = arith.constant 124 : i32
    %min3A_29 = arith.minsi %min3A, %min3A_28 : i32
    %mul3A_30 = arith.constant 800 : i32
    %mul3A_31 = arith.muli %min3A_29, %mul3A_30 : i32
    %add3A_32 = arith.addi %mul3A_27, %mul3A_31 : i32
    %dma_start3A_33 = arith.constant 0 : i32
    %dma_start3A_34 = arith.constant 0 : i32
    %dma_start3A_35 = arith.constant 0 : i32
    %dma_start3A_36 = tpu.memref_slice %arg7[%dma_start3A_33, %dma_start3A_35] : memref<2x800xi32, #tpu.memory_space<vmem>> -> memref<1x800xi32, #tpu.memory_space<vmem>>
    %dma_start3A_37 = tpu.memref_squeeze %dma_start3A_36 : memref<1x800xi32, #tpu.memory_space<vmem>> -> memref<800xi32, #tpu.memory_space<vmem>>
    %dma_start3A_38 = tpu.memref_slice %arg2[%add3A_4, %add3A_32] : memref<2x1600000xi32, #tpu.memory_space<hbm>> -> memref<1x800xi32, #tpu.memory_space<hbm>>
    %dma_start3A_39 = tpu.memref_squeeze %dma_start3A_38 : memref<1x800xi32, #tpu.memory_space<hbm>> -> memref<800xi32, #tpu.memory_space<hbm>>
    %dma_start3A_40 = tpu.memref_slice %arg11[%dma_start3A_34] : memref<2x!tpu.dma_semaphore, #tpu.memory_space<semaphore_mem>> -> memref<1x!tpu.dma_semaphore, #tpu.memory_space<semaphore_mem>>
    %dma_start3A_41 = tpu.memref_squeeze %dma_start3A_40 : memref<1x!tpu.dma_semaphore, #tpu.memory_space<semaphore_mem>> -> memref<!tpu.dma_semaphore, #tpu.memory_space<semaphore_mem>>
    %dma_start3A_42 = arith.constant 0 : i32
    %dma_start3A_43 = tpu.memref_slice %arg7[%dma_start3A_33, %dma_start3A_42] : memref<2x800xi32, #tpu.memory_space<vmem>> -> memref<1x800xi32, #tpu.memory_space<vmem>>
    %dma_start3A_44 = tpu.memref_squeeze %dma_start3A_43 : memref<1x800xi32, #tpu.memory_space<vmem>> -> memref<800xi32, #tpu.memory_space<vmem>>
    %dma_start3A_45 = tpu.memref_slice %arg2[%add3A_4, %add3A_32] : memref<2x1600000xi32, #tpu.memory_space<hbm>> -> memref<1x800xi32, #tpu.memory_space<hbm>>
    %dma_start3A_46 = tpu.memref_squeeze %dma_start3A_45 : memref<1x800xi32, #tpu.memory_space<hbm>> -> memref<800xi32, #tpu.memory_space<hbm>>
    tpu.enqueue_dma source(%dma_start3A_46 : memref<800xi32, #tpu.memory_space<hbm>>) target(%dma_start3A_44 : memref<800xi32, #tpu.memory_space<vmem>>) target_semaphore(%dma_start3A_41 : memref<!tpu.dma_semaphore, #tpu.memory_space<semaphore_mem>>)
    %mul3A_47 = arith.constant 100000 : i32
    %mul3A_48 = arith.muli %arg1, %mul3A_47 : i32
    %min3A_49 = arith.constant 0 : i32
    %min3A_50 = arith.constant 124 : i32
    %min3A_51 = arith.minsi %min3A_49, %min3A_50 : i32
    %mul3A_52 = arith.constant 800 : i32
    %mul3A_53 = arith.muli %min3A_51, %mul3A_52 : i32
    %add3A_54 = arith.addi %mul3A_48, %mul3A_53 : i32
    %dma_start3A_55 = arith.constant 0 : i32
    %dma_start3A_56 = arith.constant 0 : i32
    %dma_start3A_57 = arith.constant 0 : i32
    %dma_start3A_58 = tpu.memref_slice %arg8[%dma_start3A_55, %dma_start3A_57] : memref<2x800xi32, #tpu.memory_space<vmem>> -> memref<1x800xi32, #tpu.memory_space<vmem>>
    %dma_start3A_59 = tpu.memref_squeeze %dma_start3A_58 : memref<1x800xi32, #tpu.memory_space<vmem>> -> memref<800xi32, #tpu.memory_space<vmem>>
    %dma_start3A_60 = tpu.memref_slice %arg3[%add3A_54] : memref<1600000xi32, #tpu.memory_space<hbm>> -> memref<800xi32, #tpu.memory_space<hbm>>
    %dma_start3A_61 = tpu.memref_slice %arg12[%dma_start3A_56] : memref<2x!tpu.dma_semaphore, #tpu.memory_space<semaphore_mem>> -> memref<1x!tpu.dma_semaphore, #tpu.memory_space<semaphore_mem>>
    %dma_start3A_62 = tpu.memref_squeeze %dma_start3A_61 : memref<1x!tpu.dma_semaphore, #tpu.memory_space<semaphore_mem>> -> memref<!tpu.dma_semaphore, #tpu.memory_space<semaphore_mem>>
    %dma_start3A_63 = arith.constant 0 : i32
    %dma_start3A_64 = tpu.memref_slice %arg8[%dma_start3A_55, %dma_start3A_63] : memref<2x800xi32, #tpu.memory_space<vmem>> -> memref<1x800xi32, #tpu.memory_space<vmem>>
    %dma_start3A_65 = tpu.memref_squeeze %dma_start3A_64 : memref<1x800xi32, #tpu.memory_space<vmem>> -> memref<800xi32, #tpu.memory_space<vmem>>
    %dma_start3A_66 = tpu.memref_slice %arg3[%add3A_54] : memref<1600000xi32, #tpu.memory_space<hbm>> -> memref<800xi32, #tpu.memory_space<hbm>>
    tpu.enqueue_dma source(%dma_start3A_66 : memref<800xi32, #tpu.memory_space<hbm>>) target(%dma_start3A_65 : memref<800xi32, #tpu.memory_space<vmem>>) target_semaphore(%dma_start3A_62 : memref<!tpu.dma_semaphore, #tpu.memory_space<semaphore_mem>>)
    %mul3A_67 = arith.constant 100000 : i32
    %mul3A_68 = arith.muli %arg1, %mul3A_67 : i32
    %min3A_69 = arith.constant 0 : i32
    %min3A_70 = arith.constant 124 : i32
    %min3A_71 = arith.minsi %min3A_69, %min3A_70 : i32
    %mul3A_72 = arith.constant 800 : i32
    %mul3A_73 = arith.muli %min3A_71, %mul3A_72 : i32
    %add3A_74 = arith.addi %mul3A_68, %mul3A_73 : i32
    %dma_wait3A = arith.constant 0 : i32
    %dma_wait3A_75 = arith.constant 0 : i32
    %dma_wait3A_76 = arith.constant 0 : i32
    %dma_wait3A_77 = tpu.memref_slice %arg8[%dma_wait3A, %dma_wait3A_76] : memref<2x800xi32, #tpu.memory_space<vmem>> -> memref<1x800xi32, #tpu.memory_space<vmem>>
    %dma_wait3A_78 = tpu.memref_squeeze %dma_wait3A_77 : memref<1x800xi32, #tpu.memory_space<vmem>> -> memref<800xi32, #tpu.memory_space<vmem>>
    %dma_wait3A_79 = tpu.memref_slice %arg3[%add3A_74] : memref<1600000xi32, #tpu.memory_space<hbm>> -> memref<800xi32, #tpu.memory_space<hbm>>
    %dma_wait3A_80 = tpu.memref_slice %arg12[%dma_wait3A_75] : memref<2x!tpu.dma_semaphore, #tpu.memory_space<semaphore_mem>> -> memref<1x!tpu.dma_semaphore, #tpu.memory_space<semaphore_mem>>
    %dma_wait3A_81 = tpu.memref_squeeze %dma_wait3A_80 : memref<1x!tpu.dma_semaphore, #tpu.memory_space<semaphore_mem>> -> memref<!tpu.dma_semaphore, #tpu.memory_space<semaphore_mem>>
    %dma_wait3A_82 = arith.constant 0 : i32
    %dma_wait3A_83 = tpu.memref_slice %arg8[%dma_wait3A, %dma_wait3A_82] : memref<2x800xi32, #tpu.memory_space<vmem>> -> memref<1x800xi32, #tpu.memory_space<vmem>>
    %dma_wait3A_84 = tpu.memref_squeeze %dma_wait3A_83 : memref<1x800xi32, #tpu.memory_space<vmem>> -> memref<800xi32, #tpu.memory_space<vmem>>
    %dma_wait3A_85 = tpu.memref_slice %arg3[%add3A_74] : memref<1600000xi32, #tpu.memory_space<hbm>> -> memref<800xi32, #tpu.memory_space<hbm>>
    tpu.wait_dma2 semaphore(%dma_wait3A_81 : memref<!tpu.dma_semaphore, #tpu.memory_space<semaphore_mem>>) src(%dma_wait3A_85 : memref<800xi32, #tpu.memory_space<hbm>>) dst(%dma_wait3A_84 : memref<800xi32, #tpu.memory_space<vmem>>)
    %mul3A_86 = arith.constant 100000 : i32
    %mul3A_87 = arith.muli %arg1, %mul3A_86 : i32
    %min3A_88 = arith.constant 0 : i32
    %min3A_89 = arith.constant 124 : i32
    %min3A_90 = arith.minsi %min3A_88, %min3A_89 : i32
    %mul3A_91 = arith.constant 800 : i32
    %mul3A_92 = arith.muli %min3A_90, %mul3A_91 : i32
    %add3A_93 = arith.addi %mul3A_87, %mul3A_92 : i32
    %dma_wait3A_94 = arith.constant 0 : i32
    %dma_wait3A_95 = arith.constant 0 : i32
    %dma_wait3A_96 = arith.constant 0 : i32
    %dma_wait3A_97 = tpu.memref_slice %arg7[%dma_wait3A_94, %dma_wait3A_96] : memref<2x800xi32, #tpu.memory_space<vmem>> -> memref<1x800xi32, #tpu.memory_space<vmem>>
    %dma_wait3A_98 = tpu.memref_squeeze %dma_wait3A_97 : memref<1x800xi32, #tpu.memory_space<vmem>> -> memref<800xi32, #tpu.memory_space<vmem>>
    %dma_wait3A_99 = tpu.memref_slice %arg2[%add3A_4, %add3A_93] : memref<2x1600000xi32, #tpu.memory_space<hbm>> -> memref<1x800xi32, #tpu.memory_space<hbm>>
    %dma_wait3A_100 = tpu.memref_squeeze %dma_wait3A_99 : memref<1x800xi32, #tpu.memory_space<hbm>> -> memref<800xi32, #tpu.memory_space<hbm>>
    %dma_wait3A_101 = tpu.memref_slice %arg11[%dma_wait3A_95] : memref<2x!tpu.dma_semaphore, #tpu.memory_space<semaphore_mem>> -> memref<1x!tpu.dma_semaphore, #tpu.memory_space<semaphore_mem>>
    %dma_wait3A_102 = tpu.memref_squeeze %dma_wait3A_101 : memref<1x!tpu.dma_semaphore, #tpu.memory_space<semaphore_mem>> -> memref<!tpu.dma_semaphore, #tpu.memory_space<semaphore_mem>>
    %dma_wait3A_103 = arith.constant 0 : i32
    %dma_wait3A_104 = tpu.memref_slice %arg7[%dma_wait3A_94, %dma_wait3A_103] : memref<2x800xi32, #tpu.memory_space<vmem>> -> memref<1x800xi32, #tpu.memory_space<vmem>>
    %dma_wait3A_105 = tpu.memref_squeeze %dma_wait3A_104 : memref<1x800xi32, #tpu.memory_space<vmem>> -> memref<800xi32, #tpu.memory_space<vmem>>
    %dma_wait3A_106 = tpu.memref_slice %arg2[%add3A_4, %add3A_93] : memref<2x1600000xi32, #tpu.memory_space<hbm>> -> memref<1x800xi32, #tpu.memory_space<hbm>>
    %dma_wait3A_107 = tpu.memref_squeeze %dma_wait3A_106 : memref<1x800xi32, #tpu.memory_space<hbm>> -> memref<800xi32, #tpu.memory_space<hbm>>
    tpu.wait_dma2 semaphore(%dma_wait3A_102 : memref<!tpu.dma_semaphore, #tpu.memory_space<semaphore_mem>>) src(%dma_wait3A_107 : memref<800xi32, #tpu.memory_space<hbm>>) dst(%dma_wait3A_105 : memref<800xi32, #tpu.memory_space<vmem>>)
    %dma_start3A_108 = arith.constant 0 : i32
    %dma_start3A_109 = arith.constant 0 : i32
    %dma_start3A_110 = arith.constant 0 : i32
    %dma_start3A_111 = arith.constant 0 : i32
    %dma_start3A_112 = arith.constant 0 : i32
    %dma_start3A_113 = tpu.memref_slice %arg9[%dma_start3A_109, %dma_start3A_111, %dma_start3A_112] : memref<2x800x16xf32, #tpu.memory_space<vmem>> -> memref<1x800x16xf32, #tpu.memory_space<vmem>>
    %dma_start3A_114 = tpu.memref_squeeze %dma_start3A_113 : memref<1x800x16xf32, #tpu.memory_space<vmem>> -> memref<800x16xf32, #tpu.memory_space<vmem>>
    %dma_start3A_115 = arith.constant 0 : i32
    %dma_start3A_116 = tpu.memref_slice %arg7[%dma_start3A_108, %dma_start3A_115] : memref<2x800xi32, #tpu.memory_space<vmem>> -> memref<1x800xi32, #tpu.memory_space<vmem>>
    %dma_start3A_117 = tpu.memref_squeeze %dma_start3A_116 : memref<1x800xi32, #tpu.memory_space<vmem>> -> memref<800xi32, #tpu.memory_space<vmem>>
    %dma_start3A_118 = arith.constant 0 : i32
    %dma_start3A_119 = arith.constant 0 : i32
    %dma_start3A_120 = tpu.memref_slice %arg5[%dma_start3A_118, %dma_start3A_119] : memref<200704x16xf32, #tpu.memory_space<hbm>> -> memref<200704x16xf32, #tpu.memory_space<hbm>>
    %dma_start3A_121 = tpu.memref_slice %arg13[%dma_start3A_110] : memref<2x!tpu.dma_semaphore, #tpu.memory_space<semaphore_mem>> -> memref<1x!tpu.dma_semaphore, #tpu.memory_space<semaphore_mem>>
    %dma_start3A_122 = tpu.memref_squeeze %dma_start3A_121 : memref<1x!tpu.dma_semaphore, #tpu.memory_space<semaphore_mem>> -> memref<!tpu.dma_semaphore, #tpu.memory_space<semaphore_mem>>
    tpu.enqueue_indirect_dma source(%dma_start3A_120 : memref<200704x16xf32, #tpu.memory_space<hbm>>) target(%dma_start3A_114 : memref<800x16xf32, #tpu.memory_space<vmem>>) offsets(%dma_start3A_117 : memref<800xi32, #tpu.memory_space<vmem>>) semaphore(%dma_start3A_122 : memref<!tpu.dma_semaphore, #tpu.memory_space<semaphore_mem>>)
    %scan3A_123 = arith.constant 0 : i32
    %scan3A_124 = arith.constant 62 : i32
    %scan3A_125 = arith.addi %scan3A_123, %scan3A_124 : i32
    %scan3A_126 = arith.constant 1 : i32
    scf.for %scan3A_194 = %scan3A_123 to %scan3A_125 step %scan3A_126  : i32 {
      %mul3A_195 = arith.constant 1 : i32
      %mul3A_196 = arith.muli %scan3A_194, %mul3A_195 : i32
      %add3A_197 = arith.constant 0 : i32
      %add3A_198 = arith.addi %add3A_197, %mul3A_196 : i32
      %mul3A_199 = arith.constant 2 : i32
      %mul3A_200 = arith.muli %mul3A_199, %add3A_198 : i32
      %add3A_201 = arith.constant 1 : i32
      %add3A_202 = arith.addi %mul3A_200, %add3A_201 : i32
      %mul3A_203 = arith.constant 100000 : i32
      %mul3A_204 = arith.muli %arg1, %mul3A_203 : i32
      %min3A_205 = arith.constant 124 : i32
      %min3A_206 = arith.minsi %add3A_202, %min3A_205 : i32
      %mul3A_207 = arith.constant 800 : i32
      %mul3A_208 = arith.muli %min3A_206, %mul3A_207 : i32
      %add3A_209 = arith.addi %mul3A_204, %mul3A_208 : i32
      %dma_start3A_210 = arith.constant 1 : i32
      %dma_start3A_211 = arith.constant 1 : i32
      %dma_start3A_212 = arith.constant 0 : i32
      %dma_start3A_213 = tpu.memref_slice %arg7[%dma_start3A_210, %dma_start3A_212] : memref<2x800xi32, #tpu.memory_space<vmem>> -> memref<1x800xi32, #tpu.memory_space<vmem>>
      %dma_start3A_214 = tpu.memref_squeeze %dma_start3A_213 : memref<1x800xi32, #tpu.memory_space<vmem>> -> memref<800xi32, #tpu.memory_space<vmem>>
      %dma_start3A_215 = tpu.memref_slice %arg2[%add3A_4, %add3A_209] : memref<2x1600000xi32, #tpu.memory_space<hbm>> -> memref<1x800xi32, #tpu.memory_space<hbm>>
      %dma_start3A_216 = tpu.memref_squeeze %dma_start3A_215 : memref<1x800xi32, #tpu.memory_space<hbm>> -> memref<800xi32, #tpu.memory_space<hbm>>
      %dma_start3A_217 = tpu.memref_slice %arg11[%dma_start3A_211] : memref<2x!tpu.dma_semaphore, #tpu.memory_space<semaphore_mem>> -> memref<1x!tpu.dma_semaphore, #tpu.memory_space<semaphore_mem>>
      %dma_start3A_218 = tpu.memref_squeeze %dma_start3A_217 : memref<1x!tpu.dma_semaphore, #tpu.memory_space<semaphore_mem>> -> memref<!tpu.dma_semaphore, #tpu.memory_space<semaphore_mem>>
      %dma_start3A_219 = arith.constant 0 : i32
      %dma_start3A_220 = tpu.memref_slice %arg7[%dma_start3A_210, %dma_start3A_219] : memref<2x800xi32, #tpu.memory_space<vmem>> -> memref<1x800xi32, #tpu.memory_space<vmem>>
      %dma_start3A_221 = tpu.memref_squeeze %dma_start3A_220 : memref<1x800xi32, #tpu.memory_space<vmem>> -> memref<800xi32, #tpu.memory_space<vmem>>
      %dma_start3A_222 = tpu.memref_slice %arg2[%add3A_4, %add3A_209] : memref<2x1600000xi32, #tpu.memory_space<hbm>> -> memref<1x800xi32, #tpu.memory_space<hbm>>
      %dma_start3A_223 = tpu.memref_squeeze %dma_start3A_222 : memref<1x800xi32, #tpu.memory_space<hbm>> -> memref<800xi32, #tpu.memory_space<hbm>>
      tpu.enqueue_dma source(%dma_start3A_223 : memref<800xi32, #tpu.memory_space<hbm>>) target(%dma_start3A_221 : memref<800xi32, #tpu.memory_space<vmem>>) target_semaphore(%dma_start3A_218 : memref<!tpu.dma_semaphore, #tpu.memory_space<semaphore_mem>>)
      %dma_wait3A_224 = arith.constant 0 : i32
      %dma_wait3A_225 = arith.constant 0 : i32
      %dma_wait3A_226 = arith.constant 0 : i32
      %dma_wait3A_227 = arith.constant 0 : i32
      %dma_wait3A_228 = arith.constant 0 : i32
      %dma_wait3A_229 = tpu.memref_slice %arg9[%dma_wait3A_225, %dma_wait3A_227, %dma_wait3A_228] : memref<2x800x16xf32, #tpu.memory_space<vmem>> -> memref<1x800x16xf32, #tpu.memory_space<vmem>>
      %dma_wait3A_230 = tpu.memref_squeeze %dma_wait3A_229 : memref<1x800x16xf32, #tpu.memory_space<vmem>> -> memref<800x16xf32, #tpu.memory_space<vmem>>
      %dma_wait3A_231 = arith.constant 0 : i32
      %dma_wait3A_232 = tpu.memref_slice %arg7[%dma_wait3A_224, %dma_wait3A_231] : memref<2x800xi32, #tpu.memory_space<vmem>> -> memref<1x800xi32, #tpu.memory_space<vmem>>
      %dma_wait3A_233 = tpu.memref_squeeze %dma_wait3A_232 : memref<1x800xi32, #tpu.memory_space<vmem>> -> memref<800xi32, #tpu.memory_space<vmem>>
      %dma_wait3A_234 = arith.constant 0 : i32
      %dma_wait3A_235 = arith.constant 0 : i32
      %dma_wait3A_236 = tpu.memref_slice %arg5[%dma_wait3A_234, %dma_wait3A_235] : memref<200704x16xf32, #tpu.memory_space<hbm>> -> memref<200704x16xf32, #tpu.memory_space<hbm>>
      %dma_wait3A_237 = tpu.memref_slice %arg13[%dma_wait3A_226] : memref<2x!tpu.dma_semaphore, #tpu.memory_space<semaphore_mem>> -> memref<1x!tpu.dma_semaphore, #tpu.memory_space<semaphore_mem>>
      %dma_wait3A_238 = tpu.memref_squeeze %dma_wait3A_237 : memref<1x!tpu.dma_semaphore, #tpu.memory_space<semaphore_mem>> -> memref<!tpu.dma_semaphore, #tpu.memory_space<semaphore_mem>>
      tpu.wait_indirect_dma semaphore(%dma_wait3A_238 : memref<!tpu.dma_semaphore, #tpu.memory_space<semaphore_mem>>) src(%dma_wait3A_236 : memref<200704x16xf32, #tpu.memory_space<hbm>>) dst(%dma_wait3A_230 : memref<800x16xf32, #tpu.memory_space<vmem>>)
      %dma_start3A_239 = arith.constant 0 : i32
      %dma_start3A_240 = arith.constant 0 : i32
      %dma_start3A_241 = arith.constant 0 : i32
      %dma_start3A_242 = arith.constant 0 : i32
      %dma_start3A_243 = arith.constant 0 : i32
      %dma_start3A_244 = tpu.memref_slice %arg9[%dma_start3A_239, %dma_start3A_242, %dma_start3A_243] : memref<2x800x16xf32, #tpu.memory_space<vmem>> -> memref<1x800x16xf32, #tpu.memory_space<vmem>>
      %dma_start3A_245 = tpu.memref_squeeze %dma_start3A_244 : memref<1x800x16xf32, #tpu.memory_space<vmem>> -> memref<800x16xf32, #tpu.memory_space<vmem>>
      %dma_start3A_246 = arith.constant 0 : i32
      %dma_start3A_247 = tpu.memref_slice %arg8[%dma_start3A_240, %dma_start3A_246] : memref<2x800xi32, #tpu.memory_space<vmem>> -> memref<1x800xi32, #tpu.memory_space<vmem>>
      %dma_start3A_248 = tpu.memref_squeeze %dma_start3A_247 : memref<1x800xi32, #tpu.memory_space<vmem>> -> memref<800xi32, #tpu.memory_space<vmem>>
      %dma_start3A_249 = arith.constant 0 : i32
      %dma_start3A_250 = arith.constant 0 : i32
      %dma_start3A_251 = tpu.memref_slice %arg10[%dma_start3A_249, %dma_start3A_250] : memref<100352x16xf32, #tpu.memory_space<vmem_shared>> -> memref<100352x16xf32, #tpu.memory_space<vmem_shared>>
      %dma_start3A_252 = tpu.memref_slice %arg14[%dma_start3A_241] : memref<2x!tpu.dma_semaphore, #tpu.memory_space<semaphore_mem>> -> memref<1x!tpu.dma_semaphore, #tpu.memory_space<semaphore_mem>>
      %dma_start3A_253 = tpu.memref_squeeze %dma_start3A_252 : memref<1x!tpu.dma_semaphore, #tpu.memory_space<semaphore_mem>> -> memref<!tpu.dma_semaphore, #tpu.memory_space<semaphore_mem>>
      tpu.enqueue_indirect_dma source(%dma_start3A_245 : memref<800x16xf32, #tpu.memory_space<vmem>>) target(%dma_start3A_251 : memref<100352x16xf32, #tpu.memory_space<vmem_shared>>) offsets(%dma_start3A_248 : memref<800xi32, #tpu.memory_space<vmem>>) semaphore(%dma_start3A_253 : memref<!tpu.dma_semaphore, #tpu.memory_space<semaphore_mem>>) {add = true}
      %dma_wait3A_254 = arith.constant 1 : i32
      %dma_wait3A_255 = arith.constant 1 : i32
      %dma_wait3A_256 = arith.constant 1 : i32
      %dma_wait3A_257 = arith.constant 0 : i32
      %dma_wait3A_258 = arith.constant 0 : i32
      %dma_wait3A_259 = tpu.memref_slice %arg9[%dma_wait3A_254, %dma_wait3A_257, %dma_wait3A_258] : memref<2x800x16xf32, #tpu.memory_space<vmem>> -> memref<1x800x16xf32, #tpu.memory_space<vmem>>
      %dma_wait3A_260 = tpu.memref_squeeze %dma_wait3A_259 : memref<1x800x16xf32, #tpu.memory_space<vmem>> -> memref<800x16xf32, #tpu.memory_space<vmem>>
      %dma_wait3A_261 = arith.constant 0 : i32
      %dma_wait3A_262 = tpu.memref_slice %arg8[%dma_wait3A_255, %dma_wait3A_261] : memref<2x800xi32, #tpu.memory_space<vmem>> -> memref<1x800xi32, #tpu.memory_space<vmem>>
      %dma_wait3A_263 = tpu.memref_squeeze %dma_wait3A_262 : memref<1x800xi32, #tpu.memory_space<vmem>> -> memref<800xi32, #tpu.memory_space<vmem>>
      %dma_wait3A_264 = arith.constant 0 : i32
      %dma_wait3A_265 = arith.constant 0 : i32
      %dma_wait3A_266 = tpu.memref_slice %arg10[%dma_wait3A_264, %dma_wait3A_265] : memref<100352x16xf32, #tpu.memory_space<vmem_shared>> -> memref<100352x16xf32, #tpu.memory_space<vmem_shared>>
      %dma_wait3A_267 = tpu.memref_slice %arg14[%dma_wait3A_256] : memref<2x!tpu.dma_semaphore, #tpu.memory_space<semaphore_mem>> -> memref<1x!tpu.dma_semaphore, #tpu.memory_space<semaphore_mem>>
      %dma_wait3A_268 = tpu.memref_squeeze %dma_wait3A_267 : memref<1x!tpu.dma_semaphore, #tpu.memory_space<semaphore_mem>> -> memref<!tpu.dma_semaphore, #tpu.memory_space<semaphore_mem>>
      tpu.wait_indirect_dma semaphore(%dma_wait3A_268 : memref<!tpu.dma_semaphore, #tpu.memory_space<semaphore_mem>>) src(%dma_wait3A_260 : memref<800x16xf32, #tpu.memory_space<vmem>>) dst(%dma_wait3A_266 : memref<100352x16xf32, #tpu.memory_space<vmem_shared>>)
      %add3A_269 = arith.constant 1 : i32
      %add3A_270 = arith.addi %mul3A_200, %add3A_269 : i32
      %mul3A_271 = arith.constant 100000 : i32
      %mul3A_272 = arith.muli %arg1, %mul3A_271 : i32
      %min3A_273 = arith.constant 124 : i32
      %min3A_274 = arith.minsi %add3A_270, %min3A_273 : i32
      %mul3A_275 = arith.constant 800 : i32
      %mul3A_276 = arith.muli %min3A_274, %mul3A_275 : i32
      %add3A_277 = arith.addi %mul3A_272, %mul3A_276 : i32
      %dma_start3A_278 = arith.constant 1 : i32
      %dma_start3A_279 = arith.constant 1 : i32
      %dma_start3A_280 = arith.constant 0 : i32
      %dma_start3A_281 = tpu.memref_slice %arg8[%dma_start3A_278, %dma_start3A_280] : memref<2x800xi32, #tpu.memory_space<vmem>> -> memref<1x800xi32, #tpu.memory_space<vmem>>
      %dma_start3A_282 = tpu.memref_squeeze %dma_start3A_281 : memref<1x800xi32, #tpu.memory_space<vmem>> -> memref<800xi32, #tpu.memory_space<vmem>>
      %dma_start3A_283 = tpu.memref_slice %arg3[%add3A_277] : memref<1600000xi32, #tpu.memory_space<hbm>> -> memref<800xi32, #tpu.memory_space<hbm>>
      %dma_start3A_284 = tpu.memref_slice %arg12[%dma_start3A_279] : memref<2x!tpu.dma_semaphore, #tpu.memory_space<semaphore_mem>> -> memref<1x!tpu.dma_semaphore, #tpu.memory_space<semaphore_mem>>
      %dma_start3A_285 = tpu.memref_squeeze %dma_start3A_284 : memref<1x!tpu.dma_semaphore, #tpu.memory_space<semaphore_mem>> -> memref<!tpu.dma_semaphore, #tpu.memory_space<semaphore_mem>>
      %dma_start3A_286 = arith.constant 0 : i32
      %dma_start3A_287 = tpu.memref_slice %arg8[%dma_start3A_278, %dma_start3A_286] : memref<2x800xi32, #tpu.memory_space<vmem>> -> memref<1x800xi32, #tpu.memory_space<vmem>>
      %dma_start3A_288 = tpu.memref_squeeze %dma_start3A_287 : memref<1x800xi32, #tpu.memory_space<vmem>> -> memref<800xi32, #tpu.memory_space<vmem>>
      %dma_start3A_289 = tpu.memref_slice %arg3[%add3A_277] : memref<1600000xi32, #tpu.memory_space<hbm>> -> memref<800xi32, #tpu.memory_space<hbm>>
      tpu.enqueue_dma source(%dma_start3A_289 : memref<800xi32, #tpu.memory_space<hbm>>) target(%dma_start3A_288 : memref<800xi32, #tpu.memory_space<vmem>>) target_semaphore(%dma_start3A_285 : memref<!tpu.dma_semaphore, #tpu.memory_space<semaphore_mem>>)
      %mul3A_290 = arith.constant 100000 : i32
      %mul3A_291 = arith.muli %arg1, %mul3A_290 : i32
      %min3A_292 = arith.constant 124 : i32
      %min3A_293 = arith.minsi %add3A_270, %min3A_292 : i32
      %mul3A_294 = arith.constant 800 : i32
      %mul3A_295 = arith.muli %min3A_293, %mul3A_294 : i32
      %add3A_296 = arith.addi %mul3A_291, %mul3A_295 : i32
      %dma_wait3A_297 = arith.constant 1 : i32
      %dma_wait3A_298 = arith.constant 1 : i32
      %dma_wait3A_299 = arith.constant 0 : i32
      %dma_wait3A_300 = tpu.memref_slice %arg8[%dma_wait3A_297, %dma_wait3A_299] : memref<2x800xi32, #tpu.memory_space<vmem>> -> memref<1x800xi32, #tpu.memory_space<vmem>>
      %dma_wait3A_301 = tpu.memref_squeeze %dma_wait3A_300 : memref<1x800xi32, #tpu.memory_space<vmem>> -> memref<800xi32, #tpu.memory_space<vmem>>
      %dma_wait3A_302 = tpu.memref_slice %arg3[%add3A_296] : memref<1600000xi32, #tpu.memory_space<hbm>> -> memref<800xi32, #tpu.memory_space<hbm>>
      %dma_wait3A_303 = tpu.memref_slice %arg12[%dma_wait3A_298] : memref<2x!tpu.dma_semaphore, #tpu.memory_space<semaphore_mem>> -> memref<1x!tpu.dma_semaphore, #tpu.memory_space<semaphore_mem>>
      %dma_wait3A_304 = tpu.memref_squeeze %dma_wait3A_303 : memref<1x!tpu.dma_semaphore, #tpu.memory_space<semaphore_mem>> -> memref<!tpu.dma_semaphore, #tpu.memory_space<semaphore_mem>>
      %dma_wait3A_305 = arith.constant 0 : i32
      %dma_wait3A_306 = tpu.memref_slice %arg8[%dma_wait3A_297, %dma_wait3A_305] : memref<2x800xi32, #tpu.memory_space<vmem>> -> memref<1x800xi32, #tpu.memory_space<vmem>>
      %dma_wait3A_307 = tpu.memref_squeeze %dma_wait3A_306 : memref<1x800xi32, #tpu.memory_space<vmem>> -> memref<800xi32, #tpu.memory_space<vmem>>
      %dma_wait3A_308 = tpu.memref_slice %arg3[%add3A_296] : memref<1600000xi32, #tpu.memory_space<hbm>> -> memref<800xi32, #tpu.memory_space<hbm>>
      tpu.wait_dma2 semaphore(%dma_wait3A_304 : memref<!tpu.dma_semaphore, #tpu.memory_space<semaphore_mem>>) src(%dma_wait3A_308 : memref<800xi32, #tpu.memory_space<hbm>>) dst(%dma_wait3A_307 : memref<800xi32, #tpu.memory_space<vmem>>)
      %add3A_309 = arith.constant 1 : i32
      %add3A_310 = arith.addi %mul3A_200, %add3A_309 : i32
      %mul3A_311 = arith.constant 100000 : i32
      %mul3A_312 = arith.muli %arg1, %mul3A_311 : i32
      %min3A_313 = arith.constant 124 : i32
      %min3A_314 = arith.minsi %add3A_310, %min3A_313 : i32
      %mul3A_315 = arith.constant 800 : i32
      %mul3A_316 = arith.muli %min3A_314, %mul3A_315 : i32
      %add3A_317 = arith.addi %mul3A_312, %mul3A_316 : i32
      %dma_wait3A_318 = arith.constant 1 : i32
      %dma_wait3A_319 = arith.constant 1 : i32
      %dma_wait3A_320 = arith.constant 0 : i32
      %dma_wait3A_321 = tpu.memref_slice %arg7[%dma_wait3A_318, %dma_wait3A_320] : memref<2x800xi32, #tpu.memory_space<vmem>> -> memref<1x800xi32, #tpu.memory_space<vmem>>
      %dma_wait3A_322 = tpu.memref_squeeze %dma_wait3A_321 : memref<1x800xi32, #tpu.memory_space<vmem>> -> memref<800xi32, #tpu.memory_space<vmem>>
      %dma_wait3A_323 = tpu.memref_slice %arg2[%add3A_4, %add3A_317] : memref<2x1600000xi32, #tpu.memory_space<hbm>> -> memref<1x800xi32, #tpu.memory_space<hbm>>
      %dma_wait3A_324 = tpu.memref_squeeze %dma_wait3A_323 : memref<1x800xi32, #tpu.memory_space<hbm>> -> memref<800xi32, #tpu.memory_space<hbm>>
      %dma_wait3A_325 = tpu.memref_slice %arg11[%dma_wait3A_319] : memref<2x!tpu.dma_semaphore, #tpu.memory_space<semaphore_mem>> -> memref<1x!tpu.dma_semaphore, #tpu.memory_space<semaphore_mem>>
      %dma_wait3A_326 = tpu.memref_squeeze %dma_wait3A_325 : memref<1x!tpu.dma_semaphore, #tpu.memory_space<semaphore_mem>> -> memref<!tpu.dma_semaphore, #tpu.memory_space<semaphore_mem>>
      %dma_wait3A_327 = arith.constant 0 : i32
      %dma_wait3A_328 = tpu.memref_slice %arg7[%dma_wait3A_318, %dma_wait3A_327] : memref<2x800xi32, #tpu.memory_space<vmem>> -> memref<1x800xi32, #tpu.memory_space<vmem>>
      %dma_wait3A_329 = tpu.memref_squeeze %dma_wait3A_328 : memref<1x800xi32, #tpu.memory_space<vmem>> -> memref<800xi32, #tpu.memory_space<vmem>>
      %dma_wait3A_330 = tpu.memref_slice %arg2[%add3A_4, %add3A_317] : memref<2x1600000xi32, #tpu.memory_space<hbm>> -> memref<1x800xi32, #tpu.memory_space<hbm>>
      %dma_wait3A_331 = tpu.memref_squeeze %dma_wait3A_330 : memref<1x800xi32, #tpu.memory_space<hbm>> -> memref<800xi32, #tpu.memory_space<hbm>>
      tpu.wait_dma2 semaphore(%dma_wait3A_326 : memref<!tpu.dma_semaphore, #tpu.memory_space<semaphore_mem>>) src(%dma_wait3A_331 : memref<800xi32, #tpu.memory_space<hbm>>) dst(%dma_wait3A_329 : memref<800xi32, #tpu.memory_space<vmem>>)
      %dma_start3A_332 = arith.constant 1 : i32
      %dma_start3A_333 = arith.constant 1 : i32
      %dma_start3A_334 = arith.constant 1 : i32
      %dma_start3A_335 = arith.constant 0 : i32
      %dma_start3A_336 = arith.constant 0 : i32
      %dma_start3A_337 = tpu.memref_slice %arg9[%dma_start3A_333, %dma_start3A_335, %dma_start3A_336] : memref<2x800x16xf32, #tpu.memory_space<vmem>> -> memref<1x800x16xf32, #tpu.memory_space<vmem>>
      %dma_start3A_338 = tpu.memref_squeeze %dma_start3A_337 : memref<1x800x16xf32, #tpu.memory_space<vmem>> -> memref<800x16xf32, #tpu.memory_space<vmem>>
      %dma_start3A_339 = arith.constant 0 : i32
      %dma_start3A_340 = tpu.memref_slice %arg7[%dma_start3A_332, %dma_start3A_339] : memref<2x800xi32, #tpu.memory_space<vmem>> -> memref<1x800xi32, #tpu.memory_space<vmem>>
      %dma_start3A_341 = tpu.memref_squeeze %dma_start3A_340 : memref<1x800xi32, #tpu.memory_space<vmem>> -> memref<800xi32, #tpu.memory_space<vmem>>
      %dma_start3A_342 = arith.constant 0 : i32
      %dma_start3A_343 = arith.constant 0 : i32
      %dma_start3A_344 = tpu.memref_slice %arg5[%dma_start3A_342, %dma_start3A_343] : memref<200704x16xf32, #tpu.memory_space<hbm>> -> memref<200704x16xf32, #tpu.memory_space<hbm>>
      %dma_start3A_345 = tpu.memref_slice %arg13[%dma_start3A_334] : memref<2x!tpu.dma_semaphore, #tpu.memory_space<semaphore_mem>> -> memref<1x!tpu.dma_semaphore, #tpu.memory_space<semaphore_mem>>
      %dma_start3A_346 = tpu.memref_squeeze %dma_start3A_345 : memref<1x!tpu.dma_semaphore, #tpu.memory_space<semaphore_mem>> -> memref<!tpu.dma_semaphore, #tpu.memory_space<semaphore_mem>>
      tpu.enqueue_indirect_dma source(%dma_start3A_344 : memref<200704x16xf32, #tpu.memory_space<hbm>>) target(%dma_start3A_338 : memref<800x16xf32, #tpu.memory_space<vmem>>) offsets(%dma_start3A_341 : memref<800xi32, #tpu.memory_space<vmem>>) semaphore(%dma_start3A_346 : memref<!tpu.dma_semaphore, #tpu.memory_space<semaphore_mem>>)
      %add3A_347 = arith.constant 2 : i32
      %add3A_348 = arith.addi %mul3A_200, %add3A_347 : i32
      %mul3A_349 = arith.constant 100000 : i32
      %mul3A_350 = arith.muli %arg1, %mul3A_349 : i32
      %min3A_351 = arith.constant 124 : i32
      %min3A_352 = arith.minsi %add3A_348, %min3A_351 : i32
      %mul3A_353 = arith.constant 800 : i32
      %mul3A_354 = arith.muli %min3A_352, %mul3A_353 : i32
      %add3A_355 = arith.addi %mul3A_350, %mul3A_354 : i32
      %dma_start3A_356 = arith.constant 0 : i32
      %dma_start3A_357 = arith.constant 0 : i32
      %dma_start3A_358 = arith.constant 0 : i32
      %dma_start3A_359 = tpu.memref_slice %arg7[%dma_start3A_356, %dma_start3A_358] : memref<2x800xi32, #tpu.memory_space<vmem>> -> memref<1x800xi32, #tpu.memory_space<vmem>>
      %dma_start3A_360 = tpu.memref_squeeze %dma_start3A_359 : memref<1x800xi32, #tpu.memory_space<vmem>> -> memref<800xi32, #tpu.memory_space<vmem>>
      %dma_start3A_361 = tpu.memref_slice %arg2[%add3A_4, %add3A_355] : memref<2x1600000xi32, #tpu.memory_space<hbm>> -> memref<1x800xi32, #tpu.memory_space<hbm>>
      %dma_start3A_362 = tpu.memref_squeeze %dma_start3A_361 : memref<1x800xi32, #tpu.memory_space<hbm>> -> memref<800xi32, #tpu.memory_space<hbm>>
      %dma_start3A_363 = tpu.memref_slice %arg11[%dma_start3A_357] : memref<2x!tpu.dma_semaphore, #tpu.memory_space<semaphore_mem>> -> memref<1x!tpu.dma_semaphore, #tpu.memory_space<semaphore_mem>>
      %dma_start3A_364 = tpu.memref_squeeze %dma_start3A_363 : memref<1x!tpu.dma_semaphore, #tpu.memory_space<semaphore_mem>> -> memref<!tpu.dma_semaphore, #tpu.memory_space<semaphore_mem>>
      %dma_start3A_365 = arith.constant 0 : i32
      %dma_start3A_366 = tpu.memref_slice %arg7[%dma_start3A_356, %dma_start3A_365] : memref<2x800xi32, #tpu.memory_space<vmem>> -> memref<1x800xi32, #tpu.memory_space<vmem>>
      %dma_start3A_367 = tpu.memref_squeeze %dma_start3A_366 : memref<1x800xi32, #tpu.memory_space<vmem>> -> memref<800xi32, #tpu.memory_space<vmem>>
      %dma_start3A_368 = tpu.memref_slice %arg2[%add3A_4, %add3A_355] : memref<2x1600000xi32, #tpu.memory_space<hbm>> -> memref<1x800xi32, #tpu.memory_space<hbm>>
      %dma_start3A_369 = tpu.memref_squeeze %dma_start3A_368 : memref<1x800xi32, #tpu.memory_space<hbm>> -> memref<800xi32, #tpu.memory_space<hbm>>
      tpu.enqueue_dma source(%dma_start3A_369 : memref<800xi32, #tpu.memory_space<hbm>>) target(%dma_start3A_367 : memref<800xi32, #tpu.memory_space<vmem>>) target_semaphore(%dma_start3A_364 : memref<!tpu.dma_semaphore, #tpu.memory_space<semaphore_mem>>)
      %dma_wait3A_370 = arith.constant 1 : i32
      %dma_wait3A_371 = arith.constant 1 : i32
      %dma_wait3A_372 = arith.constant 1 : i32
      %dma_wait3A_373 = arith.constant 0 : i32
      %dma_wait3A_374 = arith.constant 0 : i32
      %dma_wait3A_375 = tpu.memref_slice %arg9[%dma_wait3A_371, %dma_wait3A_373, %dma_wait3A_374] : memref<2x800x16xf32, #tpu.memory_space<vmem>> -> memref<1x800x16xf32, #tpu.memory_space<vmem>>
      %dma_wait3A_376 = tpu.memref_squeeze %dma_wait3A_375 : memref<1x800x16xf32, #tpu.memory_space<vmem>> -> memref<800x16xf32, #tpu.memory_space<vmem>>
      %dma_wait3A_377 = arith.constant 0 : i32
      %dma_wait3A_378 = tpu.memref_slice %arg7[%dma_wait3A_370, %dma_wait3A_377] : memref<2x800xi32, #tpu.memory_space<vmem>> -> memref<1x800xi32, #tpu.memory_space<vmem>>
      %dma_wait3A_379 = tpu.memref_squeeze %dma_wait3A_378 : memref<1x800xi32, #tpu.memory_space<vmem>> -> memref<800xi32, #tpu.memory_space<vmem>>
      %dma_wait3A_380 = arith.constant 0 : i32
      %dma_wait3A_381 = arith.constant 0 : i32
      %dma_wait3A_382 = tpu.memref_slice %arg5[%dma_wait3A_380, %dma_wait3A_381] : memref<200704x16xf32, #tpu.memory_space<hbm>> -> memref<200704x16xf32, #tpu.memory_space<hbm>>
      %dma_wait3A_383 = tpu.memref_slice %arg13[%dma_wait3A_372] : memref<2x!tpu.dma_semaphore, #tpu.memory_space<semaphore_mem>> -> memref<1x!tpu.dma_semaphore, #tpu.memory_space<semaphore_mem>>
      %dma_wait3A_384 = tpu.memref_squeeze %dma_wait3A_383 : memref<1x!tpu.dma_semaphore, #tpu.memory_space<semaphore_mem>> -> memref<!tpu.dma_semaphore, #tpu.memory_space<semaphore_mem>>
      tpu.wait_indirect_dma semaphore(%dma_wait3A_384 : memref<!tpu.dma_semaphore, #tpu.memory_space<semaphore_mem>>) src(%dma_wait3A_382 : memref<200704x16xf32, #tpu.memory_space<hbm>>) dst(%dma_wait3A_376 : memref<800x16xf32, #tpu.memory_space<vmem>>)
      %dma_start3A_385 = arith.constant 1 : i32
      %dma_start3A_386 = arith.constant 1 : i32
      %dma_start3A_387 = arith.constant 1 : i32
      %dma_start3A_388 = arith.constant 0 : i32
      %dma_start3A_389 = arith.constant 0 : i32
      %dma_start3A_390 = tpu.memref_slice %arg9[%dma_start3A_385, %dma_start3A_388, %dma_start3A_389] : memref<2x800x16xf32, #tpu.memory_space<vmem>> -> memref<1x800x16xf32, #tpu.memory_space<vmem>>
      %dma_start3A_391 = tpu.memref_squeeze %dma_start3A_390 : memref<1x800x16xf32, #tpu.memory_space<vmem>> -> memref<800x16xf32, #tpu.memory_space<vmem>>
      %dma_start3A_392 = arith.constant 0 : i32
      %dma_start3A_393 = tpu.memref_slice %arg8[%dma_start3A_386, %dma_start3A_392] : memref<2x800xi32, #tpu.memory_space<vmem>> -> memref<1x800xi32, #tpu.memory_space<vmem>>
      %dma_start3A_394 = tpu.memref_squeeze %dma_start3A_393 : memref<1x800xi32, #tpu.memory_space<vmem>> -> memref<800xi32, #tpu.memory_space<vmem>>
      %dma_start3A_395 = arith.constant 0 : i32
      %dma_start3A_396 = arith.constant 0 : i32
      %dma_start3A_397 = tpu.memref_slice %arg10[%dma_start3A_395, %dma_start3A_396] : memref<100352x16xf32, #tpu.memory_space<vmem_shared>> -> memref<100352x16xf32, #tpu.memory_space<vmem_shared>>
      %dma_start3A_398 = tpu.memref_slice %arg14[%dma_start3A_387] : memref<2x!tpu.dma_semaphore, #tpu.memory_space<semaphore_mem>> -> memref<1x!tpu.dma_semaphore, #tpu.memory_space<semaphore_mem>>
      %dma_start3A_399 = tpu.memref_squeeze %dma_start3A_398 : memref<1x!tpu.dma_semaphore, #tpu.memory_space<semaphore_mem>> -> memref<!tpu.dma_semaphore, #tpu.memory_space<semaphore_mem>>
      tpu.enqueue_indirect_dma source(%dma_start3A_391 : memref<800x16xf32, #tpu.memory_space<vmem>>) target(%dma_start3A_397 : memref<100352x16xf32, #tpu.memory_space<vmem_shared>>) offsets(%dma_start3A_394 : memref<800xi32, #tpu.memory_space<vmem>>) semaphore(%dma_start3A_399 : memref<!tpu.dma_semaphore, #tpu.memory_space<semaphore_mem>>) {add = true}
      %dma_wait3A_400 = arith.constant 0 : i32
      %dma_wait3A_401 = arith.constant 0 : i32
      %dma_wait3A_402 = arith.constant 0 : i32
      %dma_wait3A_403 = arith.constant 0 : i32
      %dma_wait3A_404 = arith.constant 0 : i32
      %dma_wait3A_405 = tpu.memref_slice %arg9[%dma_wait3A_400, %dma_wait3A_403, %dma_wait3A_404] : memref<2x800x16xf32, #tpu.memory_space<vmem>> -> memref<1x800x16xf32, #tpu.memory_space<vmem>>
      %dma_wait3A_406 = tpu.memref_squeeze %dma_wait3A_405 : memref<1x800x16xf32, #tpu.memory_space<vmem>> -> memref<800x16xf32, #tpu.memory_space<vmem>>
      %dma_wait3A_407 = arith.constant 0 : i32
      %dma_wait3A_408 = tpu.memref_slice %arg8[%dma_wait3A_401, %dma_wait3A_407] : memref<2x800xi32, #tpu.memory_space<vmem>> -> memref<1x800xi32, #tpu.memory_space<vmem>>
      %dma_wait3A_409 = tpu.memref_squeeze %dma_wait3A_408 : memref<1x800xi32, #tpu.memory_space<vmem>> -> memref<800xi32, #tpu.memory_space<vmem>>
      %dma_wait3A_410 = arith.constant 0 : i32
      %dma_wait3A_411 = arith.constant 0 : i32
      %dma_wait3A_412 = tpu.memref_slice %arg10[%dma_wait3A_410, %dma_wait3A_411] : memref<100352x16xf32, #tpu.memory_space<vmem_shared>> -> memref<100352x16xf32, #tpu.memory_space<vmem_shared>>
      %dma_wait3A_413 = tpu.memref_slice %arg14[%dma_wait3A_402] : memref<2x!tpu.dma_semaphore, #tpu.memory_space<semaphore_mem>> -> memref<1x!tpu.dma_semaphore, #tpu.memory_space<semaphore_mem>>
      %dma_wait3A_414 = tpu.memref_squeeze %dma_wait3A_413 : memref<1x!tpu.dma_semaphore, #tpu.memory_space<semaphore_mem>> -> memref<!tpu.dma_semaphore, #tpu.memory_space<semaphore_mem>>
      tpu.wait_indirect_dma semaphore(%dma_wait3A_414 : memref<!tpu.dma_semaphore, #tpu.memory_space<semaphore_mem>>) src(%dma_wait3A_406 : memref<800x16xf32, #tpu.memory_space<vmem>>) dst(%dma_wait3A_412 : memref<100352x16xf32, #tpu.memory_space<vmem_shared>>)
      %add3A_415 = arith.constant 2 : i32
      %add3A_416 = arith.addi %mul3A_200, %add3A_415 : i32
      %mul3A_417 = arith.constant 100000 : i32
      %mul3A_418 = arith.muli %arg1, %mul3A_417 : i32
      %min3A_419 = arith.constant 124 : i32
      %min3A_420 = arith.minsi %add3A_416, %min3A_419 : i32
      %mul3A_421 = arith.constant 800 : i32
      %mul3A_422 = arith.muli %min3A_420, %mul3A_421 : i32
      %add3A_423 = arith.addi %mul3A_418, %mul3A_422 : i32
      %dma_start3A_424 = arith.constant 0 : i32
      %dma_start3A_425 = arith.constant 0 : i32
      %dma_start3A_426 = arith.constant 0 : i32
      %dma_start3A_427 = tpu.memref_slice %arg8[%dma_start3A_424, %dma_start3A_426] : memref<2x800xi32, #tpu.memory_space<vmem>> -> memref<1x800xi32, #tpu.memory_space<vmem>>
      %dma_start3A_428 = tpu.memref_squeeze %dma_start3A_427 : memref<1x800xi32, #tpu.memory_space<vmem>> -> memref<800xi32, #tpu.memory_space<vmem>>
      %dma_start3A_429 = tpu.memref_slice %arg3[%add3A_423] : memref<1600000xi32, #tpu.memory_space<hbm>> -> memref<800xi32, #tpu.memory_space<hbm>>
      %dma_start3A_430 = tpu.memref_slice %arg12[%dma_start3A_425] : memref<2x!tpu.dma_semaphore, #tpu.memory_space<semaphore_mem>> -> memref<1x!tpu.dma_semaphore, #tpu.memory_space<semaphore_mem>>
      %dma_start3A_431 = tpu.memref_squeeze %dma_start3A_430 : memref<1x!tpu.dma_semaphore, #tpu.memory_space<semaphore_mem>> -> memref<!tpu.dma_semaphore, #tpu.memory_space<semaphore_mem>>
      %dma_start3A_432 = arith.constant 0 : i32
      %dma_start3A_433 = tpu.memref_slice %arg8[%dma_start3A_424, %dma_start3A_432] : memref<2x800xi32, #tpu.memory_space<vmem>> -> memref<1x800xi32, #tpu.memory_space<vmem>>
      %dma_start3A_434 = tpu.memref_squeeze %dma_start3A_433 : memref<1x800xi32, #tpu.memory_space<vmem>> -> memref<800xi32, #tpu.memory_space<vmem>>
      %dma_start3A_435 = tpu.memref_slice %arg3[%add3A_423] : memref<1600000xi32, #tpu.memory_space<hbm>> -> memref<800xi32, #tpu.memory_space<hbm>>
      tpu.enqueue_dma source(%dma_start3A_435 : memref<800xi32, #tpu.memory_space<hbm>>) target(%dma_start3A_434 : memref<800xi32, #tpu.memory_space<vmem>>) target_semaphore(%dma_start3A_431 : memref<!tpu.dma_semaphore, #tpu.memory_space<semaphore_mem>>)
      %mul3A_436 = arith.constant 100000 : i32
      %mul3A_437 = arith.muli %arg1, %mul3A_436 : i32
      %min3A_438 = arith.constant 124 : i32
      %min3A_439 = arith.minsi %add3A_416, %min3A_438 : i32
      %mul3A_440 = arith.constant 800 : i32
      %mul3A_441 = arith.muli %min3A_439, %mul3A_440 : i32
      %add3A_442 = arith.addi %mul3A_437, %mul3A_441 : i32
      %dma_wait3A_443 = arith.constant 0 : i32
      %dma_wait3A_444 = arith.constant 0 : i32
      %dma_wait3A_445 = arith.constant 0 : i32
      %dma_wait3A_446 = tpu.memref_slice %arg8[%dma_wait3A_443, %dma_wait3A_445] : memref<2x800xi32, #tpu.memory_space<vmem>> -> memref<1x800xi32, #tpu.memory_space<vmem>>
      %dma_wait3A_447 = tpu.memref_squeeze %dma_wait3A_446 : memref<1x800xi32, #tpu.memory_space<vmem>> -> memref<800xi32, #tpu.memory_space<vmem>>
      %dma_wait3A_448 = tpu.memref_slice %arg3[%add3A_442] : memref<1600000xi32, #tpu.memory_space<hbm>> -> memref<800xi32, #tpu.memory_space<hbm>>
      %dma_wait3A_449 = tpu.memref_slice %arg12[%dma_wait3A_444] : memref<2x!tpu.dma_semaphore, #tpu.memory_space<semaphore_mem>> -> memref<1x!tpu.dma_semaphore, #tpu.memory_space<semaphore_mem>>
      %dma_wait3A_450 = tpu.memref_squeeze %dma_wait3A_449 : memref<1x!tpu.dma_semaphore, #tpu.memory_space<semaphore_mem>> -> memref<!tpu.dma_semaphore, #tpu.memory_space<semaphore_mem>>
      %dma_wait3A_451 = arith.constant 0 : i32
      %dma_wait3A_452 = tpu.memref_slice %arg8[%dma_wait3A_443, %dma_wait3A_451] : memref<2x800xi32, #tpu.memory_space<vmem>> -> memref<1x800xi32, #tpu.memory_space<vmem>>
      %dma_wait3A_453 = tpu.memref_squeeze %dma_wait3A_452 : memref<1x800xi32, #tpu.memory_space<vmem>> -> memref<800xi32, #tpu.memory_space<vmem>>
      %dma_wait3A_454 = tpu.memref_slice %arg3[%add3A_442] : memref<1600000xi32, #tpu.memory_space<hbm>> -> memref<800xi32, #tpu.memory_space<hbm>>
      tpu.wait_dma2 semaphore(%dma_wait3A_450 : memref<!tpu.dma_semaphore, #tpu.memory_space<semaphore_mem>>) src(%dma_wait3A_454 : memref<800xi32, #tpu.memory_space<hbm>>) dst(%dma_wait3A_453 : memref<800xi32, #tpu.memory_space<vmem>>)
      %add3A_455 = arith.constant 2 : i32
      %add3A_456 = arith.addi %mul3A_200, %add3A_455 : i32
      %mul3A_457 = arith.constant 100000 : i32
      %mul3A_458 = arith.muli %arg1, %mul3A_457 : i32
      %min3A_459 = arith.constant 124 : i32
      %min3A_460 = arith.minsi %add3A_456, %min3A_459 : i32
      %mul3A_461 = arith.constant 800 : i32
      %mul3A_462 = arith.muli %min3A_460, %mul3A_461 : i32
      %add3A_463 = arith.addi %mul3A_458, %mul3A_462 : i32
      %dma_wait3A_464 = arith.constant 0 : i32
      %dma_wait3A_465 = arith.constant 0 : i32
      %dma_wait3A_466 = arith.constant 0 : i32
      %dma_wait3A_467 = tpu.memref_slice %arg7[%dma_wait3A_464, %dma_wait3A_466] : memref<2x800xi32, #tpu.memory_space<vmem>> -> memref<1x800xi32, #tpu.memory_space<vmem>>
      %dma_wait3A_468 = tpu.memref_squeeze %dma_wait3A_467 : memref<1x800xi32, #tpu.memory_space<vmem>> -> memref<800xi32, #tpu.memory_space<vmem>>
      %dma_wait3A_469 = tpu.memref_slice %arg2[%add3A_4, %add3A_463] : memref<2x1600000xi32, #tpu.memory_space<hbm>> -> memref<1x800xi32, #tpu.memory_space<hbm>>
      %dma_wait3A_470 = tpu.memref_squeeze %dma_wait3A_469 : memref<1x800xi32, #tpu.memory_space<hbm>> -> memref<800xi32, #tpu.memory_space<hbm>>
      %dma_wait3A_471 = tpu.memref_slice %arg11[%dma_wait3A_465] : memref<2x!tpu.dma_semaphore, #tpu.memory_space<semaphore_mem>> -> memref<1x!tpu.dma_semaphore, #tpu.memory_space<semaphore_mem>>
      %dma_wait3A_472 = tpu.memref_squeeze %dma_wait3A_471 : memref<1x!tpu.dma_semaphore, #tpu.memory_space<semaphore_mem>> -> memref<!tpu.dma_semaphore, #tpu.memory_space<semaphore_mem>>
      %dma_wait3A_473 = arith.constant 0 : i32
      %dma_wait3A_474 = tpu.memref_slice %arg7[%dma_wait3A_464, %dma_wait3A_473] : memref<2x800xi32, #tpu.memory_space<vmem>> -> memref<1x800xi32, #tpu.memory_space<vmem>>
      %dma_wait3A_475 = tpu.memref_squeeze %dma_wait3A_474 : memref<1x800xi32, #tpu.memory_space<vmem>> -> memref<800xi32, #tpu.memory_space<vmem>>
      %dma_wait3A_476 = tpu.memref_slice %arg2[%add3A_4, %add3A_463] : memref<2x1600000xi32, #tpu.memory_space<hbm>> -> memref<1x800xi32, #tpu.memory_space<hbm>>
      %dma_wait3A_477 = tpu.memref_squeeze %dma_wait3A_476 : memref<1x800xi32, #tpu.memory_space<hbm>> -> memref<800xi32, #tpu.memory_space<hbm>>
      tpu.wait_dma2 semaphore(%dma_wait3A_472 : memref<!tpu.dma_semaphore, #tpu.memory_space<semaphore_mem>>) src(%dma_wait3A_477 : memref<800xi32, #tpu.memory_space<hbm>>) dst(%dma_wait3A_475 : memref<800xi32, #tpu.memory_space<vmem>>)
      %dma_start3A_478 = arith.constant 0 : i32
      %dma_start3A_479 = arith.constant 0 : i32
      %dma_start3A_480 = arith.constant 0 : i32
      %dma_start3A_481 = arith.constant 0 : i32
      %dma_start3A_482 = arith.constant 0 : i32
      %dma_start3A_483 = tpu.memref_slice %arg9[%dma_start3A_479, %dma_start3A_481, %dma_start3A_482] : memref<2x800x16xf32, #tpu.memory_space<vmem>> -> memref<1x800x16xf32, #tpu.memory_space<vmem>>
      %dma_start3A_484 = tpu.memref_squeeze %dma_start3A_483 : memref<1x800x16xf32, #tpu.memory_space<vmem>> -> memref<800x16xf32, #tpu.memory_space<vmem>>
      %dma_start3A_485 = arith.constant 0 : i32
      %dma_start3A_486 = tpu.memref_slice %arg7[%dma_start3A_478, %dma_start3A_485] : memref<2x800xi32, #tpu.memory_space<vmem>> -> memref<1x800xi32, #tpu.memory_space<vmem>>
      %dma_start3A_487 = tpu.memref_squeeze %dma_start3A_486 : memref<1x800xi32, #tpu.memory_space<vmem>> -> memref<800xi32, #tpu.memory_space<vmem>>
      %dma_start3A_488 = arith.constant 0 : i32
      %dma_start3A_489 = arith.constant 0 : i32
      %dma_start3A_490 = tpu.memref_slice %arg5[%dma_start3A_488, %dma_start3A_489] : memref<200704x16xf32, #tpu.memory_space<hbm>> -> memref<200704x16xf32, #tpu.memory_space<hbm>>
      %dma_start3A_491 = tpu.memref_slice %arg13[%dma_start3A_480] : memref<2x!tpu.dma_semaphore, #tpu.memory_space<semaphore_mem>> -> memref<1x!tpu.dma_semaphore, #tpu.memory_space<semaphore_mem>>
      %dma_start3A_492 = tpu.memref_squeeze %dma_start3A_491 : memref<1x!tpu.dma_semaphore, #tpu.memory_space<semaphore_mem>> -> memref<!tpu.dma_semaphore, #tpu.memory_space<semaphore_mem>>
      tpu.enqueue_indirect_dma source(%dma_start3A_490 : memref<200704x16xf32, #tpu.memory_space<hbm>>) target(%dma_start3A_484 : memref<800x16xf32, #tpu.memory_space<vmem>>) offsets(%dma_start3A_487 : memref<800xi32, #tpu.memory_space<vmem>>) semaphore(%dma_start3A_492 : memref<!tpu.dma_semaphore, #tpu.memory_space<semaphore_mem>>)
    }
    %scan3A_127 = arith.constant 62 : i32
    %dma_wait3A_128 = arith.constant 0 : i32
    %dma_wait3A_129 = arith.constant 0 : i32
    %dma_wait3A_130 = arith.constant 0 : i32
    %dma_wait3A_131 = arith.constant 0 : i32
    %dma_wait3A_132 = arith.constant 0 : i32
    %dma_wait3A_133 = tpu.memref_slice %arg9[%dma_wait3A_129, %dma_wait3A_131, %dma_wait3A_132] : memref<2x800x16xf32, #tpu.memory_space<vmem>> -> memref<1x800x16xf32, #tpu.memory_space<vmem>>
    %dma_wait3A_134 = tpu.memref_squeeze %dma_wait3A_133 : memref<1x800x16xf32, #tpu.memory_space<vmem>> -> memref<800x16xf32, #tpu.memory_space<vmem>>
    %dma_wait3A_135 = arith.constant 0 : i32
    %dma_wait3A_136 = tpu.memref_slice %arg7[%dma_wait3A_128, %dma_wait3A_135] : memref<2x800xi32, #tpu.memory_space<vmem>> -> memref<1x800xi32, #tpu.memory_space<vmem>>
    %dma_wait3A_137 = tpu.memref_squeeze %dma_wait3A_136 : memref<1x800xi32, #tpu.memory_space<vmem>> -> memref<800xi32, #tpu.memory_space<vmem>>
    %dma_wait3A_138 = arith.constant 0 : i32
    %dma_wait3A_139 = arith.constant 0 : i32
    %dma_wait3A_140 = tpu.memref_slice %arg5[%dma_wait3A_138, %dma_wait3A_139] : memref<200704x16xf32, #tpu.memory_space<hbm>> -> memref<200704x16xf32, #tpu.memory_space<hbm>>
    %dma_wait3A_141 = tpu.memref_slice %arg13[%dma_wait3A_130] : memref<2x!tpu.dma_semaphore, #tpu.memory_space<semaphore_mem>> -> memref<1x!tpu.dma_semaphore, #tpu.memory_space<semaphore_mem>>
    %dma_wait3A_142 = tpu.memref_squeeze %dma_wait3A_141 : memref<1x!tpu.dma_semaphore, #tpu.memory_space<semaphore_mem>> -> memref<!tpu.dma_semaphore, #tpu.memory_space<semaphore_mem>>
    tpu.wait_indirect_dma semaphore(%dma_wait3A_142 : memref<!tpu.dma_semaphore, #tpu.memory_space<semaphore_mem>>) src(%dma_wait3A_140 : memref<200704x16xf32, #tpu.memory_space<hbm>>) dst(%dma_wait3A_134 : memref<800x16xf32, #tpu.memory_space<vmem>>)
    %dma_start3A_143 = arith.constant 0 : i32
    %dma_start3A_144 = arith.constant 0 : i32
    %dma_start3A_145 = arith.constant 0 : i32
    %dma_start3A_146 = arith.constant 0 : i32
    %dma_start3A_147 = arith.constant 0 : i32
    %dma_start3A_148 = tpu.memref_slice %arg9[%dma_start3A_143, %dma_start3A_146, %dma_start3A_147] : memref<2x800x16xf32, #tpu.memory_space<vmem>> -> memref<1x800x16xf32, #tpu.memory_space<vmem>>
    %dma_start3A_149 = tpu.memref_squeeze %dma_start3A_148 : memref<1x800x16xf32, #tpu.memory_space<vmem>> -> memref<800x16xf32, #tpu.memory_space<vmem>>
    %dma_start3A_150 = arith.constant 0 : i32
    %dma_start3A_151 = tpu.memref_slice %arg8[%dma_start3A_144, %dma_start3A_150] : memref<2x800xi32, #tpu.memory_space<vmem>> -> memref<1x800xi32, #tpu.memory_space<vmem>>
    %dma_start3A_152 = tpu.memref_squeeze %dma_start3A_151 : memref<1x800xi32, #tpu.memory_space<vmem>> -> memref<800xi32, #tpu.memory_space<vmem>>
    %dma_start3A_153 = arith.constant 0 : i32
    %dma_start3A_154 = arith.constant 0 : i32
    %dma_start3A_155 = tpu.memref_slice %arg10[%dma_start3A_153, %dma_start3A_154] : memref<100352x16xf32, #tpu.memory_space<vmem_shared>> -> memref<100352x16xf32, #tpu.memory_space<vmem_shared>>
    %dma_start3A_156 = tpu.memref_slice %arg14[%dma_start3A_145] : memref<2x!tpu.dma_semaphore, #tpu.memory_space<semaphore_mem>> -> memref<1x!tpu.dma_semaphore, #tpu.memory_space<semaphore_mem>>
    %dma_start3A_157 = tpu.memref_squeeze %dma_start3A_156 : memref<1x!tpu.dma_semaphore, #tpu.memory_space<semaphore_mem>> -> memref<!tpu.dma_semaphore, #tpu.memory_space<semaphore_mem>>
    tpu.enqueue_indirect_dma source(%dma_start3A_149 : memref<800x16xf32, #tpu.memory_space<vmem>>) target(%dma_start3A_155 : memref<100352x16xf32, #tpu.memory_space<vmem_shared>>) offsets(%dma_start3A_152 : memref<800xi32, #tpu.memory_space<vmem>>) semaphore(%dma_start3A_157 : memref<!tpu.dma_semaphore, #tpu.memory_space<semaphore_mem>>) {add = true}
    %dma_wait3A_158 = arith.constant 1 : i32
    %dma_wait3A_159 = arith.constant 1 : i32
    %dma_wait3A_160 = arith.constant 1 : i32
    %dma_wait3A_161 = arith.constant 0 : i32
    %dma_wait3A_162 = arith.constant 0 : i32
    %dma_wait3A_163 = tpu.memref_slice %arg9[%dma_wait3A_158, %dma_wait3A_161, %dma_wait3A_162] : memref<2x800x16xf32, #tpu.memory_space<vmem>> -> memref<1x800x16xf32, #tpu.memory_space<vmem>>
    %dma_wait3A_164 = tpu.memref_squeeze %dma_wait3A_163 : memref<1x800x16xf32, #tpu.memory_space<vmem>> -> memref<800x16xf32, #tpu.memory_space<vmem>>
    %dma_wait3A_165 = arith.constant 0 : i32
    %dma_wait3A_166 = tpu.memref_slice %arg8[%dma_wait3A_159, %dma_wait3A_165] : memref<2x800xi32, #tpu.memory_space<vmem>> -> memref<1x800xi32, #tpu.memory_space<vmem>>
    %dma_wait3A_167 = tpu.memref_squeeze %dma_wait3A_166 : memref<1x800xi32, #tpu.memory_space<vmem>> -> memref<800xi32, #tpu.memory_space<vmem>>
    %dma_wait3A_168 = arith.constant 0 : i32
    %dma_wait3A_169 = arith.constant 0 : i32
    %dma_wait3A_170 = tpu.memref_slice %arg10[%dma_wait3A_168, %dma_wait3A_169] : memref<100352x16xf32, #tpu.memory_space<vmem_shared>> -> memref<100352x16xf32, #tpu.memory_space<vmem_shared>>
    %dma_wait3A_171 = tpu.memref_slice %arg14[%dma_wait3A_160] : memref<2x!tpu.dma_semaphore, #tpu.memory_space<semaphore_mem>> -> memref<1x!tpu.dma_semaphore, #tpu.memory_space<semaphore_mem>>
    %dma_wait3A_172 = tpu.memref_squeeze %dma_wait3A_171 : memref<1x!tpu.dma_semaphore, #tpu.memory_space<semaphore_mem>> -> memref<!tpu.dma_semaphore, #tpu.memory_space<semaphore_mem>>
    tpu.wait_indirect_dma semaphore(%dma_wait3A_172 : memref<!tpu.dma_semaphore, #tpu.memory_space<semaphore_mem>>) src(%dma_wait3A_164 : memref<800x16xf32, #tpu.memory_space<vmem>>) dst(%dma_wait3A_170 : memref<100352x16xf32, #tpu.memory_space<vmem_shared>>)
    %dma_wait3A_173 = arith.constant 0 : i32
    %dma_wait3A_174 = arith.constant 0 : i32
    %dma_wait3A_175 = arith.constant 0 : i32
    %dma_wait3A_176 = arith.constant 0 : i32
    %dma_wait3A_177 = arith.constant 0 : i32
    %dma_wait3A_178 = tpu.memref_slice %arg9[%dma_wait3A_173, %dma_wait3A_176, %dma_wait3A_177] : memref<2x800x16xf32, #tpu.memory_space<vmem>> -> memref<1x800x16xf32, #tpu.memory_space<vmem>>
    %dma_wait3A_179 = tpu.memref_squeeze %dma_wait3A_178 : memref<1x800x16xf32, #tpu.memory_space<vmem>> -> memref<800x16xf32, #tpu.memory_space<vmem>>
    %dma_wait3A_180 = arith.constant 0 : i32
    %dma_wait3A_181 = tpu.memref_slice %arg8[%dma_wait3A_174, %dma_wait3A_180] : memref<2x800xi32, #tpu.memory_space<vmem>> -> memref<1x800xi32, #tpu.memory_space<vmem>>
    %dma_wait3A_182 = tpu.memref_squeeze %dma_wait3A_181 : memref<1x800xi32, #tpu.memory_space<vmem>> -> memref<800xi32, #tpu.memory_space<vmem>>
    %dma_wait3A_183 = arith.constant 0 : i32
    %dma_wait3A_184 = arith.constant 0 : i32
    %dma_wait3A_185 = tpu.memref_slice %arg10[%dma_wait3A_183, %dma_wait3A_184] : memref<100352x16xf32, #tpu.memory_space<vmem_shared>> -> memref<100352x16xf32, #tpu.memory_space<vmem_shared>>
    %dma_wait3A_186 = tpu.memref_slice %arg14[%dma_wait3A_175] : memref<2x!tpu.dma_semaphore, #tpu.memory_space<semaphore_mem>> -> memref<1x!tpu.dma_semaphore, #tpu.memory_space<semaphore_mem>>
    %dma_wait3A_187 = tpu.memref_squeeze %dma_wait3A_186 : memref<1x!tpu.dma_semaphore, #tpu.memory_space<semaphore_mem>> -> memref<!tpu.dma_semaphore, #tpu.memory_space<semaphore_mem>>
    tpu.wait_indirect_dma semaphore(%dma_wait3A_187 : memref<!tpu.dma_semaphore, #tpu.memory_space<semaphore_mem>>) src(%dma_wait3A_179 : memref<800x16xf32, #tpu.memory_space<vmem>>) dst(%dma_wait3A_185 : memref<100352x16xf32, #tpu.memory_space<vmem_shared>>)
    %barrier3A_188 = arith.constant 0 : index
    tpu.barrier barrier_id(%barrier3A_188)
    %mul3A_189 = arith.constant 6272 : i32
    %mul3A_190 = arith.muli %arg1, %mul3A_189 : i32
    %mul3A_191 = arith.constant 6272 : i32
    %mul3A_192 = arith.muli %arg1, %mul3A_191 : i32
    "tpu.region"() ({
      %run_scoped3A_194 = tpu.sem_alloc : memref<!tpu.dma_semaphore, #tpu.memory_space<semaphore_mem>>
      %dma_start3A_195 = arith.constant 0 : i32
      %dma_start3A_196 = tpu.memref_slice %arg6[%add3A_4, %mul3A_192, %dma_start3A_195] : memref<2x100352x16xf32, #tpu.memory_space<hbm>> -> memref<1x6272x16xf32, #tpu.memory_space<hbm>>
      %dma_start3A_197 = tpu.memref_squeeze %dma_start3A_196 : memref<1x6272x16xf32, #tpu.memory_space<hbm>> -> memref<6272x16xf32, #tpu.memory_space<hbm>>
      %dma_start3A_198 = arith.constant 0 : i32
      %dma_start3A_199 = tpu.memref_slice %arg10[%mul3A_190, %dma_start3A_198] : memref<100352x16xf32, #tpu.memory_space<vmem_shared>> -> memref<6272x16xf32, #tpu.memory_space<vmem_shared>>
      tpu.enqueue_dma source(%dma_start3A_199 : memref<6272x16xf32, #tpu.memory_space<vmem_shared>>) target(%dma_start3A_197 : memref<6272x16xf32, #tpu.memory_space<hbm>>) target_semaphore(%run_scoped3A_194 : memref<!tpu.dma_semaphore, #tpu.memory_space<semaphore_mem>>)
      %dma_wait3A_200 = arith.constant 0 : i32
      %dma_wait3A_201 = tpu.memref_slice %arg6[%add3A_4, %mul3A_192, %dma_wait3A_200] : memref<2x100352x16xf32, #tpu.memory_space<hbm>> -> memref<1x6272x16xf32, #tpu.memory_space<hbm>>
      %dma_wait3A_202 = tpu.memref_squeeze %dma_wait3A_201 : memref<1x6272x16xf32, #tpu.memory_space<hbm>> -> memref<6272x16xf32, #tpu.memory_space<hbm>>
      %dma_wait3A_203 = arith.constant 0 : i32
      %dma_wait3A_204 = tpu.memref_slice %arg10[%mul3A_190, %dma_wait3A_203] : memref<100352x16xf32, #tpu.memory_space<vmem_shared>> -> memref<6272x16xf32, #tpu.memory_space<vmem_shared>>
      tpu.wait_dma2 semaphore(%run_scoped3A_194 : memref<!tpu.dma_semaphore, #tpu.memory_space<semaphore_mem>>) src(%dma_wait3A_204 : memref<6272x16xf32, #tpu.memory_space<vmem_shared>>) dst(%dma_wait3A_202 : memref<6272x16xf32, #tpu.memory_space<hbm>>)
      tpu.yield
    }) : () -> ()
    %scan3A_193 = arith.constant 1 : i32
    return
  }
}

#map = affine_map<(d0, d1) -> (0, 0)>
#map1 = affine_map<(d0, d1) -> (0)>
#map2 = affine_map<(d0, d1) -> (0, 0, 0)>
module attributes {stable_mosaic.version = 14 : i64} {
  func.func @agg_kernel(%arg0: i32, %arg1: i32, %arg2: memref<4x1600000xi32, #tpu.memory_space<hbm>>, %arg3: memref<1600000xi32, #tpu.memory_space<hbm>>, %arg4: memref<100352x16xf32, #tpu.memory_space<hbm>>, %arg5: memref<401408x16xf32, #tpu.memory_space<hbm>>, %arg6: memref<4x100352x16xf32, #tpu.memory_space<hbm>>, %arg7: memref<2x800xi32, #tpu.memory_space<vmem>>, %arg8: memref<2x800xi32, #tpu.memory_space<vmem>>, %arg9: memref<2x800x16xf32, #tpu.memory_space<vmem>>, %arg10: memref<100352x16xf32, #tpu.memory_space<vmem_shared>>, %arg11: memref<2x!tpu.dma_semaphore, #tpu.memory_space<semaphore_mem>>, %arg12: memref<2x!tpu.dma_semaphore, #tpu.memory_space<semaphore_mem>>, %arg13: memref<2x!tpu.dma_semaphore, #tpu.memory_space<semaphore_mem>>, %arg14: memref<2x!tpu.dma_semaphore, #tpu.memory_space<semaphore_mem>>) attributes {dimension_semantics = [#tpu.dimension_semantics<core_parallel>, #tpu.dimension_semantics<subcore_parallel>], iteration_bounds = array<i64: 2, 16>, scalar_prefetch = 0 : i64, scratch_operands = 8 : i64, tpu.core_type = #tpu.core_type<sc_vector_subcore>, window_params = [{transform_indices = #map}, {transform_indices = #map1}, {transform_indices = #map}, {transform_indices = #map}, {transform_indices = #map2}]} {
    %scan3A = arith.constant 0 : i32
    %scan3A_0 = arith.constant 2 : i32
    %scan3A_1 = arith.addi %scan3A, %scan3A_0 : i32
    %scan3A_2 = arith.constant 1 : i32
    scf.for %scan3A_4 = %scan3A to %scan3A_1 step %scan3A_2  : i32 {
      %mul3A = arith.constant 1 : i32
      %mul3A_5 = arith.muli %scan3A_4, %mul3A : i32
      %add3A = arith.constant 0 : i32
      %add3A_6 = arith.addi %add3A, %mul3A_5 : i32
      %mul3A_7 = arith.constant 2 : i32
      %mul3A_8 = arith.muli %arg0, %mul3A_7 : i32
      %add3A_9 = arith.addi %mul3A_8, %add3A_6 : i32
      %mul3A_10 = arith.constant 6272 : i32
      %mul3A_11 = arith.muli %arg1, %mul3A_10 : i32
      %mul3A_12 = arith.constant 6272 : i32
      %mul3A_13 = arith.muli %arg1, %mul3A_12 : i32
      "tpu.region"() ({
        %run_scoped3A_198 = tpu.sem_alloc : memref<!tpu.dma_semaphore, #tpu.memory_space<semaphore_mem>>
        %dma_start3A_199 = arith.constant 0 : i32
        %dma_start3A_200 = tpu.memref_slice %arg10[%mul3A_13, %dma_start3A_199] : memref<100352x16xf32, #tpu.memory_space<vmem_shared>> -> memref<6272x16xf32, #tpu.memory_space<vmem_shared>>
        %dma_start3A_201 = arith.constant 0 : i32
        %dma_start3A_202 = tpu.memref_slice %arg4[%mul3A_11, %dma_start3A_201] : memref<100352x16xf32, #tpu.memory_space<hbm>> -> memref<6272x16xf32, #tpu.memory_space<hbm>>
        tpu.enqueue_dma source(%dma_start3A_202 : memref<6272x16xf32, #tpu.memory_space<hbm>>) target(%dma_start3A_200 : memref<6272x16xf32, #tpu.memory_space<vmem_shared>>) target_semaphore(%run_scoped3A_198 : memref<!tpu.dma_semaphore, #tpu.memory_space<semaphore_mem>>)
        %dma_wait3A_203 = arith.constant 0 : i32
        %dma_wait3A_204 = tpu.memref_slice %arg10[%mul3A_13, %dma_wait3A_203] : memref<100352x16xf32, #tpu.memory_space<vmem_shared>> -> memref<6272x16xf32, #tpu.memory_space<vmem_shared>>
        %dma_wait3A_205 = arith.constant 0 : i32
        %dma_wait3A_206 = tpu.memref_slice %arg4[%mul3A_11, %dma_wait3A_205] : memref<100352x16xf32, #tpu.memory_space<hbm>> -> memref<6272x16xf32, #tpu.memory_space<hbm>>
        tpu.wait_dma2 semaphore(%run_scoped3A_198 : memref<!tpu.dma_semaphore, #tpu.memory_space<semaphore_mem>>) src(%dma_wait3A_206 : memref<6272x16xf32, #tpu.memory_space<hbm>>) dst(%dma_wait3A_204 : memref<6272x16xf32, #tpu.memory_space<vmem_shared>>)
        tpu.yield
      }) : () -> ()
      %barrier3A = arith.constant 0 : index
      tpu.barrier barrier_id(%barrier3A)
      %run_scoped3A = arith.constant 1 : i32
      "tpu.region"() ({
        %run_scoped3A_198 = tpu.sem_alloc : memref<!tpu.dma_semaphore, #tpu.memory_space<semaphore_mem>>
        %dma_start3A_199 = arith.constant 0 : i32
        %dma_start3A_200 = arith.constant 0 : i32
        %dma_start3A_201 = tpu.memref_slice %arg9[%run_scoped3A, %dma_start3A_199, %dma_start3A_200] : memref<2x800x16xf32, #tpu.memory_space<vmem>> -> memref<1x800x16xf32, #tpu.memory_space<vmem>>
        %dma_start3A_202 = tpu.memref_squeeze %dma_start3A_201 : memref<1x800x16xf32, #tpu.memory_space<vmem>> -> memref<800x16xf32, #tpu.memory_space<vmem>>
        %dma_start3A_203 = arith.constant 0 : i32
        %dma_start3A_204 = arith.constant 0 : i32
        %dma_start3A_205 = tpu.memref_slice %arg4[%dma_start3A_203, %dma_start3A_204] : memref<100352x16xf32, #tpu.memory_space<hbm>> -> memref<800x16xf32, #tpu.memory_space<hbm>>
        %dma_start3A_206 = arith.constant 0 : i32
        %dma_start3A_207 = arith.constant 0 : i32
        %dma_start3A_208 = tpu.memref_slice %arg9[%run_scoped3A, %dma_start3A_206, %dma_start3A_207] : memref<2x800x16xf32, #tpu.memory_space<vmem>> -> memref<1x800x16xf32, #tpu.memory_space<vmem>>
        %dma_start3A_209 = tpu.memref_squeeze %dma_start3A_208 : memref<1x800x16xf32, #tpu.memory_space<vmem>> -> memref<800x16xf32, #tpu.memory_space<vmem>>
        %dma_start3A_210 = arith.constant 0 : i32
        %dma_start3A_211 = arith.constant 0 : i32
        %dma_start3A_212 = tpu.memref_slice %arg4[%dma_start3A_210, %dma_start3A_211] : memref<100352x16xf32, #tpu.memory_space<hbm>> -> memref<800x16xf32, #tpu.memory_space<hbm>>
        tpu.enqueue_dma source(%dma_start3A_212 : memref<800x16xf32, #tpu.memory_space<hbm>>) target(%dma_start3A_209 : memref<800x16xf32, #tpu.memory_space<vmem>>) target_semaphore(%run_scoped3A_198 : memref<!tpu.dma_semaphore, #tpu.memory_space<semaphore_mem>>)
        %dma_wait3A_213 = arith.constant 0 : i32
        %dma_wait3A_214 = arith.constant 0 : i32
        %dma_wait3A_215 = tpu.memref_slice %arg9[%run_scoped3A, %dma_wait3A_213, %dma_wait3A_214] : memref<2x800x16xf32, #tpu.memory_space<vmem>> -> memref<1x800x16xf32, #tpu.memory_space<vmem>>
        %dma_wait3A_216 = tpu.memref_squeeze %dma_wait3A_215 : memref<1x800x16xf32, #tpu.memory_space<vmem>> -> memref<800x16xf32, #tpu.memory_space<vmem>>
        %dma_wait3A_217 = arith.constant 0 : i32
        %dma_wait3A_218 = arith.constant 0 : i32
        %dma_wait3A_219 = tpu.memref_slice %arg4[%dma_wait3A_217, %dma_wait3A_218] : memref<100352x16xf32, #tpu.memory_space<hbm>> -> memref<800x16xf32, #tpu.memory_space<hbm>>
        %dma_wait3A_220 = arith.constant 0 : i32
        %dma_wait3A_221 = arith.constant 0 : i32
        %dma_wait3A_222 = tpu.memref_slice %arg9[%run_scoped3A, %dma_wait3A_220, %dma_wait3A_221] : memref<2x800x16xf32, #tpu.memory_space<vmem>> -> memref<1x800x16xf32, #tpu.memory_space<vmem>>
        %dma_wait3A_223 = tpu.memref_squeeze %dma_wait3A_222 : memref<1x800x16xf32, #tpu.memory_space<vmem>> -> memref<800x16xf32, #tpu.memory_space<vmem>>
        %dma_wait3A_224 = arith.constant 0 : i32
        %dma_wait3A_225 = arith.constant 0 : i32
        %dma_wait3A_226 = tpu.memref_slice %arg4[%dma_wait3A_224, %dma_wait3A_225] : memref<100352x16xf32, #tpu.memory_space<hbm>> -> memref<800x16xf32, #tpu.memory_space<hbm>>
        tpu.wait_dma2 semaphore(%run_scoped3A_198 : memref<!tpu.dma_semaphore, #tpu.memory_space<semaphore_mem>>) src(%dma_wait3A_226 : memref<800x16xf32, #tpu.memory_space<hbm>>) dst(%dma_wait3A_223 : memref<800x16xf32, #tpu.memory_space<vmem>>)
        tpu.yield
      }) : () -> ()
      %mul3A_14 = arith.constant 100000 : i32
      %mul3A_15 = arith.muli %arg1, %mul3A_14 : i32
      %run_scoped3A_16 = arith.constant 1 : i32
      "tpu.region"() ({
        %run_scoped3A_198 = tpu.sem_alloc : memref<!tpu.dma_semaphore, #tpu.memory_space<semaphore_mem>>
        %dma_start3A_199 = arith.constant 0 : i32
        %dma_start3A_200 = tpu.memref_slice %arg8[%run_scoped3A_16, %dma_start3A_199] : memref<2x800xi32, #tpu.memory_space<vmem>> -> memref<1x800xi32, #tpu.memory_space<vmem>>
        %dma_start3A_201 = tpu.memref_squeeze %dma_start3A_200 : memref<1x800xi32, #tpu.memory_space<vmem>> -> memref<800xi32, #tpu.memory_space<vmem>>
        %dma_start3A_202 = tpu.memref_slice %arg3[%mul3A_15] : memref<1600000xi32, #tpu.memory_space<hbm>> -> memref<800xi32, #tpu.memory_space<hbm>>
        %dma_start3A_203 = arith.constant 0 : i32
        %dma_start3A_204 = tpu.memref_slice %arg8[%run_scoped3A_16, %dma_start3A_203] : memref<2x800xi32, #tpu.memory_space<vmem>> -> memref<1x800xi32, #tpu.memory_space<vmem>>
        %dma_start3A_205 = tpu.memref_squeeze %dma_start3A_204 : memref<1x800xi32, #tpu.memory_space<vmem>> -> memref<800xi32, #tpu.memory_space<vmem>>
        %dma_start3A_206 = tpu.memref_slice %arg3[%mul3A_15] : memref<1600000xi32, #tpu.memory_space<hbm>> -> memref<800xi32, #tpu.memory_space<hbm>>
        tpu.enqueue_dma source(%dma_start3A_206 : memref<800xi32, #tpu.memory_space<hbm>>) target(%dma_start3A_205 : memref<800xi32, #tpu.memory_space<vmem>>) target_semaphore(%run_scoped3A_198 : memref<!tpu.dma_semaphore, #tpu.memory_space<semaphore_mem>>)
        %dma_wait3A_207 = arith.constant 0 : i32
        %dma_wait3A_208 = tpu.memref_slice %arg8[%run_scoped3A_16, %dma_wait3A_207] : memref<2x800xi32, #tpu.memory_space<vmem>> -> memref<1x800xi32, #tpu.memory_space<vmem>>
        %dma_wait3A_209 = tpu.memref_squeeze %dma_wait3A_208 : memref<1x800xi32, #tpu.memory_space<vmem>> -> memref<800xi32, #tpu.memory_space<vmem>>
        %dma_wait3A_210 = tpu.memref_slice %arg3[%mul3A_15] : memref<1600000xi32, #tpu.memory_space<hbm>> -> memref<800xi32, #tpu.memory_space<hbm>>
        %dma_wait3A_211 = arith.constant 0 : i32
        %dma_wait3A_212 = tpu.memref_slice %arg8[%run_scoped3A_16, %dma_wait3A_211] : memref<2x800xi32, #tpu.memory_space<vmem>> -> memref<1x800xi32, #tpu.memory_space<vmem>>
        %dma_wait3A_213 = tpu.memref_squeeze %dma_wait3A_212 : memref<1x800xi32, #tpu.memory_space<vmem>> -> memref<800xi32, #tpu.memory_space<vmem>>
        %dma_wait3A_214 = tpu.memref_slice %arg3[%mul3A_15] : memref<1600000xi32, #tpu.memory_space<hbm>> -> memref<800xi32, #tpu.memory_space<hbm>>
        tpu.wait_dma2 semaphore(%run_scoped3A_198 : memref<!tpu.dma_semaphore, #tpu.memory_space<semaphore_mem>>) src(%dma_wait3A_214 : memref<800xi32, #tpu.memory_space<hbm>>) dst(%dma_wait3A_213 : memref<800xi32, #tpu.memory_space<vmem>>)
        tpu.yield
      }) : () -> ()
      %dma_start3A = arith.constant 1 : i32
      %dma_start3A_17 = arith.constant 1 : i32
      %dma_start3A_18 = arith.constant 1 : i32
      %dma_start3A_19 = arith.constant 0 : i32
      %dma_start3A_20 = arith.constant 0 : i32
      %dma_start3A_21 = tpu.memref_slice %arg9[%dma_start3A, %dma_start3A_19, %dma_start3A_20] : memref<2x800x16xf32, #tpu.memory_space<vmem>> -> memref<1x800x16xf32, #tpu.memory_space<vmem>>
      %dma_start3A_22 = tpu.memref_squeeze %dma_start3A_21 : memref<1x800x16xf32, #tpu.memory_space<vmem>> -> memref<800x16xf32, #tpu.memory_space<vmem>>
      %dma_start3A_23 = arith.constant 0 : i32
      %dma_start3A_24 = tpu.memref_slice %arg8[%dma_start3A_17, %dma_start3A_23] : memref<2x800xi32, #tpu.memory_space<vmem>> -> memref<1x800xi32, #tpu.memory_space<vmem>>
      %dma_start3A_25 = tpu.memref_squeeze %dma_start3A_24 : memref<1x800xi32, #tpu.memory_space<vmem>> -> memref<800xi32, #tpu.memory_space<vmem>>
      %dma_start3A_26 = arith.constant 0 : i32
      %dma_start3A_27 = arith.constant 0 : i32
      %dma_start3A_28 = tpu.memref_slice %arg10[%dma_start3A_26, %dma_start3A_27] : memref<100352x16xf32, #tpu.memory_space<vmem_shared>> -> memref<100352x16xf32, #tpu.memory_space<vmem_shared>>
      %dma_start3A_29 = tpu.memref_slice %arg14[%dma_start3A_18] : memref<2x!tpu.dma_semaphore, #tpu.memory_space<semaphore_mem>> -> memref<1x!tpu.dma_semaphore, #tpu.memory_space<semaphore_mem>>
      %dma_start3A_30 = tpu.memref_squeeze %dma_start3A_29 : memref<1x!tpu.dma_semaphore, #tpu.memory_space<semaphore_mem>> -> memref<!tpu.dma_semaphore, #tpu.memory_space<semaphore_mem>>
      tpu.enqueue_indirect_dma source(%dma_start3A_22 : memref<800x16xf32, #tpu.memory_space<vmem>>) target(%dma_start3A_28 : memref<100352x16xf32, #tpu.memory_space<vmem_shared>>) offsets(%dma_start3A_25 : memref<800xi32, #tpu.memory_space<vmem>>) semaphore(%dma_start3A_30 : memref<!tpu.dma_semaphore, #tpu.memory_space<semaphore_mem>>) {add = true}
      %mul3A_31 = arith.constant 100000 : i32
      %mul3A_32 = arith.muli %arg1, %mul3A_31 : i32
      %min3A = arith.constant 0 : i32
      %min3A_33 = arith.constant 124 : i32
      %min3A_34 = arith.minsi %min3A, %min3A_33 : i32
      %mul3A_35 = arith.constant 800 : i32
      %mul3A_36 = arith.muli %min3A_34, %mul3A_35 : i32
      %add3A_37 = arith.addi %mul3A_32, %mul3A_36 : i32
      %dma_start3A_38 = arith.constant 0 : i32
      %dma_start3A_39 = arith.constant 0 : i32
      %dma_start3A_40 = arith.constant 0 : i32
      %dma_start3A_41 = tpu.memref_slice %arg7[%dma_start3A_38, %dma_start3A_40] : memref<2x800xi32, #tpu.memory_space<vmem>> -> memref<1x800xi32, #tpu.memory_space<vmem>>
      %dma_start3A_42 = tpu.memref_squeeze %dma_start3A_41 : memref<1x800xi32, #tpu.memory_space<vmem>> -> memref<800xi32, #tpu.memory_space<vmem>>
      %dma_start3A_43 = tpu.memref_slice %arg2[%add3A_9, %add3A_37] : memref<4x1600000xi32, #tpu.memory_space<hbm>> -> memref<1x800xi32, #tpu.memory_space<hbm>>
      %dma_start3A_44 = tpu.memref_squeeze %dma_start3A_43 : memref<1x800xi32, #tpu.memory_space<hbm>> -> memref<800xi32, #tpu.memory_space<hbm>>
      %dma_start3A_45 = tpu.memref_slice %arg11[%dma_start3A_39] : memref<2x!tpu.dma_semaphore, #tpu.memory_space<semaphore_mem>> -> memref<1x!tpu.dma_semaphore, #tpu.memory_space<semaphore_mem>>
      %dma_start3A_46 = tpu.memref_squeeze %dma_start3A_45 : memref<1x!tpu.dma_semaphore, #tpu.memory_space<semaphore_mem>> -> memref<!tpu.dma_semaphore, #tpu.memory_space<semaphore_mem>>
      %dma_start3A_47 = arith.constant 0 : i32
      %dma_start3A_48 = tpu.memref_slice %arg7[%dma_start3A_38, %dma_start3A_47] : memref<2x800xi32, #tpu.memory_space<vmem>> -> memref<1x800xi32, #tpu.memory_space<vmem>>
      %dma_start3A_49 = tpu.memref_squeeze %dma_start3A_48 : memref<1x800xi32, #tpu.memory_space<vmem>> -> memref<800xi32, #tpu.memory_space<vmem>>
      %dma_start3A_50 = tpu.memref_slice %arg2[%add3A_9, %add3A_37] : memref<4x1600000xi32, #tpu.memory_space<hbm>> -> memref<1x800xi32, #tpu.memory_space<hbm>>
      %dma_start3A_51 = tpu.memref_squeeze %dma_start3A_50 : memref<1x800xi32, #tpu.memory_space<hbm>> -> memref<800xi32, #tpu.memory_space<hbm>>
      tpu.enqueue_dma source(%dma_start3A_51 : memref<800xi32, #tpu.memory_space<hbm>>) target(%dma_start3A_49 : memref<800xi32, #tpu.memory_space<vmem>>) target_semaphore(%dma_start3A_46 : memref<!tpu.dma_semaphore, #tpu.memory_space<semaphore_mem>>)
      %mul3A_52 = arith.constant 100000 : i32
      %mul3A_53 = arith.muli %arg1, %mul3A_52 : i32
      %min3A_54 = arith.constant 0 : i32
      %min3A_55 = arith.constant 124 : i32
      %min3A_56 = arith.minsi %min3A_54, %min3A_55 : i32
      %mul3A_57 = arith.constant 800 : i32
      %mul3A_58 = arith.muli %min3A_56, %mul3A_57 : i32
      %add3A_59 = arith.addi %mul3A_53, %mul3A_58 : i32
      %dma_start3A_60 = arith.constant 0 : i32
      %dma_start3A_61 = arith.constant 0 : i32
      %dma_start3A_62 = arith.constant 0 : i32
      %dma_start3A_63 = tpu.memref_slice %arg8[%dma_start3A_60, %dma_start3A_62] : memref<2x800xi32, #tpu.memory_space<vmem>> -> memref<1x800xi32, #tpu.memory_space<vmem>>
      %dma_start3A_64 = tpu.memref_squeeze %dma_start3A_63 : memref<1x800xi32, #tpu.memory_space<vmem>> -> memref<800xi32, #tpu.memory_space<vmem>>
      %dma_start3A_65 = tpu.memref_slice %arg3[%add3A_59] : memref<1600000xi32, #tpu.memory_space<hbm>> -> memref<800xi32, #tpu.memory_space<hbm>>
      %dma_start3A_66 = tpu.memref_slice %arg12[%dma_start3A_61] : memref<2x!tpu.dma_semaphore, #tpu.memory_space<semaphore_mem>> -> memref<1x!tpu.dma_semaphore, #tpu.memory_space<semaphore_mem>>
      %dma_start3A_67 = tpu.memref_squeeze %dma_start3A_66 : memref<1x!tpu.dma_semaphore, #tpu.memory_space<semaphore_mem>> -> memref<!tpu.dma_semaphore, #tpu.memory_space<semaphore_mem>>
      %dma_start3A_68 = arith.constant 0 : i32
      %dma_start3A_69 = tpu.memref_slice %arg8[%dma_start3A_60, %dma_start3A_68] : memref<2x800xi32, #tpu.memory_space<vmem>> -> memref<1x800xi32, #tpu.memory_space<vmem>>
      %dma_start3A_70 = tpu.memref_squeeze %dma_start3A_69 : memref<1x800xi32, #tpu.memory_space<vmem>> -> memref<800xi32, #tpu.memory_space<vmem>>
      %dma_start3A_71 = tpu.memref_slice %arg3[%add3A_59] : memref<1600000xi32, #tpu.memory_space<hbm>> -> memref<800xi32, #tpu.memory_space<hbm>>
      tpu.enqueue_dma source(%dma_start3A_71 : memref<800xi32, #tpu.memory_space<hbm>>) target(%dma_start3A_70 : memref<800xi32, #tpu.memory_space<vmem>>) target_semaphore(%dma_start3A_67 : memref<!tpu.dma_semaphore, #tpu.memory_space<semaphore_mem>>)
      %mul3A_72 = arith.constant 100000 : i32
      %mul3A_73 = arith.muli %arg1, %mul3A_72 : i32
      %min3A_74 = arith.constant 0 : i32
      %min3A_75 = arith.constant 124 : i32
      %min3A_76 = arith.minsi %min3A_74, %min3A_75 : i32
      %mul3A_77 = arith.constant 800 : i32
      %mul3A_78 = arith.muli %min3A_76, %mul3A_77 : i32
      %add3A_79 = arith.addi %mul3A_73, %mul3A_78 : i32
      %dma_wait3A = arith.constant 0 : i32
      %dma_wait3A_80 = arith.constant 0 : i32
      %dma_wait3A_81 = arith.constant 0 : i32
      %dma_wait3A_82 = tpu.memref_slice %arg8[%dma_wait3A, %dma_wait3A_81] : memref<2x800xi32, #tpu.memory_space<vmem>> -> memref<1x800xi32, #tpu.memory_space<vmem>>
      %dma_wait3A_83 = tpu.memref_squeeze %dma_wait3A_82 : memref<1x800xi32, #tpu.memory_space<vmem>> -> memref<800xi32, #tpu.memory_space<vmem>>
      %dma_wait3A_84 = tpu.memref_slice %arg3[%add3A_79] : memref<1600000xi32, #tpu.memory_space<hbm>> -> memref<800xi32, #tpu.memory_space<hbm>>
      %dma_wait3A_85 = tpu.memref_slice %arg12[%dma_wait3A_80] : memref<2x!tpu.dma_semaphore, #tpu.memory_space<semaphore_mem>> -> memref<1x!tpu.dma_semaphore, #tpu.memory_space<semaphore_mem>>
      %dma_wait3A_86 = tpu.memref_squeeze %dma_wait3A_85 : memref<1x!tpu.dma_semaphore, #tpu.memory_space<semaphore_mem>> -> memref<!tpu.dma_semaphore, #tpu.memory_space<semaphore_mem>>
      %dma_wait3A_87 = arith.constant 0 : i32
      %dma_wait3A_88 = tpu.memref_slice %arg8[%dma_wait3A, %dma_wait3A_87] : memref<2x800xi32, #tpu.memory_space<vmem>> -> memref<1x800xi32, #tpu.memory_space<vmem>>
      %dma_wait3A_89 = tpu.memref_squeeze %dma_wait3A_88 : memref<1x800xi32, #tpu.memory_space<vmem>> -> memref<800xi32, #tpu.memory_space<vmem>>
      %dma_wait3A_90 = tpu.memref_slice %arg3[%add3A_79] : memref<1600000xi32, #tpu.memory_space<hbm>> -> memref<800xi32, #tpu.memory_space<hbm>>
      tpu.wait_dma2 semaphore(%dma_wait3A_86 : memref<!tpu.dma_semaphore, #tpu.memory_space<semaphore_mem>>) src(%dma_wait3A_90 : memref<800xi32, #tpu.memory_space<hbm>>) dst(%dma_wait3A_89 : memref<800xi32, #tpu.memory_space<vmem>>)
      %mul3A_91 = arith.constant 100000 : i32
      %mul3A_92 = arith.muli %arg1, %mul3A_91 : i32
      %min3A_93 = arith.constant 0 : i32
      %min3A_94 = arith.constant 124 : i32
      %min3A_95 = arith.minsi %min3A_93, %min3A_94 : i32
      %mul3A_96 = arith.constant 800 : i32
      %mul3A_97 = arith.muli %min3A_95, %mul3A_96 : i32
      %add3A_98 = arith.addi %mul3A_92, %mul3A_97 : i32
      %dma_wait3A_99 = arith.constant 0 : i32
      %dma_wait3A_100 = arith.constant 0 : i32
      %dma_wait3A_101 = arith.constant 0 : i32
      %dma_wait3A_102 = tpu.memref_slice %arg7[%dma_wait3A_99, %dma_wait3A_101] : memref<2x800xi32, #tpu.memory_space<vmem>> -> memref<1x800xi32, #tpu.memory_space<vmem>>
      %dma_wait3A_103 = tpu.memref_squeeze %dma_wait3A_102 : memref<1x800xi32, #tpu.memory_space<vmem>> -> memref<800xi32, #tpu.memory_space<vmem>>
      %dma_wait3A_104 = tpu.memref_slice %arg2[%add3A_9, %add3A_98] : memref<4x1600000xi32, #tpu.memory_space<hbm>> -> memref<1x800xi32, #tpu.memory_space<hbm>>
      %dma_wait3A_105 = tpu.memref_squeeze %dma_wait3A_104 : memref<1x800xi32, #tpu.memory_space<hbm>> -> memref<800xi32, #tpu.memory_space<hbm>>
      %dma_wait3A_106 = tpu.memref_slice %arg11[%dma_wait3A_100] : memref<2x!tpu.dma_semaphore, #tpu.memory_space<semaphore_mem>> -> memref<1x!tpu.dma_semaphore, #tpu.memory_space<semaphore_mem>>
      %dma_wait3A_107 = tpu.memref_squeeze %dma_wait3A_106 : memref<1x!tpu.dma_semaphore, #tpu.memory_space<semaphore_mem>> -> memref<!tpu.dma_semaphore, #tpu.memory_space<semaphore_mem>>
      %dma_wait3A_108 = arith.constant 0 : i32
      %dma_wait3A_109 = tpu.memref_slice %arg7[%dma_wait3A_99, %dma_wait3A_108] : memref<2x800xi32, #tpu.memory_space<vmem>> -> memref<1x800xi32, #tpu.memory_space<vmem>>
      %dma_wait3A_110 = tpu.memref_squeeze %dma_wait3A_109 : memref<1x800xi32, #tpu.memory_space<vmem>> -> memref<800xi32, #tpu.memory_space<vmem>>
      %dma_wait3A_111 = tpu.memref_slice %arg2[%add3A_9, %add3A_98] : memref<4x1600000xi32, #tpu.memory_space<hbm>> -> memref<1x800xi32, #tpu.memory_space<hbm>>
      %dma_wait3A_112 = tpu.memref_squeeze %dma_wait3A_111 : memref<1x800xi32, #tpu.memory_space<hbm>> -> memref<800xi32, #tpu.memory_space<hbm>>
      tpu.wait_dma2 semaphore(%dma_wait3A_107 : memref<!tpu.dma_semaphore, #tpu.memory_space<semaphore_mem>>) src(%dma_wait3A_112 : memref<800xi32, #tpu.memory_space<hbm>>) dst(%dma_wait3A_110 : memref<800xi32, #tpu.memory_space<vmem>>)
      %dma_start3A_113 = arith.constant 0 : i32
      %dma_start3A_114 = arith.constant 0 : i32
      %dma_start3A_115 = arith.constant 0 : i32
      %dma_start3A_116 = arith.constant 0 : i32
      %dma_start3A_117 = arith.constant 0 : i32
      %dma_start3A_118 = tpu.memref_slice %arg9[%dma_start3A_114, %dma_start3A_116, %dma_start3A_117] : memref<2x800x16xf32, #tpu.memory_space<vmem>> -> memref<1x800x16xf32, #tpu.memory_space<vmem>>
      %dma_start3A_119 = tpu.memref_squeeze %dma_start3A_118 : memref<1x800x16xf32, #tpu.memory_space<vmem>> -> memref<800x16xf32, #tpu.memory_space<vmem>>
      %dma_start3A_120 = arith.constant 0 : i32
      %dma_start3A_121 = tpu.memref_slice %arg7[%dma_start3A_113, %dma_start3A_120] : memref<2x800xi32, #tpu.memory_space<vmem>> -> memref<1x800xi32, #tpu.memory_space<vmem>>
      %dma_start3A_122 = tpu.memref_squeeze %dma_start3A_121 : memref<1x800xi32, #tpu.memory_space<vmem>> -> memref<800xi32, #tpu.memory_space<vmem>>
      %dma_start3A_123 = arith.constant 0 : i32
      %dma_start3A_124 = arith.constant 0 : i32
      %dma_start3A_125 = tpu.memref_slice %arg5[%dma_start3A_123, %dma_start3A_124] : memref<401408x16xf32, #tpu.memory_space<hbm>> -> memref<401408x16xf32, #tpu.memory_space<hbm>>
      %dma_start3A_126 = tpu.memref_slice %arg13[%dma_start3A_115] : memref<2x!tpu.dma_semaphore, #tpu.memory_space<semaphore_mem>> -> memref<1x!tpu.dma_semaphore, #tpu.memory_space<semaphore_mem>>
      %dma_start3A_127 = tpu.memref_squeeze %dma_start3A_126 : memref<1x!tpu.dma_semaphore, #tpu.memory_space<semaphore_mem>> -> memref<!tpu.dma_semaphore, #tpu.memory_space<semaphore_mem>>
      tpu.enqueue_indirect_dma source(%dma_start3A_125 : memref<401408x16xf32, #tpu.memory_space<hbm>>) target(%dma_start3A_119 : memref<800x16xf32, #tpu.memory_space<vmem>>) offsets(%dma_start3A_122 : memref<800xi32, #tpu.memory_space<vmem>>) semaphore(%dma_start3A_127 : memref<!tpu.dma_semaphore, #tpu.memory_space<semaphore_mem>>)
      %scan3A_128 = arith.constant 0 : i32
      %scan3A_129 = arith.constant 62 : i32
      %scan3A_130 = arith.addi %scan3A_128, %scan3A_129 : i32
      %scan3A_131 = arith.constant 1 : i32
      scf.for %scan3A_198 = %scan3A_128 to %scan3A_130 step %scan3A_131  : i32 {
        %mul3A_199 = arith.constant 1 : i32
        %mul3A_200 = arith.muli %scan3A_198, %mul3A_199 : i32
        %add3A_201 = arith.constant 0 : i32
        %add3A_202 = arith.addi %add3A_201, %mul3A_200 : i32
        %mul3A_203 = arith.constant 2 : i32
        %mul3A_204 = arith.muli %mul3A_203, %add3A_202 : i32
        %add3A_205 = arith.constant 1 : i32
        %add3A_206 = arith.addi %mul3A_204, %add3A_205 : i32
        %mul3A_207 = arith.constant 100000 : i32
        %mul3A_208 = arith.muli %arg1, %mul3A_207 : i32
        %min3A_209 = arith.constant 124 : i32
        %min3A_210 = arith.minsi %add3A_206, %min3A_209 : i32
        %mul3A_211 = arith.constant 800 : i32
        %mul3A_212 = arith.muli %min3A_210, %mul3A_211 : i32
        %add3A_213 = arith.addi %mul3A_208, %mul3A_212 : i32
        %dma_start3A_214 = arith.constant 1 : i32
        %dma_start3A_215 = arith.constant 1 : i32
        %dma_start3A_216 = arith.constant 0 : i32
        %dma_start3A_217 = tpu.memref_slice %arg7[%dma_start3A_214, %dma_start3A_216] : memref<2x800xi32, #tpu.memory_space<vmem>> -> memref<1x800xi32, #tpu.memory_space<vmem>>
        %dma_start3A_218 = tpu.memref_squeeze %dma_start3A_217 : memref<1x800xi32, #tpu.memory_space<vmem>> -> memref<800xi32, #tpu.memory_space<vmem>>
        %dma_start3A_219 = tpu.memref_slice %arg2[%add3A_9, %add3A_213] : memref<4x1600000xi32, #tpu.memory_space<hbm>> -> memref<1x800xi32, #tpu.memory_space<hbm>>
        %dma_start3A_220 = tpu.memref_squeeze %dma_start3A_219 : memref<1x800xi32, #tpu.memory_space<hbm>> -> memref<800xi32, #tpu.memory_space<hbm>>
        %dma_start3A_221 = tpu.memref_slice %arg11[%dma_start3A_215] : memref<2x!tpu.dma_semaphore, #tpu.memory_space<semaphore_mem>> -> memref<1x!tpu.dma_semaphore, #tpu.memory_space<semaphore_mem>>
        %dma_start3A_222 = tpu.memref_squeeze %dma_start3A_221 : memref<1x!tpu.dma_semaphore, #tpu.memory_space<semaphore_mem>> -> memref<!tpu.dma_semaphore, #tpu.memory_space<semaphore_mem>>
        %dma_start3A_223 = arith.constant 0 : i32
        %dma_start3A_224 = tpu.memref_slice %arg7[%dma_start3A_214, %dma_start3A_223] : memref<2x800xi32, #tpu.memory_space<vmem>> -> memref<1x800xi32, #tpu.memory_space<vmem>>
        %dma_start3A_225 = tpu.memref_squeeze %dma_start3A_224 : memref<1x800xi32, #tpu.memory_space<vmem>> -> memref<800xi32, #tpu.memory_space<vmem>>
        %dma_start3A_226 = tpu.memref_slice %arg2[%add3A_9, %add3A_213] : memref<4x1600000xi32, #tpu.memory_space<hbm>> -> memref<1x800xi32, #tpu.memory_space<hbm>>
        %dma_start3A_227 = tpu.memref_squeeze %dma_start3A_226 : memref<1x800xi32, #tpu.memory_space<hbm>> -> memref<800xi32, #tpu.memory_space<hbm>>
        tpu.enqueue_dma source(%dma_start3A_227 : memref<800xi32, #tpu.memory_space<hbm>>) target(%dma_start3A_225 : memref<800xi32, #tpu.memory_space<vmem>>) target_semaphore(%dma_start3A_222 : memref<!tpu.dma_semaphore, #tpu.memory_space<semaphore_mem>>)
        %dma_wait3A_228 = arith.constant 0 : i32
        %dma_wait3A_229 = arith.constant 0 : i32
        %dma_wait3A_230 = arith.constant 0 : i32
        %dma_wait3A_231 = arith.constant 0 : i32
        %dma_wait3A_232 = arith.constant 0 : i32
        %dma_wait3A_233 = tpu.memref_slice %arg9[%dma_wait3A_229, %dma_wait3A_231, %dma_wait3A_232] : memref<2x800x16xf32, #tpu.memory_space<vmem>> -> memref<1x800x16xf32, #tpu.memory_space<vmem>>
        %dma_wait3A_234 = tpu.memref_squeeze %dma_wait3A_233 : memref<1x800x16xf32, #tpu.memory_space<vmem>> -> memref<800x16xf32, #tpu.memory_space<vmem>>
        %dma_wait3A_235 = arith.constant 0 : i32
        %dma_wait3A_236 = tpu.memref_slice %arg7[%dma_wait3A_228, %dma_wait3A_235] : memref<2x800xi32, #tpu.memory_space<vmem>> -> memref<1x800xi32, #tpu.memory_space<vmem>>
        %dma_wait3A_237 = tpu.memref_squeeze %dma_wait3A_236 : memref<1x800xi32, #tpu.memory_space<vmem>> -> memref<800xi32, #tpu.memory_space<vmem>>
        %dma_wait3A_238 = arith.constant 0 : i32
        %dma_wait3A_239 = arith.constant 0 : i32
        %dma_wait3A_240 = tpu.memref_slice %arg5[%dma_wait3A_238, %dma_wait3A_239] : memref<401408x16xf32, #tpu.memory_space<hbm>> -> memref<401408x16xf32, #tpu.memory_space<hbm>>
        %dma_wait3A_241 = tpu.memref_slice %arg13[%dma_wait3A_230] : memref<2x!tpu.dma_semaphore, #tpu.memory_space<semaphore_mem>> -> memref<1x!tpu.dma_semaphore, #tpu.memory_space<semaphore_mem>>
        %dma_wait3A_242 = tpu.memref_squeeze %dma_wait3A_241 : memref<1x!tpu.dma_semaphore, #tpu.memory_space<semaphore_mem>> -> memref<!tpu.dma_semaphore, #tpu.memory_space<semaphore_mem>>
        tpu.wait_indirect_dma semaphore(%dma_wait3A_242 : memref<!tpu.dma_semaphore, #tpu.memory_space<semaphore_mem>>) src(%dma_wait3A_240 : memref<401408x16xf32, #tpu.memory_space<hbm>>) dst(%dma_wait3A_234 : memref<800x16xf32, #tpu.memory_space<vmem>>)
        %dma_start3A_243 = arith.constant 0 : i32
        %dma_start3A_244 = arith.constant 0 : i32
        %dma_start3A_245 = arith.constant 0 : i32
        %dma_start3A_246 = arith.constant 0 : i32
        %dma_start3A_247 = arith.constant 0 : i32
        %dma_start3A_248 = tpu.memref_slice %arg9[%dma_start3A_243, %dma_start3A_246, %dma_start3A_247] : memref<2x800x16xf32, #tpu.memory_space<vmem>> -> memref<1x800x16xf32, #tpu.memory_space<vmem>>
        %dma_start3A_249 = tpu.memref_squeeze %dma_start3A_248 : memref<1x800x16xf32, #tpu.memory_space<vmem>> -> memref<800x16xf32, #tpu.memory_space<vmem>>
        %dma_start3A_250 = arith.constant 0 : i32
        %dma_start3A_251 = tpu.memref_slice %arg8[%dma_start3A_244, %dma_start3A_250] : memref<2x800xi32, #tpu.memory_space<vmem>> -> memref<1x800xi32, #tpu.memory_space<vmem>>
        %dma_start3A_252 = tpu.memref_squeeze %dma_start3A_251 : memref<1x800xi32, #tpu.memory_space<vmem>> -> memref<800xi32, #tpu.memory_space<vmem>>
        %dma_start3A_253 = arith.constant 0 : i32
        %dma_start3A_254 = arith.constant 0 : i32
        %dma_start3A_255 = tpu.memref_slice %arg10[%dma_start3A_253, %dma_start3A_254] : memref<100352x16xf32, #tpu.memory_space<vmem_shared>> -> memref<100352x16xf32, #tpu.memory_space<vmem_shared>>
        %dma_start3A_256 = tpu.memref_slice %arg14[%dma_start3A_245] : memref<2x!tpu.dma_semaphore, #tpu.memory_space<semaphore_mem>> -> memref<1x!tpu.dma_semaphore, #tpu.memory_space<semaphore_mem>>
        %dma_start3A_257 = tpu.memref_squeeze %dma_start3A_256 : memref<1x!tpu.dma_semaphore, #tpu.memory_space<semaphore_mem>> -> memref<!tpu.dma_semaphore, #tpu.memory_space<semaphore_mem>>
        tpu.enqueue_indirect_dma source(%dma_start3A_249 : memref<800x16xf32, #tpu.memory_space<vmem>>) target(%dma_start3A_255 : memref<100352x16xf32, #tpu.memory_space<vmem_shared>>) offsets(%dma_start3A_252 : memref<800xi32, #tpu.memory_space<vmem>>) semaphore(%dma_start3A_257 : memref<!tpu.dma_semaphore, #tpu.memory_space<semaphore_mem>>) {add = true}
        %dma_wait3A_258 = arith.constant 1 : i32
        %dma_wait3A_259 = arith.constant 1 : i32
        %dma_wait3A_260 = arith.constant 1 : i32
        %dma_wait3A_261 = arith.constant 0 : i32
        %dma_wait3A_262 = arith.constant 0 : i32
        %dma_wait3A_263 = tpu.memref_slice %arg9[%dma_wait3A_258, %dma_wait3A_261, %dma_wait3A_262] : memref<2x800x16xf32, #tpu.memory_space<vmem>> -> memref<1x800x16xf32, #tpu.memory_space<vmem>>
        %dma_wait3A_264 = tpu.memref_squeeze %dma_wait3A_263 : memref<1x800x16xf32, #tpu.memory_space<vmem>> -> memref<800x16xf32, #tpu.memory_space<vmem>>
        %dma_wait3A_265 = arith.constant 0 : i32
        %dma_wait3A_266 = tpu.memref_slice %arg8[%dma_wait3A_259, %dma_wait3A_265] : memref<2x800xi32, #tpu.memory_space<vmem>> -> memref<1x800xi32, #tpu.memory_space<vmem>>
        %dma_wait3A_267 = tpu.memref_squeeze %dma_wait3A_266 : memref<1x800xi32, #tpu.memory_space<vmem>> -> memref<800xi32, #tpu.memory_space<vmem>>
        %dma_wait3A_268 = arith.constant 0 : i32
        %dma_wait3A_269 = arith.constant 0 : i32
        %dma_wait3A_270 = tpu.memref_slice %arg10[%dma_wait3A_268, %dma_wait3A_269] : memref<100352x16xf32, #tpu.memory_space<vmem_shared>> -> memref<100352x16xf32, #tpu.memory_space<vmem_shared>>
        %dma_wait3A_271 = tpu.memref_slice %arg14[%dma_wait3A_260] : memref<2x!tpu.dma_semaphore, #tpu.memory_space<semaphore_mem>> -> memref<1x!tpu.dma_semaphore, #tpu.memory_space<semaphore_mem>>
        %dma_wait3A_272 = tpu.memref_squeeze %dma_wait3A_271 : memref<1x!tpu.dma_semaphore, #tpu.memory_space<semaphore_mem>> -> memref<!tpu.dma_semaphore, #tpu.memory_space<semaphore_mem>>
        tpu.wait_indirect_dma semaphore(%dma_wait3A_272 : memref<!tpu.dma_semaphore, #tpu.memory_space<semaphore_mem>>) src(%dma_wait3A_264 : memref<800x16xf32, #tpu.memory_space<vmem>>) dst(%dma_wait3A_270 : memref<100352x16xf32, #tpu.memory_space<vmem_shared>>)
        %add3A_273 = arith.constant 1 : i32
        %add3A_274 = arith.addi %mul3A_204, %add3A_273 : i32
        %mul3A_275 = arith.constant 100000 : i32
        %mul3A_276 = arith.muli %arg1, %mul3A_275 : i32
        %min3A_277 = arith.constant 124 : i32
        %min3A_278 = arith.minsi %add3A_274, %min3A_277 : i32
        %mul3A_279 = arith.constant 800 : i32
        %mul3A_280 = arith.muli %min3A_278, %mul3A_279 : i32
        %add3A_281 = arith.addi %mul3A_276, %mul3A_280 : i32
        %dma_start3A_282 = arith.constant 1 : i32
        %dma_start3A_283 = arith.constant 1 : i32
        %dma_start3A_284 = arith.constant 0 : i32
        %dma_start3A_285 = tpu.memref_slice %arg8[%dma_start3A_282, %dma_start3A_284] : memref<2x800xi32, #tpu.memory_space<vmem>> -> memref<1x800xi32, #tpu.memory_space<vmem>>
        %dma_start3A_286 = tpu.memref_squeeze %dma_start3A_285 : memref<1x800xi32, #tpu.memory_space<vmem>> -> memref<800xi32, #tpu.memory_space<vmem>>
        %dma_start3A_287 = tpu.memref_slice %arg3[%add3A_281] : memref<1600000xi32, #tpu.memory_space<hbm>> -> memref<800xi32, #tpu.memory_space<hbm>>
        %dma_start3A_288 = tpu.memref_slice %arg12[%dma_start3A_283] : memref<2x!tpu.dma_semaphore, #tpu.memory_space<semaphore_mem>> -> memref<1x!tpu.dma_semaphore, #tpu.memory_space<semaphore_mem>>
        %dma_start3A_289 = tpu.memref_squeeze %dma_start3A_288 : memref<1x!tpu.dma_semaphore, #tpu.memory_space<semaphore_mem>> -> memref<!tpu.dma_semaphore, #tpu.memory_space<semaphore_mem>>
        %dma_start3A_290 = arith.constant 0 : i32
        %dma_start3A_291 = tpu.memref_slice %arg8[%dma_start3A_282, %dma_start3A_290] : memref<2x800xi32, #tpu.memory_space<vmem>> -> memref<1x800xi32, #tpu.memory_space<vmem>>
        %dma_start3A_292 = tpu.memref_squeeze %dma_start3A_291 : memref<1x800xi32, #tpu.memory_space<vmem>> -> memref<800xi32, #tpu.memory_space<vmem>>
        %dma_start3A_293 = tpu.memref_slice %arg3[%add3A_281] : memref<1600000xi32, #tpu.memory_space<hbm>> -> memref<800xi32, #tpu.memory_space<hbm>>
        tpu.enqueue_dma source(%dma_start3A_293 : memref<800xi32, #tpu.memory_space<hbm>>) target(%dma_start3A_292 : memref<800xi32, #tpu.memory_space<vmem>>) target_semaphore(%dma_start3A_289 : memref<!tpu.dma_semaphore, #tpu.memory_space<semaphore_mem>>)
        %mul3A_294 = arith.constant 100000 : i32
        %mul3A_295 = arith.muli %arg1, %mul3A_294 : i32
        %min3A_296 = arith.constant 124 : i32
        %min3A_297 = arith.minsi %add3A_274, %min3A_296 : i32
        %mul3A_298 = arith.constant 800 : i32
        %mul3A_299 = arith.muli %min3A_297, %mul3A_298 : i32
        %add3A_300 = arith.addi %mul3A_295, %mul3A_299 : i32
        %dma_wait3A_301 = arith.constant 1 : i32
        %dma_wait3A_302 = arith.constant 1 : i32
        %dma_wait3A_303 = arith.constant 0 : i32
        %dma_wait3A_304 = tpu.memref_slice %arg8[%dma_wait3A_301, %dma_wait3A_303] : memref<2x800xi32, #tpu.memory_space<vmem>> -> memref<1x800xi32, #tpu.memory_space<vmem>>
        %dma_wait3A_305 = tpu.memref_squeeze %dma_wait3A_304 : memref<1x800xi32, #tpu.memory_space<vmem>> -> memref<800xi32, #tpu.memory_space<vmem>>
        %dma_wait3A_306 = tpu.memref_slice %arg3[%add3A_300] : memref<1600000xi32, #tpu.memory_space<hbm>> -> memref<800xi32, #tpu.memory_space<hbm>>
        %dma_wait3A_307 = tpu.memref_slice %arg12[%dma_wait3A_302] : memref<2x!tpu.dma_semaphore, #tpu.memory_space<semaphore_mem>> -> memref<1x!tpu.dma_semaphore, #tpu.memory_space<semaphore_mem>>
        %dma_wait3A_308 = tpu.memref_squeeze %dma_wait3A_307 : memref<1x!tpu.dma_semaphore, #tpu.memory_space<semaphore_mem>> -> memref<!tpu.dma_semaphore, #tpu.memory_space<semaphore_mem>>
        %dma_wait3A_309 = arith.constant 0 : i32
        %dma_wait3A_310 = tpu.memref_slice %arg8[%dma_wait3A_301, %dma_wait3A_309] : memref<2x800xi32, #tpu.memory_space<vmem>> -> memref<1x800xi32, #tpu.memory_space<vmem>>
        %dma_wait3A_311 = tpu.memref_squeeze %dma_wait3A_310 : memref<1x800xi32, #tpu.memory_space<vmem>> -> memref<800xi32, #tpu.memory_space<vmem>>
        %dma_wait3A_312 = tpu.memref_slice %arg3[%add3A_300] : memref<1600000xi32, #tpu.memory_space<hbm>> -> memref<800xi32, #tpu.memory_space<hbm>>
        tpu.wait_dma2 semaphore(%dma_wait3A_308 : memref<!tpu.dma_semaphore, #tpu.memory_space<semaphore_mem>>) src(%dma_wait3A_312 : memref<800xi32, #tpu.memory_space<hbm>>) dst(%dma_wait3A_311 : memref<800xi32, #tpu.memory_space<vmem>>)
        %add3A_313 = arith.constant 1 : i32
        %add3A_314 = arith.addi %mul3A_204, %add3A_313 : i32
        %mul3A_315 = arith.constant 100000 : i32
        %mul3A_316 = arith.muli %arg1, %mul3A_315 : i32
        %min3A_317 = arith.constant 124 : i32
        %min3A_318 = arith.minsi %add3A_314, %min3A_317 : i32
        %mul3A_319 = arith.constant 800 : i32
        %mul3A_320 = arith.muli %min3A_318, %mul3A_319 : i32
        %add3A_321 = arith.addi %mul3A_316, %mul3A_320 : i32
        %dma_wait3A_322 = arith.constant 1 : i32
        %dma_wait3A_323 = arith.constant 1 : i32
        %dma_wait3A_324 = arith.constant 0 : i32
        %dma_wait3A_325 = tpu.memref_slice %arg7[%dma_wait3A_322, %dma_wait3A_324] : memref<2x800xi32, #tpu.memory_space<vmem>> -> memref<1x800xi32, #tpu.memory_space<vmem>>
        %dma_wait3A_326 = tpu.memref_squeeze %dma_wait3A_325 : memref<1x800xi32, #tpu.memory_space<vmem>> -> memref<800xi32, #tpu.memory_space<vmem>>
        %dma_wait3A_327 = tpu.memref_slice %arg2[%add3A_9, %add3A_321] : memref<4x1600000xi32, #tpu.memory_space<hbm>> -> memref<1x800xi32, #tpu.memory_space<hbm>>
        %dma_wait3A_328 = tpu.memref_squeeze %dma_wait3A_327 : memref<1x800xi32, #tpu.memory_space<hbm>> -> memref<800xi32, #tpu.memory_space<hbm>>
        %dma_wait3A_329 = tpu.memref_slice %arg11[%dma_wait3A_323] : memref<2x!tpu.dma_semaphore, #tpu.memory_space<semaphore_mem>> -> memref<1x!tpu.dma_semaphore, #tpu.memory_space<semaphore_mem>>
        %dma_wait3A_330 = tpu.memref_squeeze %dma_wait3A_329 : memref<1x!tpu.dma_semaphore, #tpu.memory_space<semaphore_mem>> -> memref<!tpu.dma_semaphore, #tpu.memory_space<semaphore_mem>>
        %dma_wait3A_331 = arith.constant 0 : i32
        %dma_wait3A_332 = tpu.memref_slice %arg7[%dma_wait3A_322, %dma_wait3A_331] : memref<2x800xi32, #tpu.memory_space<vmem>> -> memref<1x800xi32, #tpu.memory_space<vmem>>
        %dma_wait3A_333 = tpu.memref_squeeze %dma_wait3A_332 : memref<1x800xi32, #tpu.memory_space<vmem>> -> memref<800xi32, #tpu.memory_space<vmem>>
        %dma_wait3A_334 = tpu.memref_slice %arg2[%add3A_9, %add3A_321] : memref<4x1600000xi32, #tpu.memory_space<hbm>> -> memref<1x800xi32, #tpu.memory_space<hbm>>
        %dma_wait3A_335 = tpu.memref_squeeze %dma_wait3A_334 : memref<1x800xi32, #tpu.memory_space<hbm>> -> memref<800xi32, #tpu.memory_space<hbm>>
        tpu.wait_dma2 semaphore(%dma_wait3A_330 : memref<!tpu.dma_semaphore, #tpu.memory_space<semaphore_mem>>) src(%dma_wait3A_335 : memref<800xi32, #tpu.memory_space<hbm>>) dst(%dma_wait3A_333 : memref<800xi32, #tpu.memory_space<vmem>>)
        %dma_start3A_336 = arith.constant 1 : i32
        %dma_start3A_337 = arith.constant 1 : i32
        %dma_start3A_338 = arith.constant 1 : i32
        %dma_start3A_339 = arith.constant 0 : i32
        %dma_start3A_340 = arith.constant 0 : i32
        %dma_start3A_341 = tpu.memref_slice %arg9[%dma_start3A_337, %dma_start3A_339, %dma_start3A_340] : memref<2x800x16xf32, #tpu.memory_space<vmem>> -> memref<1x800x16xf32, #tpu.memory_space<vmem>>
        %dma_start3A_342 = tpu.memref_squeeze %dma_start3A_341 : memref<1x800x16xf32, #tpu.memory_space<vmem>> -> memref<800x16xf32, #tpu.memory_space<vmem>>
        %dma_start3A_343 = arith.constant 0 : i32
        %dma_start3A_344 = tpu.memref_slice %arg7[%dma_start3A_336, %dma_start3A_343] : memref<2x800xi32, #tpu.memory_space<vmem>> -> memref<1x800xi32, #tpu.memory_space<vmem>>
        %dma_start3A_345 = tpu.memref_squeeze %dma_start3A_344 : memref<1x800xi32, #tpu.memory_space<vmem>> -> memref<800xi32, #tpu.memory_space<vmem>>
        %dma_start3A_346 = arith.constant 0 : i32
        %dma_start3A_347 = arith.constant 0 : i32
        %dma_start3A_348 = tpu.memref_slice %arg5[%dma_start3A_346, %dma_start3A_347] : memref<401408x16xf32, #tpu.memory_space<hbm>> -> memref<401408x16xf32, #tpu.memory_space<hbm>>
        %dma_start3A_349 = tpu.memref_slice %arg13[%dma_start3A_338] : memref<2x!tpu.dma_semaphore, #tpu.memory_space<semaphore_mem>> -> memref<1x!tpu.dma_semaphore, #tpu.memory_space<semaphore_mem>>
        %dma_start3A_350 = tpu.memref_squeeze %dma_start3A_349 : memref<1x!tpu.dma_semaphore, #tpu.memory_space<semaphore_mem>> -> memref<!tpu.dma_semaphore, #tpu.memory_space<semaphore_mem>>
        tpu.enqueue_indirect_dma source(%dma_start3A_348 : memref<401408x16xf32, #tpu.memory_space<hbm>>) target(%dma_start3A_342 : memref<800x16xf32, #tpu.memory_space<vmem>>) offsets(%dma_start3A_345 : memref<800xi32, #tpu.memory_space<vmem>>) semaphore(%dma_start3A_350 : memref<!tpu.dma_semaphore, #tpu.memory_space<semaphore_mem>>)
        %add3A_351 = arith.constant 2 : i32
        %add3A_352 = arith.addi %mul3A_204, %add3A_351 : i32
        %mul3A_353 = arith.constant 100000 : i32
        %mul3A_354 = arith.muli %arg1, %mul3A_353 : i32
        %min3A_355 = arith.constant 124 : i32
        %min3A_356 = arith.minsi %add3A_352, %min3A_355 : i32
        %mul3A_357 = arith.constant 800 : i32
        %mul3A_358 = arith.muli %min3A_356, %mul3A_357 : i32
        %add3A_359 = arith.addi %mul3A_354, %mul3A_358 : i32
        %dma_start3A_360 = arith.constant 0 : i32
        %dma_start3A_361 = arith.constant 0 : i32
        %dma_start3A_362 = arith.constant 0 : i32
        %dma_start3A_363 = tpu.memref_slice %arg7[%dma_start3A_360, %dma_start3A_362] : memref<2x800xi32, #tpu.memory_space<vmem>> -> memref<1x800xi32, #tpu.memory_space<vmem>>
        %dma_start3A_364 = tpu.memref_squeeze %dma_start3A_363 : memref<1x800xi32, #tpu.memory_space<vmem>> -> memref<800xi32, #tpu.memory_space<vmem>>
        %dma_start3A_365 = tpu.memref_slice %arg2[%add3A_9, %add3A_359] : memref<4x1600000xi32, #tpu.memory_space<hbm>> -> memref<1x800xi32, #tpu.memory_space<hbm>>
        %dma_start3A_366 = tpu.memref_squeeze %dma_start3A_365 : memref<1x800xi32, #tpu.memory_space<hbm>> -> memref<800xi32, #tpu.memory_space<hbm>>
        %dma_start3A_367 = tpu.memref_slice %arg11[%dma_start3A_361] : memref<2x!tpu.dma_semaphore, #tpu.memory_space<semaphore_mem>> -> memref<1x!tpu.dma_semaphore, #tpu.memory_space<semaphore_mem>>
        %dma_start3A_368 = tpu.memref_squeeze %dma_start3A_367 : memref<1x!tpu.dma_semaphore, #tpu.memory_space<semaphore_mem>> -> memref<!tpu.dma_semaphore, #tpu.memory_space<semaphore_mem>>
        %dma_start3A_369 = arith.constant 0 : i32
        %dma_start3A_370 = tpu.memref_slice %arg7[%dma_start3A_360, %dma_start3A_369] : memref<2x800xi32, #tpu.memory_space<vmem>> -> memref<1x800xi32, #tpu.memory_space<vmem>>
        %dma_start3A_371 = tpu.memref_squeeze %dma_start3A_370 : memref<1x800xi32, #tpu.memory_space<vmem>> -> memref<800xi32, #tpu.memory_space<vmem>>
        %dma_start3A_372 = tpu.memref_slice %arg2[%add3A_9, %add3A_359] : memref<4x1600000xi32, #tpu.memory_space<hbm>> -> memref<1x800xi32, #tpu.memory_space<hbm>>
        %dma_start3A_373 = tpu.memref_squeeze %dma_start3A_372 : memref<1x800xi32, #tpu.memory_space<hbm>> -> memref<800xi32, #tpu.memory_space<hbm>>
        tpu.enqueue_dma source(%dma_start3A_373 : memref<800xi32, #tpu.memory_space<hbm>>) target(%dma_start3A_371 : memref<800xi32, #tpu.memory_space<vmem>>) target_semaphore(%dma_start3A_368 : memref<!tpu.dma_semaphore, #tpu.memory_space<semaphore_mem>>)
        %dma_wait3A_374 = arith.constant 1 : i32
        %dma_wait3A_375 = arith.constant 1 : i32
        %dma_wait3A_376 = arith.constant 1 : i32
        %dma_wait3A_377 = arith.constant 0 : i32
        %dma_wait3A_378 = arith.constant 0 : i32
        %dma_wait3A_379 = tpu.memref_slice %arg9[%dma_wait3A_375, %dma_wait3A_377, %dma_wait3A_378] : memref<2x800x16xf32, #tpu.memory_space<vmem>> -> memref<1x800x16xf32, #tpu.memory_space<vmem>>
        %dma_wait3A_380 = tpu.memref_squeeze %dma_wait3A_379 : memref<1x800x16xf32, #tpu.memory_space<vmem>> -> memref<800x16xf32, #tpu.memory_space<vmem>>
        %dma_wait3A_381 = arith.constant 0 : i32
        %dma_wait3A_382 = tpu.memref_slice %arg7[%dma_wait3A_374, %dma_wait3A_381] : memref<2x800xi32, #tpu.memory_space<vmem>> -> memref<1x800xi32, #tpu.memory_space<vmem>>
        %dma_wait3A_383 = tpu.memref_squeeze %dma_wait3A_382 : memref<1x800xi32, #tpu.memory_space<vmem>> -> memref<800xi32, #tpu.memory_space<vmem>>
        %dma_wait3A_384 = arith.constant 0 : i32
        %dma_wait3A_385 = arith.constant 0 : i32
        %dma_wait3A_386 = tpu.memref_slice %arg5[%dma_wait3A_384, %dma_wait3A_385] : memref<401408x16xf32, #tpu.memory_space<hbm>> -> memref<401408x16xf32, #tpu.memory_space<hbm>>
        %dma_wait3A_387 = tpu.memref_slice %arg13[%dma_wait3A_376] : memref<2x!tpu.dma_semaphore, #tpu.memory_space<semaphore_mem>> -> memref<1x!tpu.dma_semaphore, #tpu.memory_space<semaphore_mem>>
        %dma_wait3A_388 = tpu.memref_squeeze %dma_wait3A_387 : memref<1x!tpu.dma_semaphore, #tpu.memory_space<semaphore_mem>> -> memref<!tpu.dma_semaphore, #tpu.memory_space<semaphore_mem>>
        tpu.wait_indirect_dma semaphore(%dma_wait3A_388 : memref<!tpu.dma_semaphore, #tpu.memory_space<semaphore_mem>>) src(%dma_wait3A_386 : memref<401408x16xf32, #tpu.memory_space<hbm>>) dst(%dma_wait3A_380 : memref<800x16xf32, #tpu.memory_space<vmem>>)
        %dma_start3A_389 = arith.constant 1 : i32
        %dma_start3A_390 = arith.constant 1 : i32
        %dma_start3A_391 = arith.constant 1 : i32
        %dma_start3A_392 = arith.constant 0 : i32
        %dma_start3A_393 = arith.constant 0 : i32
        %dma_start3A_394 = tpu.memref_slice %arg9[%dma_start3A_389, %dma_start3A_392, %dma_start3A_393] : memref<2x800x16xf32, #tpu.memory_space<vmem>> -> memref<1x800x16xf32, #tpu.memory_space<vmem>>
        %dma_start3A_395 = tpu.memref_squeeze %dma_start3A_394 : memref<1x800x16xf32, #tpu.memory_space<vmem>> -> memref<800x16xf32, #tpu.memory_space<vmem>>
        %dma_start3A_396 = arith.constant 0 : i32
        %dma_start3A_397 = tpu.memref_slice %arg8[%dma_start3A_390, %dma_start3A_396] : memref<2x800xi32, #tpu.memory_space<vmem>> -> memref<1x800xi32, #tpu.memory_space<vmem>>
        %dma_start3A_398 = tpu.memref_squeeze %dma_start3A_397 : memref<1x800xi32, #tpu.memory_space<vmem>> -> memref<800xi32, #tpu.memory_space<vmem>>
        %dma_start3A_399 = arith.constant 0 : i32
        %dma_start3A_400 = arith.constant 0 : i32
        %dma_start3A_401 = tpu.memref_slice %arg10[%dma_start3A_399, %dma_start3A_400] : memref<100352x16xf32, #tpu.memory_space<vmem_shared>> -> memref<100352x16xf32, #tpu.memory_space<vmem_shared>>
        %dma_start3A_402 = tpu.memref_slice %arg14[%dma_start3A_391] : memref<2x!tpu.dma_semaphore, #tpu.memory_space<semaphore_mem>> -> memref<1x!tpu.dma_semaphore, #tpu.memory_space<semaphore_mem>>
        %dma_start3A_403 = tpu.memref_squeeze %dma_start3A_402 : memref<1x!tpu.dma_semaphore, #tpu.memory_space<semaphore_mem>> -> memref<!tpu.dma_semaphore, #tpu.memory_space<semaphore_mem>>
        tpu.enqueue_indirect_dma source(%dma_start3A_395 : memref<800x16xf32, #tpu.memory_space<vmem>>) target(%dma_start3A_401 : memref<100352x16xf32, #tpu.memory_space<vmem_shared>>) offsets(%dma_start3A_398 : memref<800xi32, #tpu.memory_space<vmem>>) semaphore(%dma_start3A_403 : memref<!tpu.dma_semaphore, #tpu.memory_space<semaphore_mem>>) {add = true}
        %dma_wait3A_404 = arith.constant 0 : i32
        %dma_wait3A_405 = arith.constant 0 : i32
        %dma_wait3A_406 = arith.constant 0 : i32
        %dma_wait3A_407 = arith.constant 0 : i32
        %dma_wait3A_408 = arith.constant 0 : i32
        %dma_wait3A_409 = tpu.memref_slice %arg9[%dma_wait3A_404, %dma_wait3A_407, %dma_wait3A_408] : memref<2x800x16xf32, #tpu.memory_space<vmem>> -> memref<1x800x16xf32, #tpu.memory_space<vmem>>
        %dma_wait3A_410 = tpu.memref_squeeze %dma_wait3A_409 : memref<1x800x16xf32, #tpu.memory_space<vmem>> -> memref<800x16xf32, #tpu.memory_space<vmem>>
        %dma_wait3A_411 = arith.constant 0 : i32
        %dma_wait3A_412 = tpu.memref_slice %arg8[%dma_wait3A_405, %dma_wait3A_411] : memref<2x800xi32, #tpu.memory_space<vmem>> -> memref<1x800xi32, #tpu.memory_space<vmem>>
        %dma_wait3A_413 = tpu.memref_squeeze %dma_wait3A_412 : memref<1x800xi32, #tpu.memory_space<vmem>> -> memref<800xi32, #tpu.memory_space<vmem>>
        %dma_wait3A_414 = arith.constant 0 : i32
        %dma_wait3A_415 = arith.constant 0 : i32
        %dma_wait3A_416 = tpu.memref_slice %arg10[%dma_wait3A_414, %dma_wait3A_415] : memref<100352x16xf32, #tpu.memory_space<vmem_shared>> -> memref<100352x16xf32, #tpu.memory_space<vmem_shared>>
        %dma_wait3A_417 = tpu.memref_slice %arg14[%dma_wait3A_406] : memref<2x!tpu.dma_semaphore, #tpu.memory_space<semaphore_mem>> -> memref<1x!tpu.dma_semaphore, #tpu.memory_space<semaphore_mem>>
        %dma_wait3A_418 = tpu.memref_squeeze %dma_wait3A_417 : memref<1x!tpu.dma_semaphore, #tpu.memory_space<semaphore_mem>> -> memref<!tpu.dma_semaphore, #tpu.memory_space<semaphore_mem>>
        tpu.wait_indirect_dma semaphore(%dma_wait3A_418 : memref<!tpu.dma_semaphore, #tpu.memory_space<semaphore_mem>>) src(%dma_wait3A_410 : memref<800x16xf32, #tpu.memory_space<vmem>>) dst(%dma_wait3A_416 : memref<100352x16xf32, #tpu.memory_space<vmem_shared>>)
        %add3A_419 = arith.constant 2 : i32
        %add3A_420 = arith.addi %mul3A_204, %add3A_419 : i32
        %mul3A_421 = arith.constant 100000 : i32
        %mul3A_422 = arith.muli %arg1, %mul3A_421 : i32
        %min3A_423 = arith.constant 124 : i32
        %min3A_424 = arith.minsi %add3A_420, %min3A_423 : i32
        %mul3A_425 = arith.constant 800 : i32
        %mul3A_426 = arith.muli %min3A_424, %mul3A_425 : i32
        %add3A_427 = arith.addi %mul3A_422, %mul3A_426 : i32
        %dma_start3A_428 = arith.constant 0 : i32
        %dma_start3A_429 = arith.constant 0 : i32
        %dma_start3A_430 = arith.constant 0 : i32
        %dma_start3A_431 = tpu.memref_slice %arg8[%dma_start3A_428, %dma_start3A_430] : memref<2x800xi32, #tpu.memory_space<vmem>> -> memref<1x800xi32, #tpu.memory_space<vmem>>
        %dma_start3A_432 = tpu.memref_squeeze %dma_start3A_431 : memref<1x800xi32, #tpu.memory_space<vmem>> -> memref<800xi32, #tpu.memory_space<vmem>>
        %dma_start3A_433 = tpu.memref_slice %arg3[%add3A_427] : memref<1600000xi32, #tpu.memory_space<hbm>> -> memref<800xi32, #tpu.memory_space<hbm>>
        %dma_start3A_434 = tpu.memref_slice %arg12[%dma_start3A_429] : memref<2x!tpu.dma_semaphore, #tpu.memory_space<semaphore_mem>> -> memref<1x!tpu.dma_semaphore, #tpu.memory_space<semaphore_mem>>
        %dma_start3A_435 = tpu.memref_squeeze %dma_start3A_434 : memref<1x!tpu.dma_semaphore, #tpu.memory_space<semaphore_mem>> -> memref<!tpu.dma_semaphore, #tpu.memory_space<semaphore_mem>>
        %dma_start3A_436 = arith.constant 0 : i32
        %dma_start3A_437 = tpu.memref_slice %arg8[%dma_start3A_428, %dma_start3A_436] : memref<2x800xi32, #tpu.memory_space<vmem>> -> memref<1x800xi32, #tpu.memory_space<vmem>>
        %dma_start3A_438 = tpu.memref_squeeze %dma_start3A_437 : memref<1x800xi32, #tpu.memory_space<vmem>> -> memref<800xi32, #tpu.memory_space<vmem>>
        %dma_start3A_439 = tpu.memref_slice %arg3[%add3A_427] : memref<1600000xi32, #tpu.memory_space<hbm>> -> memref<800xi32, #tpu.memory_space<hbm>>
        tpu.enqueue_dma source(%dma_start3A_439 : memref<800xi32, #tpu.memory_space<hbm>>) target(%dma_start3A_438 : memref<800xi32, #tpu.memory_space<vmem>>) target_semaphore(%dma_start3A_435 : memref<!tpu.dma_semaphore, #tpu.memory_space<semaphore_mem>>)
        %mul3A_440 = arith.constant 100000 : i32
        %mul3A_441 = arith.muli %arg1, %mul3A_440 : i32
        %min3A_442 = arith.constant 124 : i32
        %min3A_443 = arith.minsi %add3A_420, %min3A_442 : i32
        %mul3A_444 = arith.constant 800 : i32
        %mul3A_445 = arith.muli %min3A_443, %mul3A_444 : i32
        %add3A_446 = arith.addi %mul3A_441, %mul3A_445 : i32
        %dma_wait3A_447 = arith.constant 0 : i32
        %dma_wait3A_448 = arith.constant 0 : i32
        %dma_wait3A_449 = arith.constant 0 : i32
        %dma_wait3A_450 = tpu.memref_slice %arg8[%dma_wait3A_447, %dma_wait3A_449] : memref<2x800xi32, #tpu.memory_space<vmem>> -> memref<1x800xi32, #tpu.memory_space<vmem>>
        %dma_wait3A_451 = tpu.memref_squeeze %dma_wait3A_450 : memref<1x800xi32, #tpu.memory_space<vmem>> -> memref<800xi32, #tpu.memory_space<vmem>>
        %dma_wait3A_452 = tpu.memref_slice %arg3[%add3A_446] : memref<1600000xi32, #tpu.memory_space<hbm>> -> memref<800xi32, #tpu.memory_space<hbm>>
        %dma_wait3A_453 = tpu.memref_slice %arg12[%dma_wait3A_448] : memref<2x!tpu.dma_semaphore, #tpu.memory_space<semaphore_mem>> -> memref<1x!tpu.dma_semaphore, #tpu.memory_space<semaphore_mem>>
        %dma_wait3A_454 = tpu.memref_squeeze %dma_wait3A_453 : memref<1x!tpu.dma_semaphore, #tpu.memory_space<semaphore_mem>> -> memref<!tpu.dma_semaphore, #tpu.memory_space<semaphore_mem>>
        %dma_wait3A_455 = arith.constant 0 : i32
        %dma_wait3A_456 = tpu.memref_slice %arg8[%dma_wait3A_447, %dma_wait3A_455] : memref<2x800xi32, #tpu.memory_space<vmem>> -> memref<1x800xi32, #tpu.memory_space<vmem>>
        %dma_wait3A_457 = tpu.memref_squeeze %dma_wait3A_456 : memref<1x800xi32, #tpu.memory_space<vmem>> -> memref<800xi32, #tpu.memory_space<vmem>>
        %dma_wait3A_458 = tpu.memref_slice %arg3[%add3A_446] : memref<1600000xi32, #tpu.memory_space<hbm>> -> memref<800xi32, #tpu.memory_space<hbm>>
        tpu.wait_dma2 semaphore(%dma_wait3A_454 : memref<!tpu.dma_semaphore, #tpu.memory_space<semaphore_mem>>) src(%dma_wait3A_458 : memref<800xi32, #tpu.memory_space<hbm>>) dst(%dma_wait3A_457 : memref<800xi32, #tpu.memory_space<vmem>>)
        %add3A_459 = arith.constant 2 : i32
        %add3A_460 = arith.addi %mul3A_204, %add3A_459 : i32
        %mul3A_461 = arith.constant 100000 : i32
        %mul3A_462 = arith.muli %arg1, %mul3A_461 : i32
        %min3A_463 = arith.constant 124 : i32
        %min3A_464 = arith.minsi %add3A_460, %min3A_463 : i32
        %mul3A_465 = arith.constant 800 : i32
        %mul3A_466 = arith.muli %min3A_464, %mul3A_465 : i32
        %add3A_467 = arith.addi %mul3A_462, %mul3A_466 : i32
        %dma_wait3A_468 = arith.constant 0 : i32
        %dma_wait3A_469 = arith.constant 0 : i32
        %dma_wait3A_470 = arith.constant 0 : i32
        %dma_wait3A_471 = tpu.memref_slice %arg7[%dma_wait3A_468, %dma_wait3A_470] : memref<2x800xi32, #tpu.memory_space<vmem>> -> memref<1x800xi32, #tpu.memory_space<vmem>>
        %dma_wait3A_472 = tpu.memref_squeeze %dma_wait3A_471 : memref<1x800xi32, #tpu.memory_space<vmem>> -> memref<800xi32, #tpu.memory_space<vmem>>
        %dma_wait3A_473 = tpu.memref_slice %arg2[%add3A_9, %add3A_467] : memref<4x1600000xi32, #tpu.memory_space<hbm>> -> memref<1x800xi32, #tpu.memory_space<hbm>>
        %dma_wait3A_474 = tpu.memref_squeeze %dma_wait3A_473 : memref<1x800xi32, #tpu.memory_space<hbm>> -> memref<800xi32, #tpu.memory_space<hbm>>
        %dma_wait3A_475 = tpu.memref_slice %arg11[%dma_wait3A_469] : memref<2x!tpu.dma_semaphore, #tpu.memory_space<semaphore_mem>> -> memref<1x!tpu.dma_semaphore, #tpu.memory_space<semaphore_mem>>
        %dma_wait3A_476 = tpu.memref_squeeze %dma_wait3A_475 : memref<1x!tpu.dma_semaphore, #tpu.memory_space<semaphore_mem>> -> memref<!tpu.dma_semaphore, #tpu.memory_space<semaphore_mem>>
        %dma_wait3A_477 = arith.constant 0 : i32
        %dma_wait3A_478 = tpu.memref_slice %arg7[%dma_wait3A_468, %dma_wait3A_477] : memref<2x800xi32, #tpu.memory_space<vmem>> -> memref<1x800xi32, #tpu.memory_space<vmem>>
        %dma_wait3A_479 = tpu.memref_squeeze %dma_wait3A_478 : memref<1x800xi32, #tpu.memory_space<vmem>> -> memref<800xi32, #tpu.memory_space<vmem>>
        %dma_wait3A_480 = tpu.memref_slice %arg2[%add3A_9, %add3A_467] : memref<4x1600000xi32, #tpu.memory_space<hbm>> -> memref<1x800xi32, #tpu.memory_space<hbm>>
        %dma_wait3A_481 = tpu.memref_squeeze %dma_wait3A_480 : memref<1x800xi32, #tpu.memory_space<hbm>> -> memref<800xi32, #tpu.memory_space<hbm>>
        tpu.wait_dma2 semaphore(%dma_wait3A_476 : memref<!tpu.dma_semaphore, #tpu.memory_space<semaphore_mem>>) src(%dma_wait3A_481 : memref<800xi32, #tpu.memory_space<hbm>>) dst(%dma_wait3A_479 : memref<800xi32, #tpu.memory_space<vmem>>)
        %dma_start3A_482 = arith.constant 0 : i32
        %dma_start3A_483 = arith.constant 0 : i32
        %dma_start3A_484 = arith.constant 0 : i32
        %dma_start3A_485 = arith.constant 0 : i32
        %dma_start3A_486 = arith.constant 0 : i32
        %dma_start3A_487 = tpu.memref_slice %arg9[%dma_start3A_483, %dma_start3A_485, %dma_start3A_486] : memref<2x800x16xf32, #tpu.memory_space<vmem>> -> memref<1x800x16xf32, #tpu.memory_space<vmem>>
        %dma_start3A_488 = tpu.memref_squeeze %dma_start3A_487 : memref<1x800x16xf32, #tpu.memory_space<vmem>> -> memref<800x16xf32, #tpu.memory_space<vmem>>
        %dma_start3A_489 = arith.constant 0 : i32
        %dma_start3A_490 = tpu.memref_slice %arg7[%dma_start3A_482, %dma_start3A_489] : memref<2x800xi32, #tpu.memory_space<vmem>> -> memref<1x800xi32, #tpu.memory_space<vmem>>
        %dma_start3A_491 = tpu.memref_squeeze %dma_start3A_490 : memref<1x800xi32, #tpu.memory_space<vmem>> -> memref<800xi32, #tpu.memory_space<vmem>>
        %dma_start3A_492 = arith.constant 0 : i32
        %dma_start3A_493 = arith.constant 0 : i32
        %dma_start3A_494 = tpu.memref_slice %arg5[%dma_start3A_492, %dma_start3A_493] : memref<401408x16xf32, #tpu.memory_space<hbm>> -> memref<401408x16xf32, #tpu.memory_space<hbm>>
        %dma_start3A_495 = tpu.memref_slice %arg13[%dma_start3A_484] : memref<2x!tpu.dma_semaphore, #tpu.memory_space<semaphore_mem>> -> memref<1x!tpu.dma_semaphore, #tpu.memory_space<semaphore_mem>>
        %dma_start3A_496 = tpu.memref_squeeze %dma_start3A_495 : memref<1x!tpu.dma_semaphore, #tpu.memory_space<semaphore_mem>> -> memref<!tpu.dma_semaphore, #tpu.memory_space<semaphore_mem>>
        tpu.enqueue_indirect_dma source(%dma_start3A_494 : memref<401408x16xf32, #tpu.memory_space<hbm>>) target(%dma_start3A_488 : memref<800x16xf32, #tpu.memory_space<vmem>>) offsets(%dma_start3A_491 : memref<800xi32, #tpu.memory_space<vmem>>) semaphore(%dma_start3A_496 : memref<!tpu.dma_semaphore, #tpu.memory_space<semaphore_mem>>)
      }
      %scan3A_132 = arith.constant 62 : i32
      %dma_wait3A_133 = arith.constant 0 : i32
      %dma_wait3A_134 = arith.constant 0 : i32
      %dma_wait3A_135 = arith.constant 0 : i32
      %dma_wait3A_136 = arith.constant 0 : i32
      %dma_wait3A_137 = arith.constant 0 : i32
      %dma_wait3A_138 = tpu.memref_slice %arg9[%dma_wait3A_134, %dma_wait3A_136, %dma_wait3A_137] : memref<2x800x16xf32, #tpu.memory_space<vmem>> -> memref<1x800x16xf32, #tpu.memory_space<vmem>>
      %dma_wait3A_139 = tpu.memref_squeeze %dma_wait3A_138 : memref<1x800x16xf32, #tpu.memory_space<vmem>> -> memref<800x16xf32, #tpu.memory_space<vmem>>
      %dma_wait3A_140 = arith.constant 0 : i32
      %dma_wait3A_141 = tpu.memref_slice %arg7[%dma_wait3A_133, %dma_wait3A_140] : memref<2x800xi32, #tpu.memory_space<vmem>> -> memref<1x800xi32, #tpu.memory_space<vmem>>
      %dma_wait3A_142 = tpu.memref_squeeze %dma_wait3A_141 : memref<1x800xi32, #tpu.memory_space<vmem>> -> memref<800xi32, #tpu.memory_space<vmem>>
      %dma_wait3A_143 = arith.constant 0 : i32
      %dma_wait3A_144 = arith.constant 0 : i32
      %dma_wait3A_145 = tpu.memref_slice %arg5[%dma_wait3A_143, %dma_wait3A_144] : memref<401408x16xf32, #tpu.memory_space<hbm>> -> memref<401408x16xf32, #tpu.memory_space<hbm>>
      %dma_wait3A_146 = tpu.memref_slice %arg13[%dma_wait3A_135] : memref<2x!tpu.dma_semaphore, #tpu.memory_space<semaphore_mem>> -> memref<1x!tpu.dma_semaphore, #tpu.memory_space<semaphore_mem>>
      %dma_wait3A_147 = tpu.memref_squeeze %dma_wait3A_146 : memref<1x!tpu.dma_semaphore, #tpu.memory_space<semaphore_mem>> -> memref<!tpu.dma_semaphore, #tpu.memory_space<semaphore_mem>>
      tpu.wait_indirect_dma semaphore(%dma_wait3A_147 : memref<!tpu.dma_semaphore, #tpu.memory_space<semaphore_mem>>) src(%dma_wait3A_145 : memref<401408x16xf32, #tpu.memory_space<hbm>>) dst(%dma_wait3A_139 : memref<800x16xf32, #tpu.memory_space<vmem>>)
      %dma_start3A_148 = arith.constant 0 : i32
      %dma_start3A_149 = arith.constant 0 : i32
      %dma_start3A_150 = arith.constant 0 : i32
      %dma_start3A_151 = arith.constant 0 : i32
      %dma_start3A_152 = arith.constant 0 : i32
      %dma_start3A_153 = tpu.memref_slice %arg9[%dma_start3A_148, %dma_start3A_151, %dma_start3A_152] : memref<2x800x16xf32, #tpu.memory_space<vmem>> -> memref<1x800x16xf32, #tpu.memory_space<vmem>>
      %dma_start3A_154 = tpu.memref_squeeze %dma_start3A_153 : memref<1x800x16xf32, #tpu.memory_space<vmem>> -> memref<800x16xf32, #tpu.memory_space<vmem>>
      %dma_start3A_155 = arith.constant 0 : i32
      %dma_start3A_156 = tpu.memref_slice %arg8[%dma_start3A_149, %dma_start3A_155] : memref<2x800xi32, #tpu.memory_space<vmem>> -> memref<1x800xi32, #tpu.memory_space<vmem>>
      %dma_start3A_157 = tpu.memref_squeeze %dma_start3A_156 : memref<1x800xi32, #tpu.memory_space<vmem>> -> memref<800xi32, #tpu.memory_space<vmem>>
      %dma_start3A_158 = arith.constant 0 : i32
      %dma_start3A_159 = arith.constant 0 : i32
      %dma_start3A_160 = tpu.memref_slice %arg10[%dma_start3A_158, %dma_start3A_159] : memref<100352x16xf32, #tpu.memory_space<vmem_shared>> -> memref<100352x16xf32, #tpu.memory_space<vmem_shared>>
      %dma_start3A_161 = tpu.memref_slice %arg14[%dma_start3A_150] : memref<2x!tpu.dma_semaphore, #tpu.memory_space<semaphore_mem>> -> memref<1x!tpu.dma_semaphore, #tpu.memory_space<semaphore_mem>>
      %dma_start3A_162 = tpu.memref_squeeze %dma_start3A_161 : memref<1x!tpu.dma_semaphore, #tpu.memory_space<semaphore_mem>> -> memref<!tpu.dma_semaphore, #tpu.memory_space<semaphore_mem>>
      tpu.enqueue_indirect_dma source(%dma_start3A_154 : memref<800x16xf32, #tpu.memory_space<vmem>>) target(%dma_start3A_160 : memref<100352x16xf32, #tpu.memory_space<vmem_shared>>) offsets(%dma_start3A_157 : memref<800xi32, #tpu.memory_space<vmem>>) semaphore(%dma_start3A_162 : memref<!tpu.dma_semaphore, #tpu.memory_space<semaphore_mem>>) {add = true}
      %dma_wait3A_163 = arith.constant 1 : i32
      %dma_wait3A_164 = arith.constant 1 : i32
      %dma_wait3A_165 = arith.constant 1 : i32
      %dma_wait3A_166 = arith.constant 0 : i32
      %dma_wait3A_167 = arith.constant 0 : i32
      %dma_wait3A_168 = tpu.memref_slice %arg9[%dma_wait3A_163, %dma_wait3A_166, %dma_wait3A_167] : memref<2x800x16xf32, #tpu.memory_space<vmem>> -> memref<1x800x16xf32, #tpu.memory_space<vmem>>
      %dma_wait3A_169 = tpu.memref_squeeze %dma_wait3A_168 : memref<1x800x16xf32, #tpu.memory_space<vmem>> -> memref<800x16xf32, #tpu.memory_space<vmem>>
      %dma_wait3A_170 = arith.constant 0 : i32
      %dma_wait3A_171 = tpu.memref_slice %arg8[%dma_wait3A_164, %dma_wait3A_170] : memref<2x800xi32, #tpu.memory_space<vmem>> -> memref<1x800xi32, #tpu.memory_space<vmem>>
      %dma_wait3A_172 = tpu.memref_squeeze %dma_wait3A_171 : memref<1x800xi32, #tpu.memory_space<vmem>> -> memref<800xi32, #tpu.memory_space<vmem>>
      %dma_wait3A_173 = arith.constant 0 : i32
      %dma_wait3A_174 = arith.constant 0 : i32
      %dma_wait3A_175 = tpu.memref_slice %arg10[%dma_wait3A_173, %dma_wait3A_174] : memref<100352x16xf32, #tpu.memory_space<vmem_shared>> -> memref<100352x16xf32, #tpu.memory_space<vmem_shared>>
      %dma_wait3A_176 = tpu.memref_slice %arg14[%dma_wait3A_165] : memref<2x!tpu.dma_semaphore, #tpu.memory_space<semaphore_mem>> -> memref<1x!tpu.dma_semaphore, #tpu.memory_space<semaphore_mem>>
      %dma_wait3A_177 = tpu.memref_squeeze %dma_wait3A_176 : memref<1x!tpu.dma_semaphore, #tpu.memory_space<semaphore_mem>> -> memref<!tpu.dma_semaphore, #tpu.memory_space<semaphore_mem>>
      tpu.wait_indirect_dma semaphore(%dma_wait3A_177 : memref<!tpu.dma_semaphore, #tpu.memory_space<semaphore_mem>>) src(%dma_wait3A_169 : memref<800x16xf32, #tpu.memory_space<vmem>>) dst(%dma_wait3A_175 : memref<100352x16xf32, #tpu.memory_space<vmem_shared>>)
      %dma_wait3A_178 = arith.constant 0 : i32
      %dma_wait3A_179 = arith.constant 0 : i32
      %dma_wait3A_180 = arith.constant 0 : i32
      %dma_wait3A_181 = arith.constant 0 : i32
      %dma_wait3A_182 = arith.constant 0 : i32
      %dma_wait3A_183 = tpu.memref_slice %arg9[%dma_wait3A_178, %dma_wait3A_181, %dma_wait3A_182] : memref<2x800x16xf32, #tpu.memory_space<vmem>> -> memref<1x800x16xf32, #tpu.memory_space<vmem>>
      %dma_wait3A_184 = tpu.memref_squeeze %dma_wait3A_183 : memref<1x800x16xf32, #tpu.memory_space<vmem>> -> memref<800x16xf32, #tpu.memory_space<vmem>>
      %dma_wait3A_185 = arith.constant 0 : i32
      %dma_wait3A_186 = tpu.memref_slice %arg8[%dma_wait3A_179, %dma_wait3A_185] : memref<2x800xi32, #tpu.memory_space<vmem>> -> memref<1x800xi32, #tpu.memory_space<vmem>>
      %dma_wait3A_187 = tpu.memref_squeeze %dma_wait3A_186 : memref<1x800xi32, #tpu.memory_space<vmem>> -> memref<800xi32, #tpu.memory_space<vmem>>
      %dma_wait3A_188 = arith.constant 0 : i32
      %dma_wait3A_189 = arith.constant 0 : i32
      %dma_wait3A_190 = tpu.memref_slice %arg10[%dma_wait3A_188, %dma_wait3A_189] : memref<100352x16xf32, #tpu.memory_space<vmem_shared>> -> memref<100352x16xf32, #tpu.memory_space<vmem_shared>>
      %dma_wait3A_191 = tpu.memref_slice %arg14[%dma_wait3A_180] : memref<2x!tpu.dma_semaphore, #tpu.memory_space<semaphore_mem>> -> memref<1x!tpu.dma_semaphore, #tpu.memory_space<semaphore_mem>>
      %dma_wait3A_192 = tpu.memref_squeeze %dma_wait3A_191 : memref<1x!tpu.dma_semaphore, #tpu.memory_space<semaphore_mem>> -> memref<!tpu.dma_semaphore, #tpu.memory_space<semaphore_mem>>
      tpu.wait_indirect_dma semaphore(%dma_wait3A_192 : memref<!tpu.dma_semaphore, #tpu.memory_space<semaphore_mem>>) src(%dma_wait3A_184 : memref<800x16xf32, #tpu.memory_space<vmem>>) dst(%dma_wait3A_190 : memref<100352x16xf32, #tpu.memory_space<vmem_shared>>)
      %barrier3A_193 = arith.constant 0 : index
      tpu.barrier barrier_id(%barrier3A_193)
      %mul3A_194 = arith.constant 6272 : i32
      %mul3A_195 = arith.muli %arg1, %mul3A_194 : i32
      %mul3A_196 = arith.constant 6272 : i32
      %mul3A_197 = arith.muli %arg1, %mul3A_196 : i32
      "tpu.region"() ({
        %run_scoped3A_198 = tpu.sem_alloc : memref<!tpu.dma_semaphore, #tpu.memory_space<semaphore_mem>>
        %dma_start3A_199 = arith.constant 0 : i32
        %dma_start3A_200 = tpu.memref_slice %arg6[%add3A_9, %mul3A_197, %dma_start3A_199] : memref<4x100352x16xf32, #tpu.memory_space<hbm>> -> memref<1x6272x16xf32, #tpu.memory_space<hbm>>
        %dma_start3A_201 = tpu.memref_squeeze %dma_start3A_200 : memref<1x6272x16xf32, #tpu.memory_space<hbm>> -> memref<6272x16xf32, #tpu.memory_space<hbm>>
        %dma_start3A_202 = arith.constant 0 : i32
        %dma_start3A_203 = tpu.memref_slice %arg10[%mul3A_195, %dma_start3A_202] : memref<100352x16xf32, #tpu.memory_space<vmem_shared>> -> memref<6272x16xf32, #tpu.memory_space<vmem_shared>>
        tpu.enqueue_dma source(%dma_start3A_203 : memref<6272x16xf32, #tpu.memory_space<vmem_shared>>) target(%dma_start3A_201 : memref<6272x16xf32, #tpu.memory_space<hbm>>) target_semaphore(%run_scoped3A_198 : memref<!tpu.dma_semaphore, #tpu.memory_space<semaphore_mem>>)
        %dma_wait3A_204 = arith.constant 0 : i32
        %dma_wait3A_205 = tpu.memref_slice %arg6[%add3A_9, %mul3A_197, %dma_wait3A_204] : memref<4x100352x16xf32, #tpu.memory_space<hbm>> -> memref<1x6272x16xf32, #tpu.memory_space<hbm>>
        %dma_wait3A_206 = tpu.memref_squeeze %dma_wait3A_205 : memref<1x6272x16xf32, #tpu.memory_space<hbm>> -> memref<6272x16xf32, #tpu.memory_space<hbm>>
        %dma_wait3A_207 = arith.constant 0 : i32
        %dma_wait3A_208 = tpu.memref_slice %arg10[%mul3A_195, %dma_wait3A_207] : memref<100352x16xf32, #tpu.memory_space<vmem_shared>> -> memref<6272x16xf32, #tpu.memory_space<vmem_shared>>
        tpu.wait_dma2 semaphore(%run_scoped3A_198 : memref<!tpu.dma_semaphore, #tpu.memory_space<semaphore_mem>>) src(%dma_wait3A_208 : memref<6272x16xf32, #tpu.memory_space<vmem_shared>>) dst(%dma_wait3A_206 : memref<6272x16xf32, #tpu.memory_space<hbm>>)
        tpu.yield
      }) : () -> ()
    }
    %scan3A_3 = arith.constant 2 : i32
    return
  }
}

#map = affine_map<(d0, d1) -> (0)>
#map1 = affine_map<(d0, d1) -> (0, 0)>
module attributes {stable_mosaic.version = 14 : i64} {
  func.func @_deg_kernel(%arg0: i32, %arg1: i32, %arg2: memref<1600000xi32, #tpu.memory_space<hbm>>, %arg3: memref<100352xf32, #tpu.memory_space<hbm>>, %arg4: memref<2000xf32, #tpu.memory_space<hbm>>, %arg5: memref<2x100352xf32, #tpu.memory_space<hbm>>, %arg6: memref<2000xi32, #tpu.memory_space<vmem>>, %arg7: memref<2000xf32, #tpu.memory_space<vmem>>, %arg8: memref<100352xf32, #tpu.memory_space<vmem_shared>>) attributes {dimension_semantics = [#tpu.dimension_semantics<core_parallel>, #tpu.dimension_semantics<subcore_parallel>], iteration_bounds = array<i64: 2, 16>, scalar_prefetch = 0 : i64, scratch_operands = 3 : i64, tpu.core_type = #tpu.core_type<sc_vector_subcore>, window_params = [{transform_indices = #map}, {transform_indices = #map}, {transform_indices = #map}, {transform_indices = #map1}]} {
    %mul3A = arith.constant 16 : i32
    %mul3A_0 = arith.muli %arg0, %mul3A : i32
    %add3A = arith.addi %mul3A_0, %arg1 : i32
    %mul3A_1 = arith.constant 6272 : i32
    %mul3A_2 = arith.muli %arg1, %mul3A_1 : i32
    %mul3A_3 = arith.constant 6272 : i32
    %mul3A_4 = arith.muli %arg1, %mul3A_3 : i32
    "tpu.region"() ({
      %run_scoped3A = tpu.sem_alloc : memref<!tpu.dma_semaphore, #tpu.memory_space<semaphore_mem>>
      %dma_start3A = tpu.memref_slice %arg8[%mul3A_4] : memref<100352xf32, #tpu.memory_space<vmem_shared>> -> memref<6272xf32, #tpu.memory_space<vmem_shared>>
      %dma_start3A_14 = tpu.memref_slice %arg3[%mul3A_2] : memref<100352xf32, #tpu.memory_space<hbm>> -> memref<6272xf32, #tpu.memory_space<hbm>>
      tpu.enqueue_dma source(%dma_start3A_14 : memref<6272xf32, #tpu.memory_space<hbm>>) target(%dma_start3A : memref<6272xf32, #tpu.memory_space<vmem_shared>>) target_semaphore(%run_scoped3A : memref<!tpu.dma_semaphore, #tpu.memory_space<semaphore_mem>>)
      %dma_wait3A = tpu.memref_slice %arg8[%mul3A_4] : memref<100352xf32, #tpu.memory_space<vmem_shared>> -> memref<6272xf32, #tpu.memory_space<vmem_shared>>
      %dma_wait3A_15 = tpu.memref_slice %arg3[%mul3A_2] : memref<100352xf32, #tpu.memory_space<hbm>> -> memref<6272xf32, #tpu.memory_space<hbm>>
      tpu.wait_dma2 semaphore(%run_scoped3A : memref<!tpu.dma_semaphore, #tpu.memory_space<semaphore_mem>>) src(%dma_wait3A_15 : memref<6272xf32, #tpu.memory_space<hbm>>) dst(%dma_wait3A : memref<6272xf32, #tpu.memory_space<vmem_shared>>)
      tpu.yield
    }) : () -> ()
    "tpu.region"() ({
      %run_scoped3A = tpu.sem_alloc : memref<!tpu.dma_semaphore, #tpu.memory_space<semaphore_mem>>
      %dma_start3A = arith.constant 0 : i32
      %dma_start3A_14 = tpu.memref_slice %arg4[%dma_start3A] : memref<2000xf32, #tpu.memory_space<hbm>> -> memref<2000xf32, #tpu.memory_space<hbm>>
      %dma_start3A_15 = arith.constant 0 : i32
      %dma_start3A_16 = tpu.memref_slice %arg4[%dma_start3A_15] : memref<2000xf32, #tpu.memory_space<hbm>> -> memref<2000xf32, #tpu.memory_space<hbm>>
      tpu.enqueue_dma source(%dma_start3A_16 : memref<2000xf32, #tpu.memory_space<hbm>>) target(%arg7 : memref<2000xf32, #tpu.memory_space<vmem>>) target_semaphore(%run_scoped3A : memref<!tpu.dma_semaphore, #tpu.memory_space<semaphore_mem>>)
      %dma_wait3A = arith.constant 0 : i32
      %dma_wait3A_17 = tpu.memref_slice %arg4[%dma_wait3A] : memref<2000xf32, #tpu.memory_space<hbm>> -> memref<2000xf32, #tpu.memory_space<hbm>>
      %dma_wait3A_18 = arith.constant 0 : i32
      %dma_wait3A_19 = tpu.memref_slice %arg4[%dma_wait3A_18] : memref<2000xf32, #tpu.memory_space<hbm>> -> memref<2000xf32, #tpu.memory_space<hbm>>
      tpu.wait_dma2 semaphore(%run_scoped3A : memref<!tpu.dma_semaphore, #tpu.memory_space<semaphore_mem>>) src(%dma_wait3A_19 : memref<2000xf32, #tpu.memory_space<hbm>>) dst(%arg7 : memref<2000xf32, #tpu.memory_space<vmem>>)
      tpu.yield
    }) : () -> ()
    %barrier3A = arith.constant 0 : index
    tpu.barrier barrier_id(%barrier3A)
    %scan3A = arith.constant 0 : i32
    %scan3A_5 = arith.constant 25 : i32
    %scan3A_6 = arith.addi %scan3A, %scan3A_5 : i32
    %scan3A_7 = arith.constant 1 : i32
    scf.for %scan3A_14 = %scan3A to %scan3A_6 step %scan3A_7  : i32 {
      %mul3A_15 = arith.constant 1 : i32
      %mul3A_16 = arith.muli %scan3A_14, %mul3A_15 : i32
      %add3A_17 = arith.constant 0 : i32
      %add3A_18 = arith.addi %add3A_17, %mul3A_16 : i32
      %mul3A_19 = arith.constant 50000 : i32
      %mul3A_20 = arith.muli %add3A, %mul3A_19 : i32
      %mul3A_21 = arith.constant 2000 : i32
      %mul3A_22 = arith.muli %add3A_18, %mul3A_21 : i32
      %add3A_23 = arith.addi %mul3A_20, %mul3A_22 : i32
      "tpu.region"() ({
        %run_scoped3A = tpu.sem_alloc : memref<!tpu.dma_semaphore, #tpu.memory_space<semaphore_mem>>
        %dma_start3A = tpu.memref_slice %arg2[%add3A_23] : memref<1600000xi32, #tpu.memory_space<hbm>> -> memref<2000xi32, #tpu.memory_space<hbm>>
        %dma_start3A_24 = tpu.memref_slice %arg2[%add3A_23] : memref<1600000xi32, #tpu.memory_space<hbm>> -> memref<2000xi32, #tpu.memory_space<hbm>>
        tpu.enqueue_dma source(%dma_start3A_24 : memref<2000xi32, #tpu.memory_space<hbm>>) target(%arg6 : memref<2000xi32, #tpu.memory_space<vmem>>) target_semaphore(%run_scoped3A : memref<!tpu.dma_semaphore, #tpu.memory_space<semaphore_mem>>)
        %dma_wait3A = tpu.memref_slice %arg2[%add3A_23] : memref<1600000xi32, #tpu.memory_space<hbm>> -> memref<2000xi32, #tpu.memory_space<hbm>>
        %dma_wait3A_25 = tpu.memref_slice %arg2[%add3A_23] : memref<1600000xi32, #tpu.memory_space<hbm>> -> memref<2000xi32, #tpu.memory_space<hbm>>
        tpu.wait_dma2 semaphore(%run_scoped3A : memref<!tpu.dma_semaphore, #tpu.memory_space<semaphore_mem>>) src(%dma_wait3A_25 : memref<2000xi32, #tpu.memory_space<hbm>>) dst(%arg6 : memref<2000xi32, #tpu.memory_space<vmem>>)
        tpu.yield
      }) : () -> ()
      "tpu.region"() ({
        %run_scoped3A = tpu.sem_alloc : memref<!tpu.dma_semaphore, #tpu.memory_space<semaphore_mem>>
        %dma_start3A = arith.constant 0 : i32
        %dma_start3A_24 = tpu.memref_slice %arg8[%dma_start3A] : memref<100352xf32, #tpu.memory_space<vmem_shared>> -> memref<100352xf32, #tpu.memory_space<vmem_shared>>
        tpu.enqueue_indirect_dma source(%arg7 : memref<2000xf32, #tpu.memory_space<vmem>>) target(%dma_start3A_24 : memref<100352xf32, #tpu.memory_space<vmem_shared>>) offsets(%arg6 : memref<2000xi32, #tpu.memory_space<vmem>>) semaphore(%run_scoped3A : memref<!tpu.dma_semaphore, #tpu.memory_space<semaphore_mem>>) {add = true}
        %dma_wait3A = arith.constant 0 : i32
        %dma_wait3A_25 = tpu.memref_slice %arg8[%dma_wait3A] : memref<100352xf32, #tpu.memory_space<vmem_shared>> -> memref<100352xf32, #tpu.memory_space<vmem_shared>>
        tpu.wait_indirect_dma semaphore(%run_scoped3A : memref<!tpu.dma_semaphore, #tpu.memory_space<semaphore_mem>>) src(%arg7 : memref<2000xf32, #tpu.memory_space<vmem>>) dst(%dma_wait3A_25 : memref<100352xf32, #tpu.memory_space<vmem_shared>>)
        tpu.yield
      }) : () -> ()
    }
    %scan3A_8 = arith.constant 25 : i32
    %barrier3A_9 = arith.constant 0 : index
    tpu.barrier barrier_id(%barrier3A_9)
    %mul3A_10 = arith.constant 6272 : i32
    %mul3A_11 = arith.muli %arg1, %mul3A_10 : i32
    %mul3A_12 = arith.constant 6272 : i32
    %mul3A_13 = arith.muli %arg1, %mul3A_12 : i32
    "tpu.region"() ({
      %run_scoped3A = tpu.sem_alloc : memref<!tpu.dma_semaphore, #tpu.memory_space<semaphore_mem>>
      %dma_start3A = tpu.memref_slice %arg5[%arg0, %mul3A_13] : memref<2x100352xf32, #tpu.memory_space<hbm>> -> memref<1x6272xf32, #tpu.memory_space<hbm>>
      %dma_start3A_14 = tpu.memref_squeeze %dma_start3A : memref<1x6272xf32, #tpu.memory_space<hbm>> -> memref<6272xf32, #tpu.memory_space<hbm>>
      %dma_start3A_15 = tpu.memref_slice %arg8[%mul3A_11] : memref<100352xf32, #tpu.memory_space<vmem_shared>> -> memref<6272xf32, #tpu.memory_space<vmem_shared>>
      tpu.enqueue_dma source(%dma_start3A_15 : memref<6272xf32, #tpu.memory_space<vmem_shared>>) target(%dma_start3A_14 : memref<6272xf32, #tpu.memory_space<hbm>>) target_semaphore(%run_scoped3A : memref<!tpu.dma_semaphore, #tpu.memory_space<semaphore_mem>>)
      %dma_wait3A = tpu.memref_slice %arg5[%arg0, %mul3A_13] : memref<2x100352xf32, #tpu.memory_space<hbm>> -> memref<1x6272xf32, #tpu.memory_space<hbm>>
      %dma_wait3A_16 = tpu.memref_squeeze %dma_wait3A : memref<1x6272xf32, #tpu.memory_space<hbm>> -> memref<6272xf32, #tpu.memory_space<hbm>>
      %dma_wait3A_17 = tpu.memref_slice %arg8[%mul3A_11] : memref<100352xf32, #tpu.memory_space<vmem_shared>> -> memref<6272xf32, #tpu.memory_space<vmem_shared>>
      tpu.wait_dma2 semaphore(%run_scoped3A : memref<!tpu.dma_semaphore, #tpu.memory_space<semaphore_mem>>) src(%dma_wait3A_17 : memref<6272xf32, #tpu.memory_space<vmem_shared>>) dst(%dma_wait3A_16 : memref<6272xf32, #tpu.memory_space<hbm>>)
      tpu.yield
    }) : () -> ()
    return
  }
}

#map = affine_map<(d0, d1) -> (0, 0)>
#map1 = affine_map<(d0, d1) -> (0)>
#map2 = affine_map<(d0, d1) -> (0, 0, 0)>
module attributes {stable_mosaic.version = 14 : i64} {
  func.func @_pool_kernel(%arg0: i32, %arg1: i32, %arg2: memref<100352x64xf32, #tpu.memory_space<hbm>>, %arg3: memref<100352xi32, #tpu.memory_space<hbm>>, %arg4: memref<4224x64xf32, #tpu.memory_space<hbm>>, %arg5: memref<4224xf32, #tpu.memory_space<hbm>>, %arg6: memref<2000xf32, #tpu.memory_space<hbm>>, %arg7: memref<2x4224x64xf32, #tpu.memory_space<hbm>>, %arg8: memref<2x4224xf32, #tpu.memory_space<hbm>>, %arg9: memref<1568xi32, #tpu.memory_space<vmem>>, %arg10: memref<1568x64xf32, #tpu.memory_space<vmem>>, %arg11: memref<2000xf32, #tpu.memory_space<vmem>>, %arg12: memref<4224x64xf32, #tpu.memory_space<vmem_shared>>, %arg13: memref<4224xf32, #tpu.memory_space<vmem_shared>>) attributes {dimension_semantics = [#tpu.dimension_semantics<core_parallel>, #tpu.dimension_semantics<subcore_parallel>], iteration_bounds = array<i64: 2, 16>, scalar_prefetch = 0 : i64, scratch_operands = 5 : i64, tpu.core_type = #tpu.core_type<sc_vector_subcore>, window_params = [{transform_indices = #map}, {transform_indices = #map1}, {transform_indices = #map}, {transform_indices = #map1}, {transform_indices = #map1}, {transform_indices = #map2}, {transform_indices = #map}]} {
    %mul3A = arith.constant 16 : i32
    %mul3A_0 = arith.muli %arg0, %mul3A : i32
    %add3A = arith.addi %mul3A_0, %arg1 : i32
    %mul3A_1 = arith.constant 264 : i32
    %mul3A_2 = arith.muli %arg1, %mul3A_1 : i32
    %mul3A_3 = arith.constant 264 : i32
    %mul3A_4 = arith.muli %arg1, %mul3A_3 : i32
    "tpu.region"() ({
      %run_scoped3A = tpu.sem_alloc : memref<!tpu.dma_semaphore, #tpu.memory_space<semaphore_mem>>
      %dma_start3A = arith.constant 0 : i32
      %dma_start3A_22 = tpu.memref_slice %arg12[%mul3A_4, %dma_start3A] : memref<4224x64xf32, #tpu.memory_space<vmem_shared>> -> memref<264x64xf32, #tpu.memory_space<vmem_shared>>
      %dma_start3A_23 = arith.constant 0 : i32
      %dma_start3A_24 = tpu.memref_slice %arg4[%mul3A_2, %dma_start3A_23] : memref<4224x64xf32, #tpu.memory_space<hbm>> -> memref<264x64xf32, #tpu.memory_space<hbm>>
      tpu.enqueue_dma source(%dma_start3A_24 : memref<264x64xf32, #tpu.memory_space<hbm>>) target(%dma_start3A_22 : memref<264x64xf32, #tpu.memory_space<vmem_shared>>) target_semaphore(%run_scoped3A : memref<!tpu.dma_semaphore, #tpu.memory_space<semaphore_mem>>)
      %dma_wait3A = arith.constant 0 : i32
      %dma_wait3A_25 = tpu.memref_slice %arg12[%mul3A_4, %dma_wait3A] : memref<4224x64xf32, #tpu.memory_space<vmem_shared>> -> memref<264x64xf32, #tpu.memory_space<vmem_shared>>
      %dma_wait3A_26 = arith.constant 0 : i32
      %dma_wait3A_27 = tpu.memref_slice %arg4[%mul3A_2, %dma_wait3A_26] : memref<4224x64xf32, #tpu.memory_space<hbm>> -> memref<264x64xf32, #tpu.memory_space<hbm>>
      tpu.wait_dma2 semaphore(%run_scoped3A : memref<!tpu.dma_semaphore, #tpu.memory_space<semaphore_mem>>) src(%dma_wait3A_27 : memref<264x64xf32, #tpu.memory_space<hbm>>) dst(%dma_wait3A_25 : memref<264x64xf32, #tpu.memory_space<vmem_shared>>)
      tpu.yield
    }) : () -> ()
    %mul3A_5 = arith.constant 264 : i32
    %mul3A_6 = arith.muli %arg1, %mul3A_5 : i32
    %mul3A_7 = arith.constant 264 : i32
    %mul3A_8 = arith.muli %arg1, %mul3A_7 : i32
    "tpu.region"() ({
      %run_scoped3A = tpu.sem_alloc : memref<!tpu.dma_semaphore, #tpu.memory_space<semaphore_mem>>
      %dma_start3A = tpu.memref_slice %arg13[%mul3A_8] : memref<4224xf32, #tpu.memory_space<vmem_shared>> -> memref<264xf32, #tpu.memory_space<vmem_shared>>
      %dma_start3A_22 = tpu.memref_slice %arg5[%mul3A_6] : memref<4224xf32, #tpu.memory_space<hbm>> -> memref<264xf32, #tpu.memory_space<hbm>>
      tpu.enqueue_dma source(%dma_start3A_22 : memref<264xf32, #tpu.memory_space<hbm>>) target(%dma_start3A : memref<264xf32, #tpu.memory_space<vmem_shared>>) target_semaphore(%run_scoped3A : memref<!tpu.dma_semaphore, #tpu.memory_space<semaphore_mem>>)
      %dma_wait3A = tpu.memref_slice %arg13[%mul3A_8] : memref<4224xf32, #tpu.memory_space<vmem_shared>> -> memref<264xf32, #tpu.memory_space<vmem_shared>>
      %dma_wait3A_23 = tpu.memref_slice %arg5[%mul3A_6] : memref<4224xf32, #tpu.memory_space<hbm>> -> memref<264xf32, #tpu.memory_space<hbm>>
      tpu.wait_dma2 semaphore(%run_scoped3A : memref<!tpu.dma_semaphore, #tpu.memory_space<semaphore_mem>>) src(%dma_wait3A_23 : memref<264xf32, #tpu.memory_space<hbm>>) dst(%dma_wait3A : memref<264xf32, #tpu.memory_space<vmem_shared>>)
      tpu.yield
    }) : () -> ()
    "tpu.region"() ({
      %run_scoped3A = tpu.sem_alloc : memref<!tpu.dma_semaphore, #tpu.memory_space<semaphore_mem>>
      %dma_start3A = arith.constant 0 : i32
      %dma_start3A_22 = tpu.memref_slice %arg6[%dma_start3A] : memref<2000xf32, #tpu.memory_space<hbm>> -> memref<2000xf32, #tpu.memory_space<hbm>>
      %dma_start3A_23 = arith.constant 0 : i32
      %dma_start3A_24 = tpu.memref_slice %arg6[%dma_start3A_23] : memref<2000xf32, #tpu.memory_space<hbm>> -> memref<2000xf32, #tpu.memory_space<hbm>>
      tpu.enqueue_dma source(%dma_start3A_24 : memref<2000xf32, #tpu.memory_space<hbm>>) target(%arg11 : memref<2000xf32, #tpu.memory_space<vmem>>) target_semaphore(%run_scoped3A : memref<!tpu.dma_semaphore, #tpu.memory_space<semaphore_mem>>)
      %dma_wait3A = arith.constant 0 : i32
      %dma_wait3A_25 = tpu.memref_slice %arg6[%dma_wait3A] : memref<2000xf32, #tpu.memory_space<hbm>> -> memref<2000xf32, #tpu.memory_space<hbm>>
      %dma_wait3A_26 = arith.constant 0 : i32
      %dma_wait3A_27 = tpu.memref_slice %arg6[%dma_wait3A_26] : memref<2000xf32, #tpu.memory_space<hbm>> -> memref<2000xf32, #tpu.memory_space<hbm>>
      tpu.wait_dma2 semaphore(%run_scoped3A : memref<!tpu.dma_semaphore, #tpu.memory_space<semaphore_mem>>) src(%dma_wait3A_27 : memref<2000xf32, #tpu.memory_space<hbm>>) dst(%arg11 : memref<2000xf32, #tpu.memory_space<vmem>>)
      tpu.yield
    }) : () -> ()
    %barrier3A = arith.constant 0 : index
    tpu.barrier barrier_id(%barrier3A)
    %scan3A = arith.constant 0 : i32
    %scan3A_9 = arith.constant 2 : i32
    %scan3A_10 = arith.addi %scan3A, %scan3A_9 : i32
    %scan3A_11 = arith.constant 1 : i32
    scf.for %scan3A_22 = %scan3A to %scan3A_10 step %scan3A_11  : i32 {
      %mul3A_23 = arith.constant 1 : i32
      %mul3A_24 = arith.muli %scan3A_22, %mul3A_23 : i32
      %add3A_25 = arith.constant 0 : i32
      %add3A_26 = arith.addi %add3A_25, %mul3A_24 : i32
      %mul3A_27 = arith.constant 3136 : i32
      %mul3A_28 = arith.muli %add3A, %mul3A_27 : i32
      %mul3A_29 = arith.constant 1568 : i32
      %mul3A_30 = arith.muli %add3A_26, %mul3A_29 : i32
      %add3A_31 = arith.addi %mul3A_28, %mul3A_30 : i32
      "tpu.region"() ({
        %run_scoped3A = tpu.sem_alloc : memref<!tpu.dma_semaphore, #tpu.memory_space<semaphore_mem>>
        %dma_start3A = arith.constant 0 : i32
        %dma_start3A_32 = tpu.memref_slice %arg2[%add3A_31, %dma_start3A] : memref<100352x64xf32, #tpu.memory_space<hbm>> -> memref<1568x64xf32, #tpu.memory_space<hbm>>
        %dma_start3A_33 = arith.constant 0 : i32
        %dma_start3A_34 = tpu.memref_slice %arg2[%add3A_31, %dma_start3A_33] : memref<100352x64xf32, #tpu.memory_space<hbm>> -> memref<1568x64xf32, #tpu.memory_space<hbm>>
        tpu.enqueue_dma source(%dma_start3A_34 : memref<1568x64xf32, #tpu.memory_space<hbm>>) target(%arg10 : memref<1568x64xf32, #tpu.memory_space<vmem>>) target_semaphore(%run_scoped3A : memref<!tpu.dma_semaphore, #tpu.memory_space<semaphore_mem>>)
        %dma_wait3A = arith.constant 0 : i32
        %dma_wait3A_35 = tpu.memref_slice %arg2[%add3A_31, %dma_wait3A] : memref<100352x64xf32, #tpu.memory_space<hbm>> -> memref<1568x64xf32, #tpu.memory_space<hbm>>
        %dma_wait3A_36 = arith.constant 0 : i32
        %dma_wait3A_37 = tpu.memref_slice %arg2[%add3A_31, %dma_wait3A_36] : memref<100352x64xf32, #tpu.memory_space<hbm>> -> memref<1568x64xf32, #tpu.memory_space<hbm>>
        tpu.wait_dma2 semaphore(%run_scoped3A : memref<!tpu.dma_semaphore, #tpu.memory_space<semaphore_mem>>) src(%dma_wait3A_37 : memref<1568x64xf32, #tpu.memory_space<hbm>>) dst(%arg10 : memref<1568x64xf32, #tpu.memory_space<vmem>>)
        tpu.yield
      }) : () -> ()
      "tpu.region"() ({
        %run_scoped3A = tpu.sem_alloc : memref<!tpu.dma_semaphore, #tpu.memory_space<semaphore_mem>>
        %dma_start3A = tpu.memref_slice %arg3[%add3A_31] : memref<100352xi32, #tpu.memory_space<hbm>> -> memref<1568xi32, #tpu.memory_space<hbm>>
        %dma_start3A_32 = tpu.memref_slice %arg3[%add3A_31] : memref<100352xi32, #tpu.memory_space<hbm>> -> memref<1568xi32, #tpu.memory_space<hbm>>
        tpu.enqueue_dma source(%dma_start3A_32 : memref<1568xi32, #tpu.memory_space<hbm>>) target(%arg9 : memref<1568xi32, #tpu.memory_space<vmem>>) target_semaphore(%run_scoped3A : memref<!tpu.dma_semaphore, #tpu.memory_space<semaphore_mem>>)
        %dma_wait3A = tpu.memref_slice %arg3[%add3A_31] : memref<100352xi32, #tpu.memory_space<hbm>> -> memref<1568xi32, #tpu.memory_space<hbm>>
        %dma_wait3A_33 = tpu.memref_slice %arg3[%add3A_31] : memref<100352xi32, #tpu.memory_space<hbm>> -> memref<1568xi32, #tpu.memory_space<hbm>>
        tpu.wait_dma2 semaphore(%run_scoped3A : memref<!tpu.dma_semaphore, #tpu.memory_space<semaphore_mem>>) src(%dma_wait3A_33 : memref<1568xi32, #tpu.memory_space<hbm>>) dst(%arg9 : memref<1568xi32, #tpu.memory_space<vmem>>)
        tpu.yield
      }) : () -> ()
      "tpu.region"() ({
        %run_scoped3A = tpu.sem_alloc : memref<!tpu.dma_semaphore, #tpu.memory_space<semaphore_mem>>
        %dma_start3A = arith.constant 0 : i32
        %dma_start3A_32 = arith.constant 0 : i32
        %dma_start3A_33 = tpu.memref_slice %arg12[%dma_start3A, %dma_start3A_32] : memref<4224x64xf32, #tpu.memory_space<vmem_shared>> -> memref<4224x64xf32, #tpu.memory_space<vmem_shared>>
        tpu.enqueue_indirect_dma source(%arg10 : memref<1568x64xf32, #tpu.memory_space<vmem>>) target(%dma_start3A_33 : memref<4224x64xf32, #tpu.memory_space<vmem_shared>>) offsets(%arg9 : memref<1568xi32, #tpu.memory_space<vmem>>) semaphore(%run_scoped3A : memref<!tpu.dma_semaphore, #tpu.memory_space<semaphore_mem>>) {add = true}
        %dma_wait3A = arith.constant 0 : i32
        %dma_wait3A_34 = arith.constant 0 : i32
        %dma_wait3A_35 = tpu.memref_slice %arg12[%dma_wait3A, %dma_wait3A_34] : memref<4224x64xf32, #tpu.memory_space<vmem_shared>> -> memref<4224x64xf32, #tpu.memory_space<vmem_shared>>
        tpu.wait_indirect_dma semaphore(%run_scoped3A : memref<!tpu.dma_semaphore, #tpu.memory_space<semaphore_mem>>) src(%arg10 : memref<1568x64xf32, #tpu.memory_space<vmem>>) dst(%dma_wait3A_35 : memref<4224x64xf32, #tpu.memory_space<vmem_shared>>)
        tpu.yield
      }) : () -> ()
      "tpu.region"() ({
        %run_scoped3A = tpu.sem_alloc : memref<!tpu.dma_semaphore, #tpu.memory_space<semaphore_mem>>
        %dma_start3A = arith.constant 0 : i32
        %dma_start3A_32 = tpu.memref_slice %arg11[%dma_start3A] : memref<2000xf32, #tpu.memory_space<vmem>> -> memref<1568xf32, #tpu.memory_space<vmem>>
        %dma_start3A_33 = arith.constant 0 : i32
        %dma_start3A_34 = tpu.memref_slice %arg13[%dma_start3A_33] : memref<4224xf32, #tpu.memory_space<vmem_shared>> -> memref<4224xf32, #tpu.memory_space<vmem_shared>>
        tpu.enqueue_indirect_dma source(%dma_start3A_32 : memref<1568xf32, #tpu.memory_space<vmem>>) target(%dma_start3A_34 : memref<4224xf32, #tpu.memory_space<vmem_shared>>) offsets(%arg9 : memref<1568xi32, #tpu.memory_space<vmem>>) semaphore(%run_scoped3A : memref<!tpu.dma_semaphore, #tpu.memory_space<semaphore_mem>>) {add = true}
        %dma_wait3A = arith.constant 0 : i32
        %dma_wait3A_35 = tpu.memref_slice %arg11[%dma_wait3A] : memref<2000xf32, #tpu.memory_space<vmem>> -> memref<1568xf32, #tpu.memory_space<vmem>>
        %dma_wait3A_36 = arith.constant 0 : i32
        %dma_wait3A_37 = tpu.memref_slice %arg13[%dma_wait3A_36] : memref<4224xf32, #tpu.memory_space<vmem_shared>> -> memref<4224xf32, #tpu.memory_space<vmem_shared>>
        tpu.wait_indirect_dma semaphore(%run_scoped3A : memref<!tpu.dma_semaphore, #tpu.memory_space<semaphore_mem>>) src(%dma_wait3A_35 : memref<1568xf32, #tpu.memory_space<vmem>>) dst(%dma_wait3A_37 : memref<4224xf32, #tpu.memory_space<vmem_shared>>)
        tpu.yield
      }) : () -> ()
    }
    %scan3A_12 = arith.constant 2 : i32
    %barrier3A_13 = arith.constant 0 : index
    tpu.barrier barrier_id(%barrier3A_13)
    %mul3A_14 = arith.constant 264 : i32
    %mul3A_15 = arith.muli %arg1, %mul3A_14 : i32
    %mul3A_16 = arith.constant 264 : i32
    %mul3A_17 = arith.muli %arg1, %mul3A_16 : i32
    "tpu.region"() ({
      %run_scoped3A = tpu.sem_alloc : memref<!tpu.dma_semaphore, #tpu.memory_space<semaphore_mem>>
      %dma_start3A = arith.constant 0 : i32
      %dma_start3A_22 = tpu.memref_slice %arg7[%arg0, %mul3A_17, %dma_start3A] : memref<2x4224x64xf32, #tpu.memory_space<hbm>> -> memref<1x264x64xf32, #tpu.memory_space<hbm>>
      %dma_start3A_23 = tpu.memref_squeeze %dma_start3A_22 : memref<1x264x64xf32, #tpu.memory_space<hbm>> -> memref<264x64xf32, #tpu.memory_space<hbm>>
      %dma_start3A_24 = arith.constant 0 : i32
      %dma_start3A_25 = tpu.memref_slice %arg12[%mul3A_15, %dma_start3A_24] : memref<4224x64xf32, #tpu.memory_space<vmem_shared>> -> memref<264x64xf32, #tpu.memory_space<vmem_shared>>
      tpu.enqueue_dma source(%dma_start3A_25 : memref<264x64xf32, #tpu.memory_space<vmem_shared>>) target(%dma_start3A_23 : memref<264x64xf32, #tpu.memory_space<hbm>>) target_semaphore(%run_scoped3A : memref<!tpu.dma_semaphore, #tpu.memory_space<semaphore_mem>>)
      %dma_wait3A = arith.constant 0 : i32
      %dma_wait3A_26 = tpu.memref_slice %arg7[%arg0, %mul3A_17, %dma_wait3A] : memref<2x4224x64xf32, #tpu.memory_space<hbm>> -> memref<1x264x64xf32, #tpu.memory_space<hbm>>
      %dma_wait3A_27 = tpu.memref_squeeze %dma_wait3A_26 : memref<1x264x64xf32, #tpu.memory_space<hbm>> -> memref<264x64xf32, #tpu.memory_space<hbm>>
      %dma_wait3A_28 = arith.constant 0 : i32
      %dma_wait3A_29 = tpu.memref_slice %arg12[%mul3A_15, %dma_wait3A_28] : memref<4224x64xf32, #tpu.memory_space<vmem_shared>> -> memref<264x64xf32, #tpu.memory_space<vmem_shared>>
      tpu.wait_dma2 semaphore(%run_scoped3A : memref<!tpu.dma_semaphore, #tpu.memory_space<semaphore_mem>>) src(%dma_wait3A_29 : memref<264x64xf32, #tpu.memory_space<vmem_shared>>) dst(%dma_wait3A_27 : memref<264x64xf32, #tpu.memory_space<hbm>>)
      tpu.yield
    }) : () -> ()
    %mul3A_18 = arith.constant 264 : i32
    %mul3A_19 = arith.muli %arg1, %mul3A_18 : i32
    %mul3A_20 = arith.constant 264 : i32
    %mul3A_21 = arith.muli %arg1, %mul3A_20 : i32
    "tpu.region"() ({
      %run_scoped3A = tpu.sem_alloc : memref<!tpu.dma_semaphore, #tpu.memory_space<semaphore_mem>>
      %dma_start3A = tpu.memref_slice %arg8[%arg0, %mul3A_21] : memref<2x4224xf32, #tpu.memory_space<hbm>> -> memref<1x264xf32, #tpu.memory_space<hbm>>
      %dma_start3A_22 = tpu.memref_squeeze %dma_start3A : memref<1x264xf32, #tpu.memory_space<hbm>> -> memref<264xf32, #tpu.memory_space<hbm>>
      %dma_start3A_23 = tpu.memref_slice %arg13[%mul3A_19] : memref<4224xf32, #tpu.memory_space<vmem_shared>> -> memref<264xf32, #tpu.memory_space<vmem_shared>>
      tpu.enqueue_dma source(%dma_start3A_23 : memref<264xf32, #tpu.memory_space<vmem_shared>>) target(%dma_start3A_22 : memref<264xf32, #tpu.memory_space<hbm>>) target_semaphore(%run_scoped3A : memref<!tpu.dma_semaphore, #tpu.memory_space<semaphore_mem>>)
      %dma_wait3A = tpu.memref_slice %arg8[%arg0, %mul3A_21] : memref<2x4224xf32, #tpu.memory_space<hbm>> -> memref<1x264xf32, #tpu.memory_space<hbm>>
      %dma_wait3A_24 = tpu.memref_squeeze %dma_wait3A : memref<1x264xf32, #tpu.memory_space<hbm>> -> memref<264xf32, #tpu.memory_space<hbm>>
      %dma_wait3A_25 = tpu.memref_slice %arg13[%mul3A_19] : memref<4224xf32, #tpu.memory_space<vmem_shared>> -> memref<264xf32, #tpu.memory_space<vmem_shared>>
      tpu.wait_dma2 semaphore(%run_scoped3A : memref<!tpu.dma_semaphore, #tpu.memory_space<semaphore_mem>>) src(%dma_wait3A_25 : memref<264xf32, #tpu.memory_space<vmem_shared>>) dst(%dma_wait3A_24 : memref<264xf32, #tpu.memory_space<hbm>>)
      tpu.yield
    }) : () -> ()
    return
  }
}

module attributes {stable_mosaic.version = 14 : i64} {
  func.func @_idx_prep_body(%arg0: i32, %arg1: memref<3125x128xi32, #tpu.memory_space<vmem>>, %arg2: memref<2x3125x128xi32, #tpu.memory_space<vmem>>, %arg3: memref<4x3125x128xi32, #tpu.memory_space<vmem>>) attributes {dimension_semantics = [#tpu.dimension_semantics<arbitrary>], iteration_bounds = array<i64: 4>, scalar_prefetch = 0 : i64, scratch_operands = 0 : i64, tpu.core_type = #tpu.core_type<tc>, window_params = [{transform_indices = @transform_0, window_bounds = array<i64: 3125, 128>}, {transform_indices = @transform_1, window_bounds = array<i64: 2, 3125, 128>}, {transform_indices = @transform_2, window_bounds = array<i64: 4, 3125, 128>}]} {
    %get3A = arith.constant 0 : index
    %get3A_0 = arith.constant 0 : index
    %get3A_1 = vector.load %arg1[%get3A, %get3A_0] : memref<3125x128xi32, #tpu.memory_space<vmem>>, vector<3125x128xi32>
    %mul3A = arith.constant 2 : i32
    %mul3A_2 = vector.broadcast %mul3A : i32 to vector<3125x128xi32>
    %mul3A_3 = arith.muli %get3A_1, %mul3A_2 : vector<3125x128xi32>
    %mul3A_4 = arith.constant 4 : i32
    %mul3A_5 = vector.broadcast %mul3A_4 : i32 to vector<3125x128xi32>
    %mul3A_6 = arith.muli %get3A_1, %mul3A_5 : vector<3125x128xi32>
    %add3A = arith.constant 1 : i32
    %add3A_7 = vector.broadcast %add3A : i32 to vector<3125x128xi32>
    %add3A_8 = arith.addi %mul3A_3, %add3A_7 : vector<3125x128xi32>
    %stack3A = vector.shape_cast %mul3A_3 : vector<3125x128xi32> to vector<1x3125x128xi32>
    %stack3A_9 = vector.shape_cast %add3A_8 : vector<3125x128xi32> to vector<1x3125x128xi32>
    %stack3A_10 = tpu.concatenate %stack3A, %stack3A_9 in 0 : vector<1x3125x128xi32>, vector<1x3125x128xi32> -> vector<2x3125x128xi32>
    %swap3A = arith.constant 0 : index
    %swap3A_11 = arith.constant 0 : index
    %swap3A_12 = arith.constant 0 : index
    %swap3A_13 = vector.load %arg2[%swap3A, %swap3A_11, %swap3A_12] : memref<2x3125x128xi32, #tpu.memory_space<vmem>>, vector<2x3125x128xi32>
    tpu.vector_store %arg2[%swap3A, %swap3A_11, %swap3A_12], %stack3A_10 {strides = array<i32>} : memref<2x3125x128xi32, #tpu.memory_space<vmem>>, vector<2x3125x128xi32>,
    %add3A_14 = arith.constant 1 : i32
    %add3A_15 = vector.broadcast %add3A_14 : i32 to vector<3125x128xi32>
    %add3A_16 = arith.addi %mul3A_6, %add3A_15 : vector<3125x128xi32>
    %add3A_17 = arith.constant 2 : i32
    %add3A_18 = vector.broadcast %add3A_17 : i32 to vector<3125x128xi32>
    %add3A_19 = arith.addi %mul3A_6, %add3A_18 : vector<3125x128xi32>
    %add3A_20 = arith.constant 3 : i32
    %add3A_21 = vector.broadcast %add3A_20 : i32 to vector<3125x128xi32>
    %add3A_22 = arith.addi %mul3A_6, %add3A_21 : vector<3125x128xi32>
    %stack3A_23 = vector.shape_cast %mul3A_6 : vector<3125x128xi32> to vector<1x3125x128xi32>
    %stack3A_24 = vector.shape_cast %add3A_16 : vector<3125x128xi32> to vector<1x3125x128xi32>
    %stack3A_25 = vector.shape_cast %add3A_19 : vector<3125x128xi32> to vector<1x3125x128xi32>
    %stack3A_26 = vector.shape_cast %add3A_22 : vector<3125x128xi32> to vector<1x3125x128xi32>
    %stack3A_27 = tpu.concatenate %stack3A_23, %stack3A_24, %stack3A_25, %stack3A_26 in 0 : vector<1x3125x128xi32>, vector<1x3125x128xi32>, vector<1x3125x128xi32>, vector<1x3125x128xi32> -> vector<4x3125x128xi32>
    %swap3A_28 = arith.constant 0 : index
    %swap3A_29 = arith.constant 0 : index
    %swap3A_30 = arith.constant 0 : index
    %swap3A_31 = vector.load %arg3[%swap3A_28, %swap3A_29, %swap3A_30] : memref<4x3125x128xi32, #tpu.memory_space<vmem>>, vector<4x3125x128xi32>
    tpu.vector_store %arg3[%swap3A_28, %swap3A_29, %swap3A_30], %stack3A_27 {strides = array<i32>} : memref<4x3125x128xi32, #tpu.memory_space<vmem>>, vector<4x3125x128xi32>,
    return
  }
  func.func @transform_0(%arg0: i32) -> (i32, i32) {
    %c0_i32 = arith.constant 0 : i32
    %c0_i32_0 = arith.constant 0 : i32
    return %c0_i32, %arg0 : i32, i32
  }
  func.func @transform_1(%arg0: i32) -> (i32, i32, i32) {
    %c0_i32 = arith.constant 0 : i32
    %c0_i32_0 = arith.constant 0 : i32
    %c0_i32_1 = arith.constant 0 : i32
    return %c0_i32, %c0_i32_0, %arg0 : i32, i32, i32
  }
  func.func @transform_2(%arg0: i32) -> (i32, i32, i32) {
    %c0_i32 = arith.constant 0 : i32
    %c0_i32_0 = arith.constant 0 : i32
    %c0_i32_1 = arith.constant 0 : i32
    return %c0_i32, %c0_i32_0, %arg0 : i32, i32, i32
  }
}

module attributes {stable_mosaic.version = 14 : i64} {
  func.func @_prep_body(%arg0: i32, %arg1: memref<2x2048xf32, #tpu.memory_space<vmem>>, %arg2: memref<2048x32xf32, #tpu.memory_space<vmem>>, %arg3: memref<2048x32xf32, #tpu.memory_space<vmem>>, %arg4: memref<2048x1xf32, #tpu.memory_space<vmem>>) attributes {dimension_semantics = [#tpu.dimension_semantics<arbitrary>], iteration_bounds = array<i64: 49>, scalar_prefetch = 0 : i64, scratch_operands = 0 : i64, tpu.core_type = #tpu.core_type<tc>, window_params = [{transform_indices = @transform_0, window_bounds = array<i64: 2, 2048>}, {transform_indices = @transform_1, window_bounds = array<i64: 2048, 32>}, {transform_indices = @transform_2, window_bounds = array<i64: 2048, 32>}, {transform_indices = @transform_3, window_bounds = array<i64: 2048, 1>}]} {
    %get3A = arith.constant 0 : index
    %get3A_0 = arith.constant 0 : index
    %get3A_1 = vector.load %arg1[%get3A, %get3A_0] : memref<2x2048xf32, #tpu.memory_space<vmem>>, vector<1x2048xf32>
    %get3A_2 = vector.shape_cast %get3A_1 : vector<1x2048xf32> to vector<2048xf32>
    %get3A_3 = arith.constant 1 : index
    %get3A_4 = arith.constant 0 : index
    %get3A_5 = vector.load %arg1[%get3A_3, %get3A_4] : memref<2x2048xf32, #tpu.memory_space<vmem>>, vector<1x2048xf32>
    %get3A_6 = vector.shape_cast %get3A_5 : vector<1x2048xf32> to vector<2048xf32>
    %add3A = arith.addf %get3A_2, %get3A_6 : vector<2048xf32>
    %add3A_7 = arith.constant 1.000000e+00 : f32
    %add3A_8 = vector.broadcast %add3A_7 : f32 to vector<2048xf32>
    %add3A_9 = arith.addf %add3A, %add3A_8 : vector<2048xf32>
    %rsqrt3A = math.rsqrt %add3A_9 : vector<2048xf32>
    %reshape3A = vector.shape_cast %rsqrt3A : vector<2048xf32> to vector<2048x1xf32>
    %get3A_10 = arith.constant 0 : index
    %get3A_11 = arith.constant 0 : index
    %get3A_12 = vector.load %arg2[%get3A_10, %get3A_11] : memref<2048x32xf32, #tpu.memory_space<vmem>>, vector<2048x32xf32>
    %mul3A = vector.broadcast %reshape3A : vector<2048x1xf32> to vector<2048x32xf32>
    %mul3A_13 = arith.mulf %get3A_12, %mul3A : vector<2048x32xf32>
    %swap3A = arith.constant 0 : index
    %swap3A_14 = arith.constant 0 : index
    %swap3A_15 = vector.load %arg3[%swap3A, %swap3A_14] : memref<2048x32xf32, #tpu.memory_space<vmem>>, vector<2048x32xf32>
    tpu.vector_store %arg3[%swap3A, %swap3A_14], %mul3A_13 {strides = array<i32>} : memref<2048x32xf32, #tpu.memory_space<vmem>>, vector<2048x32xf32>,
    %swap3A_16 = arith.constant 0 : index
    %swap3A_17 = arith.constant 0 : index
    %swap3A_18 = vector.load %arg4[%swap3A_16, %swap3A_17] : memref<2048x1xf32, #tpu.memory_space<vmem>>, vector<2048x1xf32>
    tpu.vector_store %arg4[%swap3A_16, %swap3A_17], %reshape3A {strides = array<i32>} : memref<2048x1xf32, #tpu.memory_space<vmem>>, vector<2048x1xf32>,
    return
  }
  func.func @transform_0(%arg0: i32) -> (i32, i32) {
    %c0_i32 = arith.constant 0 : i32
    %c0_i32_0 = arith.constant 0 : i32
    return %c0_i32, %arg0 : i32, i32
  }
  func.func @transform_1(%arg0: i32) -> (i32, i32) {
    %c0_i32 = arith.constant 0 : i32
    %c0_i32_0 = arith.constant 0 : i32
    return %arg0, %c0_i32 : i32, i32
  }
  func.func @transform_2(%arg0: i32) -> (i32, i32) {
    %c0_i32 = arith.constant 0 : i32
    %c0_i32_0 = arith.constant 0 : i32
    return %arg0, %c0_i32 : i32, i32
  }
  func.func @transform_3(%arg0: i32) -> (i32, i32) {
    %c0_i32 = arith.constant 0 : i32
    %c0_i32_0 = arith.constant 0 : i32
    return %arg0, %c0_i32 : i32, i32
  }
}

module attributes {stable_mosaic.version = 14 : i64} {
  func.func @_layer1_body(%arg0: i32, %arg1: memref<2x2048x16xf32, #tpu.memory_space<vmem>>, %arg2: memref<2048x32xf32, #tpu.memory_space<vmem>>, %arg3: memref<2048x1xf32, #tpu.memory_space<vmem>>, %arg4: memref<32x64xf32, #tpu.memory_space<vmem>>, %arg5: memref<1x64xf32, #tpu.memory_space<vmem>>, %arg6: memref<1x64xf32, #tpu.memory_space<vmem>>, %arg7: memref<1x64xf32, #tpu.memory_space<vmem>>, %arg8: memref<2048x64xf32, #tpu.memory_space<vmem>>) attributes {dimension_semantics = [#tpu.dimension_semantics<arbitrary>], iteration_bounds = array<i64: 49>, scalar_prefetch = 0 : i64, scratch_operands = 0 : i64, tpu.core_type = #tpu.core_type<tc>, window_params = [{transform_indices = @transform_0, window_bounds = array<i64: 2, 2048, 16>}, {transform_indices = @transform_1, window_bounds = array<i64: 2048, 32>}, {transform_indices = @transform_2, window_bounds = array<i64: 2048, 1>}, {pipeline_mode = #tpu.pipeline_mode<synchronous>, transform_indices = @transform_3, window_bounds = array<i64: 32, 64>}, {pipeline_mode = #tpu.pipeline_mode<synchronous>, transform_indices = @transform_4, window_bounds = array<i64: 1, 64>}, {pipeline_mode = #tpu.pipeline_mode<synchronous>, transform_indices = @transform_5, window_bounds = array<i64: 1, 64>}, {pipeline_mode = #tpu.pipeline_mode<synchronous>, transform_indices = @transform_6, window_bounds = array<i64: 1, 64>}, {transform_indices = @transform_7, window_bounds = array<i64: 2048, 64>}]} {
    %get3A = arith.constant 0 : index
    %get3A_0 = arith.constant 0 : index
    %get3A_1 = vector.load %arg3[%get3A, %get3A_0] : memref<2048x1xf32, #tpu.memory_space<vmem>>, vector<2048x1xf32>
    %get3A_2 = arith.constant 0 : index
    %get3A_3 = arith.constant 0 : index
    %get3A_4 = vector.load %arg4[%get3A_2, %get3A_3] : memref<32x64xf32, #tpu.memory_space<vmem>>, vector<32x64xf32>
    %get3A_5 = arith.constant 0 : index
    %get3A_6 = arith.constant 0 : index
    %get3A_7 = vector.load %arg2[%get3A_5, %get3A_6] : memref<2048x32xf32, #tpu.memory_space<vmem>>, vector<2048x32xf32>
    %mul3A = vector.broadcast %get3A_1 : vector<2048x1xf32> to vector<2048x32xf32>
    %mul3A_8 = arith.mulf %get3A_7, %mul3A : vector<2048x32xf32>
    %dot_general3A = arith.constant dense<0.000000e+00> : vector<2048x64xf32>
    %dot_general3A_9 = tpu.matmul %mul3A_8, %get3A_4, %dot_general3A {dimension_numbers = #tpu.dot_dimension_numbers<[1], [0], [0], [1], [0, 0, 1, 1], [], []>, transpose_lhs_hint = false} : vector<2048x32xf32>, vector<32x64xf32>, vector<2048x64xf32> -> vector<2048x64xf32>
    %get3A_10 = arith.constant 0 : index
    %get3A_11 = arith.constant 0 : index
    %get3A_12 = arith.constant 0 : index
    %get3A_13 = vector.load %arg1[%get3A_10, %get3A_11, %get3A_12] : memref<2x2048x16xf32, #tpu.memory_space<vmem>>, vector<1x2048x16xf32>
    %get3A_14 = vector.shape_cast %get3A_13 : vector<1x2048x16xf32> to vector<2048x16xf32>
    %mul3A_15 = vector.broadcast %get3A_1 : vector<2048x1xf32> to vector<2048x16xf32>
    %mul3A_16 = arith.mulf %get3A_14, %mul3A_15 : vector<2048x16xf32>
    %slice3A = vector.extract_strided_slice %get3A_4 {offsets = [0, 0], sizes = [16, 64], strides = [1, 1]} : vector<32x64xf32> to vector<16x64xf32>
    %dot_general3A_17 = arith.constant dense<0.000000e+00> : vector<2048x64xf32>
    %dot_general3A_18 = tpu.matmul %mul3A_16, %slice3A, %dot_general3A_17 {dimension_numbers = #tpu.dot_dimension_numbers<[1], [0], [0], [1], [0, 0, 1, 1], [], []>, transpose_lhs_hint = false} : vector<2048x16xf32>, vector<16x64xf32>, vector<2048x64xf32> -> vector<2048x64xf32>
    %add3A = arith.addf %dot_general3A_9, %dot_general3A_18 : vector<2048x64xf32>
    %get3A_19 = arith.constant 1 : index
    %get3A_20 = arith.constant 0 : index
    %get3A_21 = arith.constant 0 : index
    %get3A_22 = vector.load %arg1[%get3A_19, %get3A_20, %get3A_21] : memref<2x2048x16xf32, #tpu.memory_space<vmem>>, vector<1x2048x16xf32>
    %get3A_23 = vector.shape_cast %get3A_22 : vector<1x2048x16xf32> to vector<2048x16xf32>
    %mul3A_24 = vector.broadcast %get3A_1 : vector<2048x1xf32> to vector<2048x16xf32>
    %mul3A_25 = arith.mulf %get3A_23, %mul3A_24 : vector<2048x16xf32>
    %slice3A_26 = vector.extract_strided_slice %get3A_4 {offsets = [16, 0], sizes = [16, 64], strides = [1, 1]} : vector<32x64xf32> to vector<16x64xf32>
    %dot_general3A_27 = arith.constant dense<0.000000e+00> : vector<2048x64xf32>
    %dot_general3A_28 = tpu.matmul %mul3A_25, %slice3A_26, %dot_general3A_27 {dimension_numbers = #tpu.dot_dimension_numbers<[1], [0], [0], [1], [0, 0, 1, 1], [], []>, transpose_lhs_hint = false} : vector<2048x16xf32>, vector<16x64xf32>, vector<2048x64xf32> -> vector<2048x64xf32>
    %add3A_29 = arith.addf %add3A, %dot_general3A_28 : vector<2048x64xf32>
    %get3A_30 = arith.constant 0 : index
    %get3A_31 = arith.constant 0 : index
    %get3A_32 = vector.load %arg5[%get3A_30, %get3A_31] : memref<1x64xf32, #tpu.memory_space<vmem>>, vector<1x64xf32>
    %add3A_33 = vector.broadcast %get3A_32 : vector<1x64xf32> to vector<2048x64xf32>
    %add3A_34 = arith.addf %add3A_29, %add3A_33 : vector<2048x64xf32>
    %get3A_35 = arith.constant 0 : index
    %get3A_36 = arith.constant 0 : index
    %get3A_37 = vector.load %arg6[%get3A_35, %get3A_36] : memref<1x64xf32, #tpu.memory_space<vmem>>, vector<1x64xf32>
    %get3A_38 = arith.constant 0 : index
    %get3A_39 = arith.constant 0 : index
    %get3A_40 = vector.load %arg7[%get3A_38, %get3A_39] : memref<1x64xf32, #tpu.memory_space<vmem>>, vector<1x64xf32>
    %reduce_sum3A = arith.constant dense<0.000000e+00> : vector<2048xf32>
    %reduce_sum3A_41 = vector.multi_reduction <add>, %add3A_34, %reduce_sum3A [1] : vector<2048x64xf32> to vector<2048xf32>
    %broadcast_in_dim3A = vector.shape_cast %reduce_sum3A_41 : vector<2048xf32> to vector<2048x1xf32>
    %div3A = arith.constant 6.400000e+01 : f32
    %div3A_42 = vector.broadcast %div3A : f32 to vector<2048x1xf32>
    %div3A_43 = arith.divf %broadcast_in_dim3A, %div3A_42 : vector<2048x1xf32>
    %sub3A = vector.broadcast %div3A_43 : vector<2048x1xf32> to vector<2048x64xf32>
    %sub3A_44 = arith.subf %add3A_34, %sub3A : vector<2048x64xf32>
    %integer_pow3A = arith.mulf %sub3A_44, %sub3A_44 : vector<2048x64xf32>
    %reduce_sum3A_45 = arith.constant dense<0.000000e+00> : vector<2048xf32>
    %reduce_sum3A_46 = vector.multi_reduction <add>, %integer_pow3A, %reduce_sum3A_45 [1] : vector<2048x64xf32> to vector<2048xf32>
    %broadcast_in_dim3A_47 = vector.shape_cast %reduce_sum3A_46 : vector<2048xf32> to vector<2048x1xf32>
    %div3A_48 = arith.constant 6.400000e+01 : f32
    %div3A_49 = vector.broadcast %div3A_48 : f32 to vector<2048x1xf32>
    %div3A_50 = arith.divf %broadcast_in_dim3A_47, %div3A_49 : vector<2048x1xf32>
    %sub3A_51 = vector.broadcast %div3A_43 : vector<2048x1xf32> to vector<2048x64xf32>
    %sub3A_52 = arith.subf %add3A_34, %sub3A_51 : vector<2048x64xf32>
    %add3A_53 = arith.constant 9.99999974E-6 : f32
    %add3A_54 = vector.broadcast %add3A_53 : f32 to vector<2048x1xf32>
    %add3A_55 = arith.addf %div3A_50, %add3A_54 : vector<2048x1xf32>
    %rsqrt3A = math.rsqrt %add3A_55 : vector<2048x1xf32>
    %mul3A_56 = vector.broadcast %rsqrt3A : vector<2048x1xf32> to vector<2048x64xf32>
    %mul3A_57 = arith.mulf %sub3A_52, %mul3A_56 : vector<2048x64xf32>
    %mul3A_58 = vector.broadcast %get3A_37 : vector<1x64xf32> to vector<2048x64xf32>
    %mul3A_59 = arith.mulf %mul3A_57, %mul3A_58 : vector<2048x64xf32>
    %add3A_60 = vector.broadcast %get3A_40 : vector<1x64xf32> to vector<2048x64xf32>
    %add3A_61 = arith.addf %mul3A_59, %add3A_60 : vector<2048x64xf32>
    %mul3A_62 = vector.broadcast %get3A_1 : vector<2048x1xf32> to vector<2048x64xf32>
    %mul3A_63 = arith.mulf %add3A_61, %mul3A_62 : vector<2048x64xf32>
    %swap3A = arith.constant 0 : index
    %swap3A_64 = arith.constant 0 : index
    %swap3A_65 = vector.load %arg8[%swap3A, %swap3A_64] : memref<2048x64xf32, #tpu.memory_space<vmem>>, vector<2048x64xf32>
    tpu.vector_store %arg8[%swap3A, %swap3A_64], %mul3A_63 {strides = array<i32>} : memref<2048x64xf32, #tpu.memory_space<vmem>>, vector<2048x64xf32>,
    return
  }
  func.func @transform_0(%arg0: i32) -> (i32, i32, i32) {
    %c0_i32 = arith.constant 0 : i32
    %c0_i32_0 = arith.constant 0 : i32
    %c0_i32_1 = arith.constant 0 : i32
    return %c0_i32, %arg0, %c0_i32_0 : i32, i32, i32
  }
  func.func @transform_1(%arg0: i32) -> (i32, i32) {
    %c0_i32 = arith.constant 0 : i32
    %c0_i32_0 = arith.constant 0 : i32
    return %arg0, %c0_i32 : i32, i32
  }
  func.func @transform_2(%arg0: i32) -> (i32, i32) {
    %c0_i32 = arith.constant 0 : i32
    %c0_i32_0 = arith.constant 0 : i32
    return %arg0, %c0_i32 : i32, i32
  }
  func.func @transform_3(%arg0: i32) -> (i32, i32) {
    %c0_i32 = arith.constant 0 : i32
    %c0_i32_0 = arith.constant 0 : i32
    %c0_i32_1 = arith.constant 0 : i32
    return %c0_i32, %c0_i32_0 : i32, i32
  }
  func.func @transform_4(%arg0: i32) -> (i32, i32) {
    %c0_i32 = arith.constant 0 : i32
    %c0_i32_0 = arith.constant 0 : i32
    %c0_i32_1 = arith.constant 0 : i32
    return %c0_i32, %c0_i32_0 : i32, i32
  }
  func.func @transform_5(%arg0: i32) -> (i32, i32) {
    %c0_i32 = arith.constant 0 : i32
    %c0_i32_0 = arith.constant 0 : i32
    %c0_i32_1 = arith.constant 0 : i32
    return %c0_i32, %c0_i32_0 : i32, i32
  }
  func.func @transform_6(%arg0: i32) -> (i32, i32) {
    %c0_i32 = arith.constant 0 : i32
    %c0_i32_0 = arith.constant 0 : i32
    %c0_i32_1 = arith.constant 0 : i32
    return %c0_i32, %c0_i32_0 : i32, i32
  }
  func.func @transform_7(%arg0: i32) -> (i32, i32) {
    %c0_i32 = arith.constant 0 : i32
    %c0_i32_0 = arith.constant 0 : i32
    return %arg0, %c0_i32 : i32, i32
  }
}

module attributes {stable_mosaic.version = 14 : i64} {
  func.func @_layer2_body(%arg0: i32, %arg1: memref<4x2048x16xf32, #tpu.memory_space<vmem>>, %arg2: memref<2048x64xf32, #tpu.memory_space<vmem>>, %arg3: memref<2048x1xf32, #tpu.memory_space<vmem>>, %arg4: memref<64x64xf32, #tpu.memory_space<vmem>>, %arg5: memref<1x64xf32, #tpu.memory_space<vmem>>, %arg6: memref<1x64xf32, #tpu.memory_space<vmem>>, %arg7: memref<1x64xf32, #tpu.memory_space<vmem>>, %arg8: memref<2048x64xf32, #tpu.memory_space<vmem>>) attributes {dimension_semantics = [#tpu.dimension_semantics<arbitrary>], iteration_bounds = array<i64: 49>, scalar_prefetch = 0 : i64, scratch_operands = 0 : i64, tpu.core_type = #tpu.core_type<tc>, window_params = [{transform_indices = @transform_0, window_bounds = array<i64: 4, 2048, 16>}, {transform_indices = @transform_1, window_bounds = array<i64: 2048, 64>}, {transform_indices = @transform_2, window_bounds = array<i64: 2048, 1>}, {pipeline_mode = #tpu.pipeline_mode<synchronous>, transform_indices = @transform_3, window_bounds = array<i64: 64, 64>}, {pipeline_mode = #tpu.pipeline_mode<synchronous>, transform_indices = @transform_4, window_bounds = array<i64: 1, 64>}, {pipeline_mode = #tpu.pipeline_mode<synchronous>, transform_indices = @transform_5, window_bounds = array<i64: 1, 64>}, {pipeline_mode = #tpu.pipeline_mode<synchronous>, transform_indices = @transform_6, window_bounds = array<i64: 1, 64>}, {transform_indices = @transform_7, window_bounds = array<i64: 2048, 64>}]} {
    %get3A = arith.constant 0 : index
    %get3A_0 = arith.constant 0 : index
    %get3A_1 = vector.load %arg3[%get3A, %get3A_0] : memref<2048x1xf32, #tpu.memory_space<vmem>>, vector<2048x1xf32>
    %get3A_2 = arith.constant 0 : index
    %get3A_3 = arith.constant 0 : index
    %get3A_4 = vector.load %arg4[%get3A_2, %get3A_3] : memref<64x64xf32, #tpu.memory_space<vmem>>, vector<64x64xf32>
    %get3A_5 = arith.constant 0 : index
    %get3A_6 = arith.constant 0 : index
    %get3A_7 = vector.load %arg2[%get3A_5, %get3A_6] : memref<2048x64xf32, #tpu.memory_space<vmem>>, vector<2048x64xf32>
    %mul3A = vector.broadcast %get3A_1 : vector<2048x1xf32> to vector<2048x64xf32>
    %mul3A_8 = arith.mulf %get3A_7, %mul3A : vector<2048x64xf32>
    %dot_general3A = arith.constant dense<0.000000e+00> : vector<2048x64xf32>
    %dot_general3A_9 = tpu.matmul %mul3A_8, %get3A_4, %dot_general3A {dimension_numbers = #tpu.dot_dimension_numbers<[1], [0], [0], [1], [0, 0, 1, 1], [], []>, transpose_lhs_hint = false} : vector<2048x64xf32>, vector<64x64xf32>, vector<2048x64xf32> -> vector<2048x64xf32>
    %get3A_10 = arith.constant 0 : index
    %get3A_11 = arith.constant 0 : index
    %get3A_12 = arith.constant 0 : index
    %get3A_13 = vector.load %arg1[%get3A_10, %get3A_11, %get3A_12] : memref<4x2048x16xf32, #tpu.memory_space<vmem>>, vector<1x2048x16xf32>
    %get3A_14 = vector.shape_cast %get3A_13 : vector<1x2048x16xf32> to vector<2048x16xf32>
    %mul3A_15 = vector.broadcast %get3A_1 : vector<2048x1xf32> to vector<2048x16xf32>
    %mul3A_16 = arith.mulf %get3A_14, %mul3A_15 : vector<2048x16xf32>
    %slice3A = vector.extract_strided_slice %get3A_4 {offsets = [0, 0], sizes = [16, 64], strides = [1, 1]} : vector<64x64xf32> to vector<16x64xf32>
    %dot_general3A_17 = arith.constant dense<0.000000e+00> : vector<2048x64xf32>
    %dot_general3A_18 = tpu.matmul %mul3A_16, %slice3A, %dot_general3A_17 {dimension_numbers = #tpu.dot_dimension_numbers<[1], [0], [0], [1], [0, 0, 1, 1], [], []>, transpose_lhs_hint = false} : vector<2048x16xf32>, vector<16x64xf32>, vector<2048x64xf32> -> vector<2048x64xf32>
    %add3A = arith.addf %dot_general3A_9, %dot_general3A_18 : vector<2048x64xf32>
    %get3A_19 = arith.constant 1 : index
    %get3A_20 = arith.constant 0 : index
    %get3A_21 = arith.constant 0 : index
    %get3A_22 = vector.load %arg1[%get3A_19, %get3A_20, %get3A_21] : memref<4x2048x16xf32, #tpu.memory_space<vmem>>, vector<1x2048x16xf32>
    %get3A_23 = vector.shape_cast %get3A_22 : vector<1x2048x16xf32> to vector<2048x16xf32>
    %mul3A_24 = vector.broadcast %get3A_1 : vector<2048x1xf32> to vector<2048x16xf32>
    %mul3A_25 = arith.mulf %get3A_23, %mul3A_24 : vector<2048x16xf32>
    %slice3A_26 = vector.extract_strided_slice %get3A_4 {offsets = [16, 0], sizes = [16, 64], strides = [1, 1]} : vector<64x64xf32> to vector<16x64xf32>
    %dot_general3A_27 = arith.constant dense<0.000000e+00> : vector<2048x64xf32>
    %dot_general3A_28 = tpu.matmul %mul3A_25, %slice3A_26, %dot_general3A_27 {dimension_numbers = #tpu.dot_dimension_numbers<[1], [0], [0], [1], [0, 0, 1, 1], [], []>, transpose_lhs_hint = false} : vector<2048x16xf32>, vector<16x64xf32>, vector<2048x64xf32> -> vector<2048x64xf32>
    %add3A_29 = arith.addf %add3A, %dot_general3A_28 : vector<2048x64xf32>
    %get3A_30 = arith.constant 2 : index
    %get3A_31 = arith.constant 0 : index
    %get3A_32 = arith.constant 0 : index
    %get3A_33 = vector.load %arg1[%get3A_30, %get3A_31, %get3A_32] : memref<4x2048x16xf32, #tpu.memory_space<vmem>>, vector<1x2048x16xf32>
    %get3A_34 = vector.shape_cast %get3A_33 : vector<1x2048x16xf32> to vector<2048x16xf32>
    %mul3A_35 = vector.broadcast %get3A_1 : vector<2048x1xf32> to vector<2048x16xf32>
    %mul3A_36 = arith.mulf %get3A_34, %mul3A_35 : vector<2048x16xf32>
    %slice3A_37 = vector.extract_strided_slice %get3A_4 {offsets = [32, 0], sizes = [16, 64], strides = [1, 1]} : vector<64x64xf32> to vector<16x64xf32>
    %dot_general3A_38 = arith.constant dense<0.000000e+00> : vector<2048x64xf32>
    %dot_general3A_39 = tpu.matmul %mul3A_36, %slice3A_37, %dot_general3A_38 {dimension_numbers = #tpu.dot_dimension_numbers<[1], [0], [0], [1], [0, 0, 1, 1], [], []>, transpose_lhs_hint = false} : vector<2048x16xf32>, vector<16x64xf32>, vector<2048x64xf32> -> vector<2048x64xf32>
    %add3A_40 = arith.addf %add3A_29, %dot_general3A_39 : vector<2048x64xf32>
    %get3A_41 = arith.constant 3 : index
    %get3A_42 = arith.constant 0 : index
    %get3A_43 = arith.constant 0 : index
    %get3A_44 = vector.load %arg1[%get3A_41, %get3A_42, %get3A_43] : memref<4x2048x16xf32, #tpu.memory_space<vmem>>, vector<1x2048x16xf32>
    %get3A_45 = vector.shape_cast %get3A_44 : vector<1x2048x16xf32> to vector<2048x16xf32>
    %mul3A_46 = vector.broadcast %get3A_1 : vector<2048x1xf32> to vector<2048x16xf32>
    %mul3A_47 = arith.mulf %get3A_45, %mul3A_46 : vector<2048x16xf32>
    %slice3A_48 = vector.extract_strided_slice %get3A_4 {offsets = [48, 0], sizes = [16, 64], strides = [1, 1]} : vector<64x64xf32> to vector<16x64xf32>
    %dot_general3A_49 = arith.constant dense<0.000000e+00> : vector<2048x64xf32>
    %dot_general3A_50 = tpu.matmul %mul3A_47, %slice3A_48, %dot_general3A_49 {dimension_numbers = #tpu.dot_dimension_numbers<[1], [0], [0], [1], [0, 0, 1, 1], [], []>, transpose_lhs_hint = false} : vector<2048x16xf32>, vector<16x64xf32>, vector<2048x64xf32> -> vector<2048x64xf32>
    %add3A_51 = arith.addf %add3A_40, %dot_general3A_50 : vector<2048x64xf32>
    %get3A_52 = arith.constant 0 : index
    %get3A_53 = arith.constant 0 : index
    %get3A_54 = vector.load %arg5[%get3A_52, %get3A_53] : memref<1x64xf32, #tpu.memory_space<vmem>>, vector<1x64xf32>
    %add3A_55 = vector.broadcast %get3A_54 : vector<1x64xf32> to vector<2048x64xf32>
    %add3A_56 = arith.addf %add3A_51, %add3A_55 : vector<2048x64xf32>
    %get3A_57 = arith.constant 0 : index
    %get3A_58 = arith.constant 0 : index
    %get3A_59 = vector.load %arg6[%get3A_57, %get3A_58] : memref<1x64xf32, #tpu.memory_space<vmem>>, vector<1x64xf32>
    %get3A_60 = arith.constant 0 : index
    %get3A_61 = arith.constant 0 : index
    %get3A_62 = vector.load %arg7[%get3A_60, %get3A_61] : memref<1x64xf32, #tpu.memory_space<vmem>>, vector<1x64xf32>
    %reduce_sum3A = arith.constant dense<0.000000e+00> : vector<2048xf32>
    %reduce_sum3A_63 = vector.multi_reduction <add>, %add3A_56, %reduce_sum3A [1] : vector<2048x64xf32> to vector<2048xf32>
    %broadcast_in_dim3A = vector.shape_cast %reduce_sum3A_63 : vector<2048xf32> to vector<2048x1xf32>
    %div3A = arith.constant 6.400000e+01 : f32
    %div3A_64 = vector.broadcast %div3A : f32 to vector<2048x1xf32>
    %div3A_65 = arith.divf %broadcast_in_dim3A, %div3A_64 : vector<2048x1xf32>
    %sub3A = vector.broadcast %div3A_65 : vector<2048x1xf32> to vector<2048x64xf32>
    %sub3A_66 = arith.subf %add3A_56, %sub3A : vector<2048x64xf32>
    %integer_pow3A = arith.mulf %sub3A_66, %sub3A_66 : vector<2048x64xf32>
    %reduce_sum3A_67 = arith.constant dense<0.000000e+00> : vector<2048xf32>
    %reduce_sum3A_68 = vector.multi_reduction <add>, %integer_pow3A, %reduce_sum3A_67 [1] : vector<2048x64xf32> to vector<2048xf32>
    %broadcast_in_dim3A_69 = vector.shape_cast %reduce_sum3A_68 : vector<2048xf32> to vector<2048x1xf32>
    %div3A_70 = arith.constant 6.400000e+01 : f32
    %div3A_71 = vector.broadcast %div3A_70 : f32 to vector<2048x1xf32>
    %div3A_72 = arith.divf %broadcast_in_dim3A_69, %div3A_71 : vector<2048x1xf32>
    %sub3A_73 = vector.broadcast %div3A_65 : vector<2048x1xf32> to vector<2048x64xf32>
    %sub3A_74 = arith.subf %add3A_56, %sub3A_73 : vector<2048x64xf32>
    %add3A_75 = arith.constant 9.99999974E-6 : f32
    %add3A_76 = vector.broadcast %add3A_75 : f32 to vector<2048x1xf32>
    %add3A_77 = arith.addf %div3A_72, %add3A_76 : vector<2048x1xf32>
    %rsqrt3A = math.rsqrt %add3A_77 : vector<2048x1xf32>
    %mul3A_78 = vector.broadcast %rsqrt3A : vector<2048x1xf32> to vector<2048x64xf32>
    %mul3A_79 = arith.mulf %sub3A_74, %mul3A_78 : vector<2048x64xf32>
    %mul3A_80 = vector.broadcast %get3A_59 : vector<1x64xf32> to vector<2048x64xf32>
    %mul3A_81 = arith.mulf %mul3A_79, %mul3A_80 : vector<2048x64xf32>
    %add3A_82 = vector.broadcast %get3A_62 : vector<1x64xf32> to vector<2048x64xf32>
    %add3A_83 = arith.addf %mul3A_81, %add3A_82 : vector<2048x64xf32>
    %swap3A = arith.constant 0 : index
    %swap3A_84 = arith.constant 0 : index
    %swap3A_85 = vector.load %arg8[%swap3A, %swap3A_84] : memref<2048x64xf32, #tpu.memory_space<vmem>>, vector<2048x64xf32>
    tpu.vector_store %arg8[%swap3A, %swap3A_84], %add3A_83 {strides = array<i32>} : memref<2048x64xf32, #tpu.memory_space<vmem>>, vector<2048x64xf32>,
    return
  }
  func.func @transform_0(%arg0: i32) -> (i32, i32, i32) {
    %c0_i32 = arith.constant 0 : i32
    %c0_i32_0 = arith.constant 0 : i32
    %c0_i32_1 = arith.constant 0 : i32
    return %c0_i32, %arg0, %c0_i32_0 : i32, i32, i32
  }
  func.func @transform_1(%arg0: i32) -> (i32, i32) {
    %c0_i32 = arith.constant 0 : i32
    %c0_i32_0 = arith.constant 0 : i32
    return %arg0, %c0_i32 : i32, i32
  }
  func.func @transform_2(%arg0: i32) -> (i32, i32) {
    %c0_i32 = arith.constant 0 : i32
    %c0_i32_0 = arith.constant 0 : i32
    return %arg0, %c0_i32 : i32, i32
  }
  func.func @transform_3(%arg0: i32) -> (i32, i32) {
    %c0_i32 = arith.constant 0 : i32
    %c0_i32_0 = arith.constant 0 : i32
    %c0_i32_1 = arith.constant 0 : i32
    return %c0_i32, %c0_i32_0 : i32, i32
  }
  func.func @transform_4(%arg0: i32) -> (i32, i32) {
    %c0_i32 = arith.constant 0 : i32
    %c0_i32_0 = arith.constant 0 : i32
    %c0_i32_1 = arith.constant 0 : i32
    return %c0_i32, %c0_i32_0 : i32, i32
  }
  func.func @transform_5(%arg0: i32) -> (i32, i32) {
    %c0_i32 = arith.constant 0 : i32
    %c0_i32_0 = arith.constant 0 : i32
    %c0_i32_1 = arith.constant 0 : i32
    return %c0_i32, %c0_i32_0 : i32, i32
  }
  func.func @transform_6(%arg0: i32) -> (i32, i32) {
    %c0_i32 = arith.constant 0 : i32
    %c0_i32_0 = arith.constant 0 : i32
    %c0_i32_1 = arith.constant 0 : i32
    return %c0_i32, %c0_i32_0 : i32, i32
  }
  func.func @transform_7(%arg0: i32) -> (i32, i32) {
    %c0_i32 = arith.constant 0 : i32
    %c0_i32_0 = arith.constant 0 : i32
    return %arg0, %c0_i32 : i32, i32
  }
}

module attributes {stable_mosaic.version = 14 : i64} {
  func.func @_head_body(%arg0: i32, %arg1: memref<2x512x64xf32, #tpu.memory_space<vmem>>, %arg2: memref<2x512xf32, #tpu.memory_space<vmem>>, %arg3: memref<128x64xf32, #tpu.memory_space<vmem>>, %arg4: memref<1x64xf32, #tpu.memory_space<vmem>>, %arg5: memref<64x128xf32, #tpu.memory_space<vmem>>, %arg6: memref<1x128xf32, #tpu.memory_space<vmem>>, %arg7: memref<1x128xf32, #tpu.memory_space<vmem>>, %arg8: memref<1x128xf32, #tpu.memory_space<vmem>>, %arg9: memref<512x128xf32, #tpu.memory_space<vmem>>) attributes {dimension_semantics = [#tpu.dimension_semantics<arbitrary>], iteration_bounds = array<i64: 8>, scalar_prefetch = 0 : i64, scratch_operands = 0 : i64, tpu.core_type = #tpu.core_type<tc>, window_params = [{transform_indices = @transform_0, window_bounds = array<i64: 2, 512, 64>}, {transform_indices = @transform_1, window_bounds = array<i64: 2, 512>}, {pipeline_mode = #tpu.pipeline_mode<synchronous>, transform_indices = @transform_2, window_bounds = array<i64: 128, 64>}, {pipeline_mode = #tpu.pipeline_mode<synchronous>, transform_indices = @transform_3, window_bounds = array<i64: 1, 64>}, {pipeline_mode = #tpu.pipeline_mode<synchronous>, transform_indices = @transform_4, window_bounds = array<i64: 64, 128>}, {pipeline_mode = #tpu.pipeline_mode<synchronous>, transform_indices = @transform_5, window_bounds = array<i64: 1, 128>}, {pipeline_mode = #tpu.pipeline_mode<synchronous>, transform_indices = @transform_6, window_bounds = array<i64: 1, 128>}, {pipeline_mode = #tpu.pipeline_mode<synchronous>, transform_indices = @transform_7, window_bounds = array<i64: 1, 128>}, {transform_indices = @transform_8, window_bounds = array<i64: 512, 128>}]} {
    %get3A = arith.constant 0 : index
    %get3A_0 = arith.constant 0 : index
    %get3A_1 = arith.constant 0 : index
    %get3A_2 = vector.load %arg1[%get3A, %get3A_0, %get3A_1] : memref<2x512x64xf32, #tpu.memory_space<vmem>>, vector<1x512x64xf32>
    %get3A_3 = vector.shape_cast %get3A_2 : vector<1x512x64xf32> to vector<512x64xf32>
    %get3A_4 = arith.constant 1 : index
    %get3A_5 = arith.constant 0 : index
    %get3A_6 = arith.constant 0 : index
    %get3A_7 = vector.load %arg1[%get3A_4, %get3A_5, %get3A_6] : memref<2x512x64xf32, #tpu.memory_space<vmem>>, vector<1x512x64xf32>
    %get3A_8 = vector.shape_cast %get3A_7 : vector<1x512x64xf32> to vector<512x64xf32>
    %add3A = arith.addf %get3A_3, %get3A_8 : vector<512x64xf32>
    %get3A_9 = arith.constant 0 : index
    %get3A_10 = arith.constant 0 : index
    %get3A_11 = vector.load %arg2[%get3A_9, %get3A_10] : memref<2x512xf32, #tpu.memory_space<vmem>>, vector<1x512xf32>
    %get3A_12 = vector.shape_cast %get3A_11 : vector<1x512xf32> to vector<512xf32>
    %get3A_13 = arith.constant 1 : index
    %get3A_14 = arith.constant 0 : index
    %get3A_15 = vector.load %arg2[%get3A_13, %get3A_14] : memref<2x512xf32, #tpu.memory_space<vmem>>, vector<1x512xf32>
    %get3A_16 = vector.shape_cast %get3A_15 : vector<1x512xf32> to vector<512xf32>
    %add3A_17 = arith.addf %get3A_12, %get3A_16 : vector<512xf32>
    %max3A = arith.constant 1.000000e+00 : f32
    %max3A_18 = vector.broadcast %max3A : f32 to vector<512xf32>
    %max3A_19 = arith.maximumf %add3A_17, %max3A_18 : vector<512xf32>
    %div3A = arith.constant 1.000000e+00 : f32
    %div3A_20 = vector.broadcast %div3A : f32 to vector<512xf32>
    %div3A_21 = arith.divf %div3A_20, %max3A_19 : vector<512xf32>
    %reshape3A = vector.shape_cast %div3A_21 : vector<512xf32> to vector<512x1xf32>
    %mul3A = vector.broadcast %reshape3A : vector<512x1xf32> to vector<512x64xf32>
    %mul3A_22 = arith.mulf %add3A, %mul3A : vector<512x64xf32>
    %concatenate3A = tpu.concatenate %mul3A_22, %add3A in 1 : vector<512x64xf32>, vector<512x64xf32> -> vector<512x128xf32>
    %get3A_23 = arith.constant 0 : index
    %get3A_24 = arith.constant 0 : index
    %get3A_25 = vector.load %arg3[%get3A_23, %get3A_24] : memref<128x64xf32, #tpu.memory_space<vmem>>, vector<128x64xf32>
    %dot_general3A = arith.constant dense<0.000000e+00> : vector<512x64xf32>
    %dot_general3A_26 = tpu.matmul %concatenate3A, %get3A_25, %dot_general3A {dimension_numbers = #tpu.dot_dimension_numbers<[1], [0], [0], [1], [0, 0, 1, 1], [], []>, transpose_lhs_hint = false} : vector<512x128xf32>, vector<128x64xf32>, vector<512x64xf32> -> vector<512x64xf32>
    %get3A_27 = arith.constant 0 : index
    %get3A_28 = arith.constant 0 : index
    %get3A_29 = vector.load %arg4[%get3A_27, %get3A_28] : memref<1x64xf32, #tpu.memory_space<vmem>>, vector<1x64xf32>
    %add3A_30 = vector.broadcast %get3A_29 : vector<1x64xf32> to vector<512x64xf32>
    %add3A_31 = arith.addf %dot_general3A_26, %add3A_30 : vector<512x64xf32>
    %max3A_32 = arith.constant 0.000000e+00 : f32
    %max3A_33 = vector.broadcast %max3A_32 : f32 to vector<512x64xf32>
    %max3A_34 = arith.maximumf %add3A_31, %max3A_33 : vector<512x64xf32>
    %get3A_35 = arith.constant 0 : index
    %get3A_36 = arith.constant 0 : index
    %get3A_37 = vector.load %arg5[%get3A_35, %get3A_36] : memref<64x128xf32, #tpu.memory_space<vmem>>, vector<64x128xf32>
    %dot_general3A_38 = arith.constant dense<0.000000e+00> : vector<512x128xf32>
    %dot_general3A_39 = tpu.matmul %max3A_34, %get3A_37, %dot_general3A_38 {dimension_numbers = #tpu.dot_dimension_numbers<[1], [0], [0], [1], [0, 0, 1, 1], [], []>, transpose_lhs_hint = false} : vector<512x64xf32>, vector<64x128xf32>, vector<512x128xf32> -> vector<512x128xf32>
    %get3A_40 = arith.constant 0 : index
    %get3A_41 = arith.constant 0 : index
    %get3A_42 = vector.load %arg6[%get3A_40, %get3A_41] : memref<1x128xf32, #tpu.memory_space<vmem>>, vector<1x128xf32>
    %add3A_43 = vector.broadcast %get3A_42 : vector<1x128xf32> to vector<512x128xf32>
    %add3A_44 = arith.addf %dot_general3A_39, %add3A_43 : vector<512x128xf32>
    %get3A_45 = arith.constant 0 : index
    %get3A_46 = arith.constant 0 : index
    %get3A_47 = vector.load %arg7[%get3A_45, %get3A_46] : memref<1x128xf32, #tpu.memory_space<vmem>>, vector<1x128xf32>
    %get3A_48 = arith.constant 0 : index
    %get3A_49 = arith.constant 0 : index
    %get3A_50 = vector.load %arg8[%get3A_48, %get3A_49] : memref<1x128xf32, #tpu.memory_space<vmem>>, vector<1x128xf32>
    %reduce_sum3A = arith.constant dense<0.000000e+00> : vector<512xf32>
    %reduce_sum3A_51 = vector.multi_reduction <add>, %add3A_44, %reduce_sum3A [1] : vector<512x128xf32> to vector<512xf32>
    %broadcast_in_dim3A = vector.shape_cast %reduce_sum3A_51 : vector<512xf32> to vector<512x1xf32>
    %div3A_52 = arith.constant 1.280000e+02 : f32
    %div3A_53 = vector.broadcast %div3A_52 : f32 to vector<512x1xf32>
    %div3A_54 = arith.divf %broadcast_in_dim3A, %div3A_53 : vector<512x1xf32>
    %sub3A = vector.broadcast %div3A_54 : vector<512x1xf32> to vector<512x128xf32>
    %sub3A_55 = arith.subf %add3A_44, %sub3A : vector<512x128xf32>
    %integer_pow3A = arith.mulf %sub3A_55, %sub3A_55 : vector<512x128xf32>
    %reduce_sum3A_56 = arith.constant dense<0.000000e+00> : vector<512xf32>
    %reduce_sum3A_57 = vector.multi_reduction <add>, %integer_pow3A, %reduce_sum3A_56 [1] : vector<512x128xf32> to vector<512xf32>
    %broadcast_in_dim3A_58 = vector.shape_cast %reduce_sum3A_57 : vector<512xf32> to vector<512x1xf32>
    %div3A_59 = arith.constant 1.280000e+02 : f32
    %div3A_60 = vector.broadcast %div3A_59 : f32 to vector<512x1xf32>
    %div3A_61 = arith.divf %broadcast_in_dim3A_58, %div3A_60 : vector<512x1xf32>
    %sub3A_62 = vector.broadcast %div3A_54 : vector<512x1xf32> to vector<512x128xf32>
    %sub3A_63 = arith.subf %add3A_44, %sub3A_62 : vector<512x128xf32>
    %add3A_64 = arith.constant 9.99999974E-6 : f32
    %add3A_65 = vector.broadcast %add3A_64 : f32 to vector<512x1xf32>
    %add3A_66 = arith.addf %div3A_61, %add3A_65 : vector<512x1xf32>
    %rsqrt3A = math.rsqrt %add3A_66 : vector<512x1xf32>
    %mul3A_67 = vector.broadcast %rsqrt3A : vector<512x1xf32> to vector<512x128xf32>
    %mul3A_68 = arith.mulf %sub3A_63, %mul3A_67 : vector<512x128xf32>
    %mul3A_69 = vector.broadcast %get3A_47 : vector<1x128xf32> to vector<512x128xf32>
    %mul3A_70 = arith.mulf %mul3A_68, %mul3A_69 : vector<512x128xf32>
    %add3A_71 = vector.broadcast %get3A_50 : vector<1x128xf32> to vector<512x128xf32>
    %add3A_72 = arith.addf %mul3A_70, %add3A_71 : vector<512x128xf32>
    %swap3A = arith.constant 0 : index
    %swap3A_73 = arith.constant 0 : index
    %swap3A_74 = vector.load %arg9[%swap3A, %swap3A_73] : memref<512x128xf32, #tpu.memory_space<vmem>>, vector<512x128xf32>
    tpu.vector_store %arg9[%swap3A, %swap3A_73], %add3A_72 {strides = array<i32>} : memref<512x128xf32, #tpu.memory_space<vmem>>, vector<512x128xf32>,
    return
  }
  func.func @transform_0(%arg0: i32) -> (i32, i32, i32) {
    %c0_i32 = arith.constant 0 : i32
    %c0_i32_0 = arith.constant 0 : i32
    %c0_i32_1 = arith.constant 0 : i32
    return %c0_i32, %arg0, %c0_i32_0 : i32, i32, i32
  }
  func.func @transform_1(%arg0: i32) -> (i32, i32) {
    %c0_i32 = arith.constant 0 : i32
    %c0_i32_0 = arith.constant 0 : i32
    return %c0_i32, %arg0 : i32, i32
  }
  func.func @transform_2(%arg0: i32) -> (i32, i32) {
    %c0_i32 = arith.constant 0 : i32
    %c0_i32_0 = arith.constant 0 : i32
    %c0_i32_1 = arith.constant 0 : i32
    return %c0_i32, %c0_i32_0 : i32, i32
  }
  func.func @transform_3(%arg0: i32) -> (i32, i32) {
    %c0_i32 = arith.constant 0 : i32
    %c0_i32_0 = arith.constant 0 : i32
    %c0_i32_1 = arith.constant 0 : i32
    return %c0_i32, %c0_i32_0 : i32, i32
  }
  func.func @transform_4(%arg0: i32) -> (i32, i32) {
    %c0_i32 = arith.constant 0 : i32
    %c0_i32_0 = arith.constant 0 : i32
    %c0_i32_1 = arith.constant 0 : i32
    return %c0_i32, %c0_i32_0 : i32, i32
  }
  func.func @transform_5(%arg0: i32) -> (i32, i32) {
    %c0_i32 = arith.constant 0 : i32
    %c0_i32_0 = arith.constant 0 : i32
    %c0_i32_1 = arith.constant 0 : i32
    return %c0_i32, %c0_i32_0 : i32, i32
  }
  func.func @transform_6(%arg0: i32) -> (i32, i32) {
    %c0_i32 = arith.constant 0 : i32
    %c0_i32_0 = arith.constant 0 : i32
    %c0_i32_1 = arith.constant 0 : i32
    return %c0_i32, %c0_i32_0 : i32, i32
  }
  func.func @transform_7(%arg0: i32) -> (i32, i32) {
    %c0_i32 = arith.constant 0 : i32
    %c0_i32_0 = arith.constant 0 : i32
    %c0_i32_1 = arith.constant 0 : i32
    return %c0_i32, %c0_i32_0 : i32, i32
  }
  func.func @transform_8(%arg0: i32) -> (i32, i32) {
    %c0_i32 = arith.constant 0 : i32
    %c0_i32_0 = arith.constant 0 : i32
    return %arg0, %c0_i32 : i32, i32
  }
}

</mosaic_0001>

<sc_bundles>
// kernel: kernel.11.cloned.1.call-start
scs
__scs_entry_jumppad:
0x0: {  	(pc) =	sbr.rel $0x88, $3  }
0x1: {  	(tag) =	ssettag $0x0;
	lr =	simm.s32 $0x1  }
0x2: {  	[smem:$0x3F90] =	sst lr;
	_ =	strace $0xD0000000  }
0x3: {  	_ = 	snop  }
0x4: {  	_ = 	snop  }
0x5: {  	_ = 	snop  }
0x6: {  	_ = 	snop  }
0x7: {  	_ = 	snop  }
__scs_overlays_trampoline_lowered:
0x8: {  	[smem:$0x3F9F] =	sst s0  }
0x9: {  	[smem:$0x3FA0] =	sst s1  }
0xa: {  	[smem:$0x3FA1] =	sst s2  }
0xb: {  	[smem:$0x3FA2] =	sst s3  }
0xc: {  	[smem:$0x3FA3] =	sst s4  }
0xd: {  	[smem:$0x3FA4] =	sst s5  }
0xe: {  	[smem:$0x3FA5] =	sst s6  }
0xf: {  	[smem:$0x3FA6] =	sst s7  }
0x10: {  	[smem:$0x3FA7] =	sst s8  }
0x11: {  	[smem:$0x3FA8] =	sst s9;
	s0 =	simm.s32 @!p0 $0x0  }
0x12: {  	s1 =	sld [smem:$0x3F8E];
	s0 =	simm.s32 @p0 $0x1  }
0x13: {  	[smem:$0x3FA9] =	sst s0;
	s0 =	simm.s32 @!p1 $0x0  }
0x14: {  	s2 =	sld [smem:$0x3F8D];
	s0 =	simm.s32 @p1 $0x1  }
0x15: {  	[smem:$0x3FAA] =	sst s0;
	s0 =	simm.s32 @!p2 $0x0  }
0x16: {  	s3 =	sld [smem:$0x3FDB];
	s0 =	simm.s32 @p2 $0x1  }
0x17: {  	s4 =	simm.s32 $0x1BF5;
	[smem:$0x3FAC] =	sst s0  }
0x18: {  	s0 =	sld [smem:$0x3F8F];
	_ =	swait.ge [sflag:s4], $0x0  }
0x19: {  	s7 =	sld [smem:$0x3F90]  }
0x1a: {  	s8 =	sadd.s32 $0xFFFFE003, lr  }
0x1b: {  	s9 =	sadd.s32 $0xFFFFFEF7, lr;
	s5 =	simm.s32 $0xFFFFFFFF;
	p2 =	slt.u32 s8, $0xFFFFF086  }
0x1c: {  	p1 =	slt.u32 s9, $0xF7A;
	s5 =	simm.s32 @!p2 $0x0  }
0x1d: {  	s5 =	simm.s32 @p1 $0x1;
	p0 =	seq.s32 s7, s2  }
0x1e: {  	s7 =	smul.u32 @!p0 $0xF7A, s2;
	p2 =	seq.s32 @!p0 s5, $0x0  }
0x1f: {  	s9 =	smul.u32 $0xF7A, s1;
	s8 =	simm.s32 @!p0 $0x1BF5;
	p2 =	por !p2, p0  }
0x20: {  	[sflag:s8] =	ssyncset.s32 @!p0 $0xFFFFF086;
	s6 =	sadd.s32 @!p0 s3, s7;
	s7 =	simm.s32 @!p0 $0x108  }
0x21: {  	s3 =	sadd.s32 s3, s9;
	s6 =	sadd.s32 @!p0 $0x88, s6;
	s7 =	simm.s32 @p2 $0x1082  }
0x22: {  	[simem:s7], [sflag:s8] =	dma.local @!p0 [hbm:s6], $0xF7A  }
0x23: {  	s9 =	sor.u32 $0xD0000000, s2;
	s6 =	simm.s32 $0x108;
	_ =	swait.ge @!p0 [sflag:s8], $0x0  }
0x24: {  	s3 =	sadd.s32 $0x88, s3;
	s6 =	simm.s32 @!p1 $0x1082;
	[sflag:s4] =	ssyncset.s32 $0xFFFFF086  }
0x25: {  	[simem:s6], [sflag:s4] =	dma.local [hbm:s3], $0xF7A  }
0x26: {  	[smem:$0x3F90] =	sst s1;
	(tag) =	ssettag s2;
	_ =	strace s9  }
0x27: {  	s1 =	sld [smem:$0x3FA0]  }
0x28: {  	s2 =	sld [smem:$0x3FA1]  }
0x29: {  	s4 =	sld [smem:$0x3FA3]  }
0x2a: {  	p0 =	seq.s32 s5, $0x0;
	s5 =	sld [smem:$0x3FA4]  }
0x2b: {  	s6 =	sld [smem:$0x3FA5]  }
0x2c: {  	s7 =	sld [smem:$0x3FA6]  }
0x2d: {  	s3 =	simm.s32 $0x108;
	s8 =	sld [smem:$0x3FA7]  }
0x2e: {  	s3 =	simm.s32 @!p0 $0x1082;
	s9 =	sld [smem:$0x3FA8]  }
0x2f: {  	lr =	sadd.s32 s0, s3;
	s0 =	sld [smem:$0x3F9F]  }
0x30: {  	s3 =	sld [smem:$0x3FA2]  }
0x31: {  	[smem:$0x3FAB] =	sst s10  }
0x32: {  	s10 =	sld [smem:$0x3FA9];
	_ =	sdelay $0x3  }
0x33: {  	p0 =	seq.s32 s10, $0x1;
	s10 =	sld [smem:$0x3FAB];
	_ =	sdelay $0x3  }
0x34: {  	[smem:$0x3FAB] =	sst s10  }
0x35: {  	s10 =	sld [smem:$0x3FAA];
	_ =	sdelay $0x3  }
0x36: {  	p1 =	seq.s32 s10, $0x1;
	s10 =	sld [smem:$0x3FAB];
	_ =	sdelay $0x3  }
0x37: {  	[smem:$0x3FAB] =	sst s10  }
0x38: {  	s10 =	sld [smem:$0x3FAC]  }
0x39: {  	_ = 	snop;
	(pc) =	sbr.ind lr, $3  }
0x3a: {  	_ = 	snop  }
0x3b: {  	_ = 	snop  }
0x3c: {  	p2 =	seq.s32 s10, $0x1;
	s10 =	sld [smem:$0x3FAB]  }
0x3d: {  	_ =	shalt  }
0x3e: {  	_ =	shalt  }
0x3f: {  	_ =	shalt  }
0x40: {  	_ =	shalt  }
0x41: {  	_ =	shalt  }
0x42: {  	_ =	shalt  }
0x43: {  	_ =	shalt  }
0x44: {  	_ =	shalt  }
0x45: {  	_ =	shalt  }
0x46: {  	_ =	shalt  }
0x47: {  	_ =	shalt  }
0x48: {  	_ =	shalt  }
0x49: {  	_ =	shalt  }
0x4a: {  	_ =	shalt  }
0x4b: {  	_ =	shalt  }
0x4c: {  	_ =	shalt  }
0x4d: {  	_ =	shalt  }
0x4e: {  	_ =	shalt  }
0x4f: {  	_ =	shalt  }
0x50: {  	_ =	shalt  }
0x51: {  	_ =	shalt  }
0x52: {  	_ =	shalt  }
0x53: {  	_ =	shalt  }
0x54: {  	_ =	shalt  }
0x55: {  	_ =	shalt  }
0x56: {  	_ =	shalt  }
0x57: {  	_ =	shalt  }
0x58: {  	_ =	shalt  }
0x59: {  	_ =	shalt  }
0x5a: {  	_ =	shalt  }
0x5b: {  	_ =	shalt  }
0x5c: {  	_ =	shalt  }
0x5d: {  	_ =	shalt  }
0x5e: {  	_ =	shalt  }
0x5f: {  	_ =	shalt  }
0x60: {  	_ =	shalt  }
0x61: {  	_ =	shalt  }
0x62: {  	_ =	shalt  }
0x63: {  	_ =	shalt  }
0x64: {  	_ =	shalt  }
0x65: {  	_ =	shalt  }
0x66: {  	_ =	shalt  }
0x67: {  	_ =	shalt  }
0x68: {  	_ =	shalt  }
0x69: {  	_ =	shalt  }
0x6a: {  	_ =	shalt  }
0x6b: {  	_ =	shalt  }
0x6c: {  	_ =	shalt  }
0x6d: {  	_ =	shalt  }
0x6e: {  	_ =	shalt  }
0x6f: {  	_ =	shalt  }
0x70: {  	_ =	shalt  }
0x71: {  	_ =	shalt  }
0x72: {  	_ =	shalt  }
0x73: {  	_ =	shalt  }
0x74: {  	_ =	shalt  }
0x75: {  	_ =	shalt  }
0x76: {  	_ =	shalt  }
0x77: {  	_ =	shalt  }
0x78: {  	_ =	shalt  }
0x79: {  	_ =	shalt  }
0x7a: {  	_ =	shalt  }
0x7b: {  	_ =	shalt  }
0x7c: {  	_ =	shalt  }
0x7d: {  	_ =	shalt  }
0x7e: {  	_ =	shalt  }
0x7f: {  	_ =	shalt  }
0x80: {  	_ =	shalt  }
0x81: {  	_ =	shalt  }
0x82: {  	_ =	shalt  }
0x83: {  	_ =	shalt  }
0x84: {  	_ =	shalt  }
0x85: {  	_ =	shalt  }
0x86: {  	_ =	shalt  }
0x87: {  	_ =	shalt  }
.Lfunc_end0:
.L_simem_size_0:
called_computation_lowered:
.L_overlay_start_0:
0x88: {  	s2 =	sld [smem:$0x3FD9]  }
0x89: {  	s3 =	sld [smem:$0x3FFE];
	_ =	sdelay $0x1  }
0x8a: {  	s1 =	srdreg.scid  }
0x8b: {  	s0 =	sand.u32 $0x1, s1  }
0x8c: {  	s17 =	sshll.u32 s0, $0xA;
	s2 =	sadd.s32 s3, s2  }
0x8d: {  	s2 =	sadd.s32 s2, s17  }
0x8e: {  	[smem:$0x3FB7] =	sst s2  }
0x8f: {  	_ = 	snop  }
0x90: {  	s2 =	sld [smem:$0x3FD0];
	(tm) =	ssettm $0x1  }
0x91: {  	s18 =	sld [smem:$0x3FFB];
	_ =	sdelay $0x3  }
0x92: {  	_ =	strace s18  }
0x93: {  	s3 =	sld [smem:$0x3FFC];
	_ =	sdelay $0x3  }
0x94: {  	_ =	strace s3  }
0x95: {  	s3 =	sld [smem:$0x3FFD];
	_ =	sdelay $0x3  }
0x96: {  	_ =	strace s3  }
0x97: {  	_ =	strace $0x8FFFFFFF  }
0x98: {  	s19 =	sld [smem:$0x3FDB];
	_ =	sdelay $0x1  }
0x99: {  	s4 =	simm.s32 $_scs_section_size  }
0x9a: {  	s5 =	simm.s32 $_size__tile_overlayer_lowered;
	s6 =	simm.s32 $_tile_overlayer_lowered  }
0x9b: {  	s22 =	simm.s32 $0x1BFF;
	s21 =	sshll.u32 s6, $0x1;
	s3 =	sadd.s32 s4, s19  }
0x9c: {  	s7 =	simm.s32 $0x0;
	s20 =	sshll.u32 s5, $0x1;
	s5 =	sadd.s32 s21, s3  }
0x9d: {  	[timem:s7], [sflag:s22] =	dma.local [hbm:s5], s20  }
0x9e: {  	_ =	swait.ge [sflag:s22], s20  }
0x9f: {  	s4 =	ssub.s32 $0x0, s20;
	[sflag:s22] =	ssyncset.done $0x0  }
0xa0: {  	[sflag:s22] =	ssyncadd.s32 s4;
	_ =	sdelay $0x1  }
0xa1: {  	s23 =	simm.s32 $0x1B8B  }
0xa2: {  	_ =	swait.ge [sflag:s23], $0x1  }
0xa3: {  	[sflag:s23] =	ssyncset.done $0x0  }
0xa4: {  	s25 =	simm.s32 $0x1B8E;
	s24 =	sld [smem:$0x3FFE];
	[sflag:s23] =	ssyncadd.s32 $0xFFFFFFFF  }
0xa5: {  	s26 =	simm.s32 $execute0_lowered;
	[smem:$0x3FD2] =	sst s25  }
0xa6: {  	s5 =	sshll.u32 s26, $0x1;
	_ =	strace $0x80000046;
	[dreg:$0x1] =	wrdreg $0xFFFFFFFF  }
0xa7: {  	s28 =	simm.s32 $_size_execute0_lowered;
	s3 =	sadd.s32 s3, s5;
	[dreg:$0x0] =	wrdreg $0x0  }
0xa8: {  	s5 =	sshll.u32 s28, $0x1;
	[dreg:$0x2] =	wrdreg s3  }
0xa9: {  	[dreg:$0x3] =	wrdreg s5  }
0xaa: {  	[dreg:$0x4] =	wrdreg $0xC0  }
0xab: {  	_ =	task [dreg:s7], $0x5FFFF  }
0xac: {  	[dreg:$0x1] =	wrdreg $0xFFFFFFFF  }
0xad: {  	[dreg:$0x0] =	wrdreg $0x60  }
0xae: {  	[dreg:$0x2] =	wrdreg s24  }
0xaf: {  	[dreg:$0x3] =	wrdreg s2  }
0xb0: {  	[dreg:$0x4] =	wrdreg $0xFA00  }
0xb1: {  	[dreg:$0x5] =	wrdreg $0x9  }
0xb2: {  	_ =	task.clear_ibuf [dreg:s7], $0x6FFFF;
	_ =	strace $0x90000046  }
0xb3: {  	s29 =	simm.s32 $0x9;
	_ =	strace $0x80000048  }
0xb4: {  	_ =	swait.ge [sflag:s29], $0x1  }
0xb5: {  	[sflag:s29] =	ssyncadd.s32 $0xFFFFFFFF  }
0xb6: {  	_ =	strace $0x90000048  }
0xb7: {  	_ =	sfence  }
0xb8: {  	s30 =	sld [smem:$0x0];
	_ =	sdelay $0x2  }
0xb9: {  	s31 =	sshll.u32 s1, $0xD;
	s1 =	sshrl.u32 s1, $0x2  }
0xba: {  	s3 =	sand.u32 $0x4000, s31;
	s1 =	sadd.s32 s1, s30  }
0xbb: {  	s0 =	sor.u32 s3, s0;
	s1 =	sshll.u32 s1, $0x11  }
0xbc: {  	s0 =	sor.u32 s1, s0  }
0xbd: {  	s0 =	sadd.s32 $0x8F2B, s0  }
0xbe: {  	[sflag:s0] =	ssyncadd.remote.s32 $0x1  }
0xbf: {  	_ =	sfence.sel $0xFFFF  }
0xc0: {  	[dreg:$0x0] =	wrdreg $0xFFFFFFFF;
	(pc) =	sbr.abs _section_cstart, $3  }
0xc1: {  	[dreg:$0x1] =	wrdreg $0xFFFFFFFF  }
0xc2: {  	_ =	task.clear_ibuf [dreg:s7], $0x2FFFF;
	_ =	strace $0x9FFFFFFF  }
0xc3: {  	(tm) =	ssettm $0x7FFFFFFF  }
tec
execute0_lowered:
.L_overlay_start_1:
0x0: {  	(tag) =	ssettag $0x1  }
0x1: {  	s4 =	rddreg [dreg:$0x0]  }
0x2: {  	s0 =	srdreg.scid;
	s7 =	rddreg [dreg:$0x1]  }
0x3: {  	s2 =	rddreg [dreg:$0x2];
	s5 =	sand.u32 $0x1, s0  }
0x4: {  	s0 =	stileid.u32;
	s6 =	smul.u32 $0xC3500, s5  }
0x5: {  	s1 =	rddreg [dreg:$0x3];
	s8 =	smul.u32 $0xC350, s0  }
0x6: {  	s3 =	simm.s32 $0x0;
	s13 =	simm.s32 $0x0;
	s26 =	smul.u32 $0x1880, s0  }
0x7: {  	[smem:$0x7FF] =	sst s3;
	s10 =	ssub.s32 $0x2, s5;
	s5 =	smul.u32 $0x18800, s5  }
0x8: {  	_ =	strace $0x80000047;
	s31 =	sshll.u32 s0, $0x6;
	s29 =	sshrl.u32 s10, $0x1  }
0x9: {  	s6 =	sadd.s32 s8, s6;
	s9 =	sshrl.u32 s26, $0x3;
	s5 =	sadd.s32 s26, s5  }
0xa: {  	s30 =	sadd.s32 s26, s2;
	s6 =	sshrl.u32 s6, $0x3;
	s28 =	sadd.s32 s9, s4  }
0xb: {  	s9 =	ssub.s32 s10, s29;
	s12 =	sshrl.u32 s5, $0x3;
	s10 =	sshrl.u32 s30, $0x3  }
0xc: {  	s11 =	sadd.s32 s6, s4;
	s4 =	sadd.s32 $0x36800, s4;
	s5 =	sadd.s32 $0x36A00, s28  }
0xd: {  	s6 =	sor.u32 $0x1C01, s31;
	s7 =	sadd.s32 s7, s12;
	s8 =	smax.u32 s9, $0x1  }
0xe: {  	s12 =	simm.s32 $0x7D0;
	s9 =	sadd.s32 $0x5A00, s11;
	s11 =	simm.s32 $0x1  }
.LBB2_1:
0xf: {  	[spmem:s10], [sflag:s6] =	dma.local [hbm:s5], $0x310  }
0x10: {  	_ =	swait.ge [sflag:s11], $0x310  }
0x11: {  	[sflag:s11] =	ssyncset.done $0x0  }
0x12: {  	[sflag:s11] =	ssyncadd.s32 $0xFFFFFCF0  }
0x13: {  	[tilespmem:s12], [sflag:$0x1] =	stream.linear.gather [hbm4b:s4+s3], $0x7D0, $0x38;
	[tilespmem:$0x2820] =	vst v63  }
0x14: {  	_ =	swait.ge [sflag:s11], $0x7D0  }
0x15: {  	[sflag:s11] =	ssyncset.done $0x0  }
0x16: {  	[sflag:s11] =	ssyncadd.s32 $0xFFFFF830  }
0x17: {  	s14 =	sadd.s32 $0x0, s9;
	[bflag:$0x0] =	sbarrier.arrive $0xFFFF  }
0x18: {  	[tilespmem:s3], [sflag:$0x1] =	stream.linear.gather [hbm4b:s14+s3], $0x7D0, $0x38;
	[tilespmem:$0x2820] =	vst v63  }
0x19: {  	_ =	swait.ge [sflag:s11], $0x7D0  }
0x1a: {  	[sflag:s11] =	ssyncset.done $0x0  }
0x1b: {  	[sflag:s11] =	ssyncadd.s32 $0xFFFFF830  }
0x1c: {  	[spmem:s2] =	stream.indirect.scatter.add.f32 [tilespmem:s12], [sflag:$0x1], $0x1, s3, s12, $0xb8;
	[tilespmem:$0x2820] =	vst v63  }
0x1d: {  	_ =	swait.ge [sflag:s11], $0x7D0  }
0x1e: {  	s15 =	simm.s32 $0x1F4;
	s14 =	simm.s32 $0xFA;
	[sflag:s11] =	ssyncset.done $0x0  }
.LBB2_2:
0x1f: {  	s16 =	sadd.s32 s14, s9  }
0x20: {  	[sflag:s11] =	ssyncadd.s32 $0xFFFFF830;
	s14 =	smov.u32 s15;
	s17 =	sadd.s32 $0xFA, s15  }
0x21: {  	[tilespmem:s3], [sflag:$0x1] =	stream.linear.gather [hbm4b:s16+s3], $0x7D0, $0x38;
	[tilespmem:$0x2820] =	vst v63  }
0x22: {  	p0 =	sne.s32 s15, $0x1770;
	_ =	swait.ge [sflag:s11], $0x7D0  }
.Ltmp0:
0x23: {  	[sflag:s11] =	ssyncset.done $0x0;
	(pc) =	sbr.rel @p0 .LBB2_2-.Ltmp0, $4  }
0x24: {  	[sflag:s11] =	ssyncadd.s32 $0xFFFFF830  }
0x25: {  	[spmem:s2] =	stream.indirect.scatter.add.f32 [tilespmem:s12], [sflag:$0x1], $0x1, s3, s12, $0xb8;
	[tilespmem:$0x2820] =	vst v63  }
0x26: {  	_ =	swait.ge [sflag:s11], $0x7D0  }
0x27: {  	s15 =	smov.u32 s17;
	[sflag:s11] =	ssyncset.done $0x0  }
0x28: {  	s14 =	sadd.s32 s14, s9;
	[sflag:s11] =	ssyncadd.s32 $0xFFFFF830  }
0x29: {  	[tilespmem:s3], [sflag:$0x1] =	stream.linear.gather [hbm4b:s14+s3], $0x7D0, $0x38;
	[tilespmem:$0x2820] =	vst v63  }
0x2a: {  	_ =	swait.ge [sflag:s11], $0x7D0  }
0x2b: {  	[sflag:s11] =	ssyncset.done $0x0  }
0x2c: {  	[sflag:s11] =	ssyncadd.s32 $0xFFFFF830  }
0x2d: {  	[spmem:s2] =	stream.indirect.scatter.add.f32 [tilespmem:s12], [sflag:$0x1], $0x1, s3, s12, $0xb8;
	[tilespmem:$0x2820] =	vst v63  }
0x2e: {  	_ =	swait.ge [sflag:s11], $0x7D0  }
0x2f: {  	s13 =	sadd.s32 $0x1, s13;
	[sflag:s11] =	ssyncset.done $0x0  }
0x30: {  	p0 =	sne.s32 s13, s8;
	[sflag:s11] =	ssyncadd.s32 $0xFFFFF830  }
.Ltmp1:
0x31: {  	[bflag:$0x0] =	sbarrier.arrive $0xFFFF;
	(pc) =	sbr.rel @p0 .LBB2_1-.Ltmp1, $4  }
0x32: {  	[hbm:s7], [sflag:s6] =	dma.local [spmem:s10], $0x310  }
0x33: {  	_ =	swait.ge [sflag:s11], $0x310  }
0x34: {  	[sflag:s11] =	ssyncset.done $0x0  }
0x35: {  	[sflag:s11] =	ssyncadd.s32 $0xFFFFFCF0  }
0x36: {  	_ =	sfence.sel $0x180000  }
0x37: {  	[bflag:$0x0] =	sbarrier.arrive $0xFFFF  }
0x38: {  	p0 =	sne.s32 s0, $0x0;
	_ =	strace $0x90000047  }
0x39: {  	s0 =	sadd.s32 @!p0 $0x100000, s1;
	[bflag:$0x2] =	sbarrier.arrive $0xFFFF  }
0x3a: {  	[sflag:s0] =	ssyncadd.tile.s32 @!p0 $0x1;
	_ =	shalt  }
.Lfunc_end2:
_tile_overlayer_lowered:
.L_overlay_start_2:
0x3b: {  	(tag) =	ssettag $0x2  }
0x3c: {  	s0 =	rddreg [dreg:$0x0];
	s2 =	stileid.u32  }
0x3d: {  	s1 =	rddreg [dreg:$0x1];
	p0 =	sne.s32 s2, $0x0  }
0x3e: {  	s3 =	rddreg [dreg:$0x2];
	[bflag:$0x3] =	sbarrier.arrive $0xFFFF;
	s2 =	simm.s32 @!p0 $0x1C01  }
0x3f: {  	[timem:s3], [sflag:s2] =	dma.local @!p0 [hbm:s0], s1  }
0x40: {  	s0 =	simm.s32 @!p0 $0x1  }
0x41: {  	_ =	swait.ge @!p0 [sflag:s0], s1  }
0x42: {  	s1 =	ssub.s32 @!p0 $0x0, s1;
	[sflag:s0] =	ssyncset.done @!p0 $0x0  }
0x43: {  	[sflag:s0] =	ssyncadd.s32 @!p0 s1  }
0x44: {  	[bflag:$0x3] =	sbarrier.arrive $0xFFFF  }
0x45: {  	_ =	shalt  }

// kernel: kernel.14.cloned.1.call-start
scs
__scs_entry_jumppad:
0x0: {  	(pc) =	sbr.rel $0x88, $3  }
0x1: {  	(tag) =	ssettag $0x0;
	lr =	simm.s32 $0x1  }
0x2: {  	[smem:$0x3F90] =	sst lr;
	_ =	strace $0xD0000000  }
0x3: {  	_ = 	snop  }
0x4: {  	_ = 	snop  }
0x5: {  	_ = 	snop  }
0x6: {  	_ = 	snop  }
0x7: {  	_ = 	snop  }
__scs_overlays_trampoline_lowered:
0x8: {  	[smem:$0x3F9F] =	sst s0  }
0x9: {  	[smem:$0x3FA0] =	sst s1  }
0xa: {  	[smem:$0x3FA1] =	sst s2  }
0xb: {  	[smem:$0x3FA2] =	sst s3  }
0xc: {  	[smem:$0x3FA3] =	sst s4  }
0xd: {  	[smem:$0x3FA4] =	sst s5  }
0xe: {  	[smem:$0x3FA5] =	sst s6  }
0xf: {  	[smem:$0x3FA6] =	sst s7  }
0x10: {  	[smem:$0x3FA7] =	sst s8  }
0x11: {  	[smem:$0x3FA8] =	sst s9;
	s0 =	simm.s32 @!p0 $0x0  }
0x12: {  	s1 =	sld [smem:$0x3F8E];
	s0 =	simm.s32 @p0 $0x1  }
0x13: {  	[smem:$0x3FA9] =	sst s0;
	s0 =	simm.s32 @!p1 $0x0  }
0x14: {  	s2 =	sld [smem:$0x3F8D];
	s0 =	simm.s32 @p1 $0x1  }
0x15: {  	[smem:$0x3FAA] =	sst s0;
	s0 =	simm.s32 @!p2 $0x0  }
0x16: {  	s3 =	sld [smem:$0x3FDB];
	s0 =	simm.s32 @p2 $0x1  }
0x17: {  	s4 =	simm.s32 $0x1BF5;
	[smem:$0x3FAC] =	sst s0  }
0x18: {  	s0 =	sld [smem:$0x3F8F];
	_ =	swait.ge [sflag:s4], $0x0  }
0x19: {  	s7 =	sld [smem:$0x3F90]  }
0x1a: {  	s8 =	sadd.s32 $0xFFFFE003, lr  }
0x1b: {  	s9 =	sadd.s32 $0xFFFFFEF7, lr;
	s5 =	simm.s32 $0xFFFFFFFF;
	p2 =	slt.u32 s8, $0xFFFFF086  }
0x1c: {  	p1 =	slt.u32 s9, $0xF7A;
	s5 =	simm.s32 @!p2 $0x0  }
0x1d: {  	s5 =	simm.s32 @p1 $0x1;
	p0 =	seq.s32 s7, s2  }
0x1e: {  	s7 =	smul.u32 @!p0 $0xF7A, s2;
	p2 =	seq.s32 @!p0 s5, $0x0  }
0x1f: {  	s9 =	smul.u32 $0xF7A, s1;
	s8 =	simm.s32 @!p0 $0x1BF5;
	p2 =	por !p2, p0  }
0x20: {  	[sflag:s8] =	ssyncset.s32 @!p0 $0xFFFFF086;
	s6 =	sadd.s32 @!p0 s3, s7;
	s7 =	simm.s32 @!p0 $0x108  }
0x21: {  	s3 =	sadd.s32 s3, s9;
	s6 =	sadd.s32 @!p0 $0x88, s6;
	s7 =	simm.s32 @p2 $0x1082  }
0x22: {  	[simem:s7], [sflag:s8] =	dma.local @!p0 [hbm:s6], $0xF7A  }
0x23: {  	s9 =	sor.u32 $0xD0000000, s2;
	s6 =	simm.s32 $0x108;
	_ =	swait.ge @!p0 [sflag:s8], $0x0  }
0x24: {  	s3 =	sadd.s32 $0x88, s3;
	s6 =	simm.s32 @!p1 $0x1082;
	[sflag:s4] =	ssyncset.s32 $0xFFFFF086  }
0x25: {  	[simem:s6], [sflag:s4] =	dma.local [hbm:s3], $0xF7A  }
0x26: {  	[smem:$0x3F90] =	sst s1;
	(tag) =	ssettag s2;
	_ =	strace s9  }
0x27: {  	s1 =	sld [smem:$0x3FA0]  }
0x28: {  	s2 =	sld [smem:$0x3FA1]  }
0x29: {  	s4 =	sld [smem:$0x3FA3]  }
0x2a: {  	p0 =	seq.s32 s5, $0x0;
	s5 =	sld [smem:$0x3FA4]  }
0x2b: {  	s6 =	sld [smem:$0x3FA5]  }
0x2c: {  	s7 =	sld [smem:$0x3FA6]  }
0x2d: {  	s3 =	simm.s32 $0x108;
	s8 =	sld [smem:$0x3FA7]  }
0x2e: {  	s3 =	simm.s32 @!p0 $0x1082;
	s9 =	sld [smem:$0x3FA8]  }
0x2f: {  	lr =	sadd.s32 s0, s3;
	s0 =	sld [smem:$0x3F9F]  }
0x30: {  	s3 =	sld [smem:$0x3FA2]  }
0x31: {  	[smem:$0x3FAB] =	sst s10  }
0x32: {  	s10 =	sld [smem:$0x3FA9];
	_ =	sdelay $0x3  }
0x33: {  	p0 =	seq.s32 s10, $0x1;
	s10 =	sld [smem:$0x3FAB];
	_ =	sdelay $0x3  }
0x34: {  	[smem:$0x3FAB] =	sst s10  }
0x35: {  	s10 =	sld [smem:$0x3FAA];
	_ =	sdelay $0x3  }
0x36: {  	p1 =	seq.s32 s10, $0x1;
	s10 =	sld [smem:$0x3FAB];
	_ =	sdelay $0x3  }
0x37: {  	[smem:$0x3FAB] =	sst s10  }
0x38: {  	s10 =	sld [smem:$0x3FAC]  }
0x39: {  	_ = 	snop;
	(pc) =	sbr.ind lr, $3  }
0x3a: {  	_ = 	snop  }
0x3b: {  	_ = 	snop  }
0x3c: {  	p2 =	seq.s32 s10, $0x1;
	s10 =	sld [smem:$0x3FAB]  }
0x3d: {  	_ =	shalt  }
0x3e: {  	_ =	shalt  }
0x3f: {  	_ =	shalt  }
0x40: {  	_ =	shalt  }
0x41: {  	_ =	shalt  }
0x42: {  	_ =	shalt  }
0x43: {  	_ =	shalt  }
0x44: {  	_ =	shalt  }
0x45: {  	_ =	shalt  }
0x46: {  	_ =	shalt  }
0x47: {  	_ =	shalt  }
0x48: {  	_ =	shalt  }
0x49: {  	_ =	shalt  }
0x4a: {  	_ =	shalt  }
0x4b: {  	_ =	shalt  }
0x4c: {  	_ =	shalt  }
0x4d: {  	_ =	shalt  }
0x4e: {  	_ =	shalt  }
0x4f: {  	_ =	shalt  }
0x50: {  	_ =	shalt  }
0x51: {  	_ =	shalt  }
0x52: {  	_ =	shalt  }
0x53: {  	_ =	shalt  }
0x54: {  	_ =	shalt  }
0x55: {  	_ =	shalt  }
0x56: {  	_ =	shalt  }
0x57: {  	_ =	shalt  }
0x58: {  	_ =	shalt  }
0x59: {  	_ =	shalt  }
0x5a: {  	_ =	shalt  }
0x5b: {  	_ =	shalt  }
0x5c: {  	_ =	shalt  }
0x5d: {  	_ =	shalt  }
0x5e: {  	_ =	shalt  }
0x5f: {  	_ =	shalt  }
0x60: {  	_ =	shalt  }
0x61: {  	_ =	shalt  }
0x62: {  	_ =	shalt  }
0x63: {  	_ =	shalt  }
0x64: {  	_ =	shalt  }
0x65: {  	_ =	shalt  }
0x66: {  	_ =	shalt  }
0x67: {  	_ =	shalt  }
0x68: {  	_ =	shalt  }
0x69: {  	_ =	shalt  }
0x6a: {  	_ =	shalt  }
0x6b: {  	_ =	shalt  }
0x6c: {  	_ =	shalt  }
0x6d: {  	_ =	shalt  }
0x6e: {  	_ =	shalt  }
0x6f: {  	_ =	shalt  }
0x70: {  	_ =	shalt  }
0x71: {  	_ =	shalt  }
0x72: {  	_ =	shalt  }
0x73: {  	_ =	shalt  }
0x74: {  	_ =	shalt  }
0x75: {  	_ =	shalt  }
0x76: {  	_ =	shalt  }
0x77: {  	_ =	shalt  }
0x78: {  	_ =	shalt  }
0x79: {  	_ =	shalt  }
0x7a: {  	_ =	shalt  }
0x7b: {  	_ =	shalt  }
0x7c: {  	_ =	shalt  }
0x7d: {  	_ =	shalt  }
0x7e: {  	_ =	shalt  }
0x7f: {  	_ =	shalt  }
0x80: {  	_ =	shalt  }
0x81: {  	_ =	shalt  }
0x82: {  	_ =	shalt  }
0x83: {  	_ =	shalt  }
0x84: {  	_ =	shalt  }
0x85: {  	_ =	shalt  }
0x86: {  	_ =	shalt  }
0x87: {  	_ =	shalt  }
.Lfunc_end0:
.L_simem_size_0:
called_computation.1_lowered:
.L_overlay_start_0:
0x88: {  	s2 =	sld [smem:$0x3FD9]  }
0x89: {  	s3 =	sld [smem:$0x3FFE];
	_ =	sdelay $0x1  }
0x8a: {  	s1 =	srdreg.scid  }
0x8b: {  	s0 =	sand.u32 $0x1, s1  }
0x8c: {  	s16 =	sshll.u32 s0, $0xA;
	s2 =	sadd.s32 s3, s2  }
0x8d: {  	s2 =	sadd.s32 s2, s16  }
0x8e: {  	[smem:$0x3FB7] =	sst s2  }
0x8f: {  	_ = 	snop  }
0x90: {  	(tm) =	ssettm $0x1  }
0x91: {  	s17 =	sld [smem:$0x3FFB];
	_ =	sdelay $0x3  }
0x92: {  	_ =	strace s17  }
0x93: {  	s2 =	sld [smem:$0x3FFC];
	_ =	sdelay $0x3  }
0x94: {  	_ =	strace s2  }
0x95: {  	s2 =	sld [smem:$0x3FFD];
	_ =	sdelay $0x3  }
0x96: {  	_ =	strace s2  }
0x97: {  	_ =	strace $0x8FFFFFFF  }
0x98: {  	s18 =	sld [smem:$0x3FDB];
	_ =	sdelay $0x1  }
0x99: {  	s19 =	simm.s32 $_scs_section_size  }
0x9a: {  	s4 =	simm.s32 $_size__tile_overlayer_lowered;
	s5 =	simm.s32 $_tile_overlayer_lowered  }
0x9b: {  	s22 =	simm.s32 $0x1BFF;
	s21 =	sshll.u32 s5, $0x1;
	s2 =	sadd.s32 s19, s18  }
0x9c: {  	s6 =	simm.s32 $0x0;
	s20 =	sshll.u32 s4, $0x1;
	s4 =	sadd.s32 s21, s2  }
0x9d: {  	[timem:s6], [sflag:s22] =	dma.local [hbm:s4], s20  }
0x9e: {  	_ =	swait.ge [sflag:s22], s20  }
0x9f: {  	s3 =	ssub.s32 $0x0, s20;
	[sflag:s22] =	ssyncset.done $0x0  }
0xa0: {  	[sflag:s22] =	ssyncadd.s32 s3;
	_ =	sdelay $0x1  }
0xa1: {  	s23 =	simm.s32 $0x1B8B  }
0xa2: {  	_ =	swait.ge [sflag:s23], $0x1  }
0xa3: {  	[sflag:s23] =	ssyncset.done $0x0  }
0xa4: {  	s25 =	simm.s32 $0x1B8E;
	s24 =	sld [smem:$0x3FFE];
	[sflag:s23] =	ssyncadd.s32 $0xFFFFFFFF  }
0xa5: {  	s26 =	simm.s32 $execute0_lowered;
	[smem:$0x3FD2] =	sst s25  }
0xa6: {  	s4 =	sshll.u32 s26, $0x1;
	_ =	strace $0x80000049;
	[dreg:$0x1] =	wrdreg $0xFFFFFFFF  }
0xa7: {  	s28 =	simm.s32 $_size_execute0_lowered;
	s2 =	sadd.s32 s2, s4;
	[dreg:$0x0] =	wrdreg $0x0  }
0xa8: {  	s4 =	sshll.u32 s28, $0x1;
	[dreg:$0x2] =	wrdreg s2  }
0xa9: {  	[dreg:$0x3] =	wrdreg s4  }
0xaa: {  	[dreg:$0x4] =	wrdreg $0xC0  }
0xab: {  	_ =	task [dreg:s6], $0x5FFFF  }
0xac: {  	[dreg:$0x1] =	wrdreg $0xFFFFFFFF  }
0xad: {  	[dreg:$0x0] =	wrdreg $0x60  }
0xae: {  	[dreg:$0x2] =	wrdreg s24  }
0xaf: {  	[dreg:$0x3] =	wrdreg $0x70800  }
0xb0: {  	[dreg:$0x4] =	wrdreg $0x9  }
0xb1: {  	_ =	task.clear_ibuf [dreg:s6], $0x5FFFF;
	_ =	strace $0x90000049  }
0xb2: {  	s29 =	simm.s32 $0x9;
	_ =	strace $0x8000004B  }
0xb3: {  	_ =	swait.ge [sflag:s29], $0x1  }
0xb4: {  	[sflag:s29] =	ssyncadd.s32 $0xFFFFFFFF  }
0xb5: {  	_ =	strace $0x9000004B  }
0xb6: {  	_ =	sfence  }
0xb7: {  	s30 =	sld [smem:$0x0];
	_ =	sdelay $0x2  }
0xb8: {  	s31 =	sshll.u32 s1, $0xD;
	s1 =	sshrl.u32 s1, $0x2  }
0xb9: {  	s3 =	sand.u32 $0x4000, s31;
	s1 =	sadd.s32 s1, s30  }
0xba: {  	s0 =	sor.u32 s3, s0;
	s1 =	sshll.u32 s1, $0x11  }
0xbb: {  	s0 =	sor.u32 s1, s0  }
0xbc: {  	s0 =	sadd.s32 $0x8F2B, s0  }
0xbd: {  	[sflag:s0] =	ssyncadd.remote.s32 $0x1  }
0xbe: {  	_ =	sfence.sel $0xFFFF  }
0xbf: {  	[dreg:$0x0] =	wrdreg $0xFFFFFFFF;
	(pc) =	sbr.abs _section_cstart, $3  }
0xc0: {  	[dreg:$0x1] =	wrdreg $0xFFFFFFFF  }
0xc1: {  	_ =	task.clear_ibuf [dreg:s6], $0x2FFFF;
	_ =	strace $0x9FFFFFFF  }
0xc2: {  	(tm) =	ssettm $0x7FFFFFFF  }
0xc3: {  	_ =	shalt  }
tec
execute0_lowered:
.L_overlay_start_1:
0x0: {  	(tag) =	ssettag $0x1  }
0x1: {  	s0 =	rddreg [dreg:$0x0]  }
0x2: {  	s2 =	rddreg [dreg:$0x1]  }
0x3: {  	s1 =	srdreg.scid;
	s11 =	stileid.u32;
	s3 =	simm.s32 $0x0  }
0x4: {  	s17 =	simm.s32 $0x9;
	s18 =	simm.s32 $0x3E80;
	s19 =	simm.s32 $0x960  }
0x5: {  	s28 =	simm.s32 $0x4;
	s29 =	simm.s32 $0x2;
	s30 =	simm.s32 $0x6  }
0x6: {  	s31 =	simm.s32 $0x7;
	s1 =	sand.u32 $0x1, s1;
	s5 =	smul.u32 $0x18800, s11  }
0x7: {  	[smem:$0x7FF] =	sst s3;
	s4 =	sadd.s32 $0x283E00, s0;
	s9 =	smul.u32 $0x186A0, s11  }
0x8: {  	s13 =	sadd.s32 $0x5A00, s0;
	s10 =	sadd.s32 $0x98A00, s0;
	s14 =	smul.u32 $0x30D4, s11  }
0x9: {  	s22 =	sshll.u32 s11, $0x6;
	s6 =	smul.u32 $0x188000, s1;
	_ =	strace $0x8000004A  }
0xa: {  	s8 =	ssub.s32 $0x2, s1;
	s1 =	smul.u32 $0x186A00, s1;
	[dreg:$0x3] =	wrdreg s10  }
0xb: {  	s20 =	sshrl.u32 s8, $0x1;
	s21 =	sshrl.u32 s5, $0x3;
	s23 =	sshrl.u32 s9, $0x3  }
0xc: {  	s7 =	sadd.s32 s5, s6;
	s6 =	sadd.s32 $0x36A00, s0;
	s12 =	ssub.s32 s8, s20  }
0xd: {  	s5 =	sadd.s32 s5, s2;
	s8 =	sor.u32 $0x1C09, s22;
	s1 =	sadd.s32 s9, s1  }
0xe: {  	s9 =	sadd.s32 s13, s23;
	s13 =	sadd.s32 s14, s13;
	s20 =	simm.s32 $0x320  }
0xf: {  	s22 =	simm.s32 $0x3;
	s23 =	simm.s32 $0x1;
	s7 =	sshrl.u32 s7, $0x3  }
0x10: {  	s24 =	sshrl.u32 s1, $0x3;
	s26 =	sadd.s32 $0x320, s1;
	s12 =	smax.u32 s12, $0x1  }
0x11: {  	s14 =	sadd.s32 $0x640, s1;
	s0 =	sadd.s32 s7, s0;
	s7 =	sadd.s32 s10, s21  }
0x12: {  	s16 =	sshrl.u32 s5, $0x3;
	s25 =	sadd.s32 s4, s24;
	[dreg:$0x4] =	wrdreg s7  }
0x13: {  	s21 =	simm.s32 $0x640;
	s24 =	simm.s32 $0xC80;
	[dreg:$0x5] =	wrdreg s25  }
0x14: {  	s11 =	sadd.s32 $0xC9A00, s0;
	s0 =	sshrl.u32 s26, $0x3;
	s25 =	simm.s32 $0x5  }
0x15: {  	s26 =	simm.s32 $0x8;
	s15 =	sadd.s32 s0, s4;
	s0 =	simm.s32 $0x0  }
.LBB2_1:
0x16: {  	s1 =	rddreg [dreg:$0x4]  }
0x17: {  	[spmem:s16], [sflag:s8] =	dma.local [hbm:s1], $0x3100  }
0x18: {  	_ =	swait.ge [sflag:s17], $0x3100  }
0x19: {  	[sflag:s17] =	ssyncset.done $0x0  }
0x1a: {  	[sflag:s17] =	ssyncadd.s32 $0xFFFFCF00  }
0x1b: {  	[bflag:$0x0] =	sbarrier.arrive $0xFFFF  }
0x1c: {  	s7 =	rddreg [dreg:$0x3]  }
0x1d: {  	[tilespmem:s18], [sflag:$0x9] =	stream.linear.gather [hbm4b:s7+s3], $0x3200, $0x38;
	[tilespmem:$0x1F880] =	vst v63  }
0x1e: {  	_ =	swait.ge [sflag:s17], $0x3200  }
0x1f: {  	[sflag:s17] =	ssyncset.done $0x0  }
0x20: {  	[sflag:s17] =	ssyncadd.s32 $0xFFFFCE00  }
0x21: {  	[tilespmem:s19], [sflag:$0x9] =	stream.linear.gather [hbm4b:s9+s3], $0x320, $0x38;
	[tilespmem:$0x1F880] =	vst v63  }
0x22: {  	_ =	swait.ge [sflag:s17], $0x320  }
0x23: {  	[sflag:s17] =	ssyncset.done $0x0  }
0x24: {  	[sflag:s17] =	ssyncadd.s32 $0xFFFFFCE0  }
0x25: {  	[spmem:s2] =	stream.indirect.scatter.add.f32 [tilespmem:s18], [sflag:$0x8], $0x10, s19, s20, $0xb8;
	[tilespmem:$0x1F880] =	vst v63  }
0x26: {  	s10 =	rddreg [dreg:$0x5]  }
0x27: {  	[tilespmem:s3], [sflag:$0x1] =	stream.linear.gather [hbm4b:s10+s3], $0x320, $0x38;
	[tilespmem:$0x1F880] =	vst v63  }
0x28: {  	_ = 	snop  }
0x29: {  	[tilespmem:s21], [sflag:$0x3] =	stream.linear.gather [hbm4b:s9+s3], $0x320, $0x38;
	[tilespmem:$0x1F880] =	vst v63  }
0x2a: {  	_ =	swait.ge [sflag:s22], $0x320  }
0x2b: {  	[sflag:s22] =	ssyncset.done $0x0  }
0x2c: {  	[sflag:s22] =	ssyncadd.s32 $0xFFFFFCE0  }
0x2d: {  	_ =	swait.ge [sflag:s23], $0x320  }
0x2e: {  	[sflag:s23] =	ssyncset.done $0x0  }
0x2f: {  	[sflag:s23] =	ssyncadd.s32 $0xFFFFFCE0  }
0x30: {  	[tilespmem:s24], [sflag:$0x5] =	stream.indirect.gather [hbm4b:s6+s20], $0x10, s3, s20, $0xb8;
	[tilespmem:$0x1F880] =	vst v63  }
0x31: {  	s5 =	sadd.s32 $0x0, s15  }
0x32: {  	[tilespmem:s20], [sflag:$0x2] =	stream.linear.gather [hbm4b:s5+s3], $0x320, $0x38;
	[tilespmem:$0x1F880] =	vst v63  }
0x33: {  	_ =	swait.ge [sflag:s25], $0x3200  }
0x34: {  	[sflag:s25] =	ssyncset.done $0x0  }
0x35: {  	[sflag:s25] =	ssyncadd.s32 $0xFFFFCE00  }
0x36: {  	[spmem:s2] =	stream.indirect.scatter.add.f32 [tilespmem:s24], [sflag:$0x7], $0x10, s21, s20, $0xb8;
	[tilespmem:$0x1F880] =	vst v63  }
0x37: {  	_ =	swait.ge [sflag:s26], $0x3200  }
0x38: {  	s7 =	sadd.s32 $0x0, s13;
	[sflag:s26] =	ssyncset.done $0x0  }
0x39: {  	s5 =	sadd.s32 $0x64, s7;
	[sflag:s26] =	ssyncadd.s32 $0xFFFFCE00  }
0x3a: {  	[tilespmem:s19], [sflag:$0x4] =	stream.linear.gather [hbm4b:s5+s3], $0x320, $0x38;
	[tilespmem:$0x1F880] =	vst v63  }
0x3b: {  	_ =	swait.ge [sflag:s28], $0x320  }
0x3c: {  	[sflag:s28] =	ssyncset.done $0x0  }
0x3d: {  	[sflag:s28] =	ssyncadd.s32 $0xFFFFFCE0  }
0x3e: {  	_ =	swait.ge [sflag:s29], $0x320  }
0x3f: {  	[sflag:s29] =	ssyncset.done $0x0  }
0x40: {  	s10 =	sshrl.u32 s14, $0x3;
	[sflag:s29] =	ssyncadd.s32 $0xFFFFFCE0  }
0x41: {  	[tilespmem:s18], [sflag:$0x6] =	stream.indirect.gather [hbm4b:s6+s20], $0x10, s20, s20, $0xb8;
	[tilespmem:$0x1F880] =	vst v63  }
0x42: {  	s5 =	sadd.s32 s4, s10  }
0x43: {  	[tilespmem:s3], [sflag:$0x1] =	stream.linear.gather [hbm4b:s5+s3], $0x320, $0x38;
	[tilespmem:$0x1F880] =	vst v63  }
0x44: {  	_ =	swait.ge [sflag:s30], $0x3200  }
0x45: {  	[sflag:s30] =	ssyncset.done $0x0  }
0x46: {  	[sflag:s30] =	ssyncadd.s32 $0xFFFFCE00  }
0x47: {  	[spmem:s2] =	stream.indirect.scatter.add.f32 [tilespmem:s18], [sflag:$0x8], $0x10, s19, s20, $0xb8;
	[tilespmem:$0x1F880] =	vst v63  }
0x48: {  	_ =	swait.ge [sflag:s31], $0x3200  }
0x49: {  	[sflag:s31] =	ssyncset.done $0x0  }
0x4a: {  	s1 =	sadd.s32 $0xC8, s7;
	[sflag:s31] =	ssyncadd.s32 $0xFFFFCE00  }
0x4b: {  	[tilespmem:s21], [sflag:$0x3] =	stream.linear.gather [hbm4b:s1+s3], $0x320, $0x38;
	[tilespmem:$0x1F880] =	vst v63  }
0x4c: {  	_ =	swait.ge [sflag:s22], $0x320  }
0x4d: {  	[sflag:s22] =	ssyncset.done $0x0  }
0x4e: {  	[sflag:s22] =	ssyncadd.s32 $0xFFFFFCE0  }
0x4f: {  	_ =	swait.ge [sflag:s23], $0x320  }
0x50: {  	[sflag:s23] =	ssyncset.done $0x0  }
0x51: {  	s5 =	sadd.s32 $0x640, s14;
	s1 =	simm.s32 $0xC8;
	[sflag:s23] =	ssyncadd.s32 $0xFFFFFCE0  }
.LBB2_2:
0x52: {  	[tilespmem:s24], [sflag:$0x5] =	stream.indirect.gather [hbm4b:s6+s20], $0x10, s3, s20, $0xb8;
	[tilespmem:$0x1F880] =	vst v63  }
0x53: {  	s7 =	smov.u32 s1  }
0x54: {  	p0 =	sne.s32 s1, $0x2FA8;
	s1 =	sadd.s32 $0xC8, s1;
	s10 =	sadd.s32 s7, s15  }
0x55: {  	[tilespmem:s20], [sflag:$0x2] =	stream.linear.gather [hbm4b:s10+s3], $0x320, $0x38;
	[tilespmem:$0x1F880] =	vst v63  }
0x56: {  	_ =	swait.ge [sflag:s25], $0x3200  }
0x57: {  	[sflag:s25] =	ssyncset.done $0x0  }
0x58: {  	[sflag:s25] =	ssyncadd.s32 $0xFFFFCE00  }
0x59: {  	[spmem:s2] =	stream.indirect.scatter.add.f32 [tilespmem:s24], [sflag:$0x7], $0x10, s21, s20, $0xb8;
	[tilespmem:$0x1F880] =	vst v63  }
0x5a: {  	_ =	swait.ge [sflag:s26], $0x3200  }
0x5b: {  	s7 =	sadd.s32 s7, s13;
	[sflag:s26] =	ssyncset.done $0x0  }
0x5c: {  	s10 =	sadd.s32 $0x64, s7;
	[sflag:s26] =	ssyncadd.s32 $0xFFFFCE00  }
0x5d: {  	[tilespmem:s19], [sflag:$0x4] =	stream.linear.gather [hbm4b:s10+s3], $0x320, $0x38;
	[tilespmem:$0x1F880] =	vst v63  }
0x5e: {  	_ =	swait.ge [sflag:s28], $0x320  }
0x5f: {  	[sflag:s28] =	ssyncset.done $0x0  }
0x60: {  	[sflag:s28] =	ssyncadd.s32 $0xFFFFFCE0  }
0x61: {  	_ =	swait.ge [sflag:s29], $0x320  }
0x62: {  	[sflag:s29] =	ssyncset.done $0x0  }
0x63: {  	s10 =	sshrl.u32 s5, $0x3;
	[sflag:s29] =	ssyncadd.s32 $0xFFFFFCE0  }
0x64: {  	[tilespmem:s18], [sflag:$0x6] =	stream.indirect.gather [hbm4b:s6+s20], $0x10, s20, s20, $0xb8;
	[tilespmem:$0x1F880] =	vst v63  }
0x65: {  	s10 =	sadd.s32 s4, s10  }
0x66: {  	[tilespmem:s3], [sflag:$0x1] =	stream.linear.gather [hbm4b:s10+s3], $0x320, $0x38;
	[tilespmem:$0x1F880] =	vst v63  }
0x67: {  	_ =	swait.ge [sflag:s30], $0x3200  }
0x68: {  	[sflag:s30] =	ssyncset.done $0x0  }
0x69: {  	[sflag:s30] =	ssyncadd.s32 $0xFFFFCE00  }
0x6a: {  	[spmem:s2] =	stream.indirect.scatter.add.f32 [tilespmem:s18], [sflag:$0x8], $0x10, s19, s20, $0xb8;
	[tilespmem:$0x1F880] =	vst v63  }
0x6b: {  	_ =	swait.ge [sflag:s31], $0x3200  }
0x6c: {  	[sflag:s31] =	ssyncset.done $0x0  }
0x6d: {  	s7 =	sadd.s32 $0xC8, s7;
	[sflag:s31] =	ssyncadd.s32 $0xFFFFCE00  }
0x6e: {  	[tilespmem:s21], [sflag:$0x3] =	stream.linear.gather [hbm4b:s7+s3], $0x320, $0x38;
	[tilespmem:$0x1F880] =	vst v63  }
0x6f: {  	_ =	swait.ge [sflag:s22], $0x320  }
.Ltmp0:
0x70: {  	[sflag:s22] =	ssyncset.done $0x0;
	(pc) =	sbr.rel @p0 .LBB2_2-.Ltmp0, $4  }
0x71: {  	[sflag:s22] =	ssyncadd.s32 $0xFFFFFCE0  }
0x72: {  	_ =	swait.ge [sflag:s23], $0x320  }
0x73: {  	[sflag:s23] =	ssyncset.done $0x0  }
0x74: {  	s5 =	sadd.s32 $0x640, s5;
	[sflag:s23] =	ssyncadd.s32 $0xFFFFFCE0  }
0x75: {  	[tilespmem:s24], [sflag:$0x5] =	stream.indirect.gather [hbm4b:s6+s20], $0x10, s3, s20, $0xb8;
	[tilespmem:$0x1F880] =	vst v63  }
0x76: {  	_ =	swait.ge [sflag:s25], $0x3200  }
0x77: {  	[sflag:s25] =	ssyncset.done $0x0  }
0x78: {  	[sflag:s25] =	ssyncadd.s32 $0xFFFFCE00  }
0x79: {  	[spmem:s2] =	stream.indirect.scatter.add.f32 [tilespmem:s24], [sflag:$0x7], $0x10, s21, s20, $0xb8;
	[tilespmem:$0x1F880] =	vst v63  }
0x7a: {  	_ =	swait.ge [sflag:s26], $0x3200  }
0x7b: {  	[sflag:s26] =	ssyncset.done $0x0  }
0x7c: {  	[sflag:s26] =	ssyncadd.s32 $0xFFFFCE00  }
0x7d: {  	_ =	swait.ge [sflag:s31], $0x3200  }
0x7e: {  	s0 =	sadd.s32 $0x1, s0;
	[sflag:s31] =	ssyncset.done $0x0  }
0x7f: {  	p0 =	sne.s32 s0, s12;
	[sflag:s31] =	ssyncadd.s32 $0xFFFFCE00  }
.Ltmp1:
0x80: {  	[bflag:$0x0] =	sbarrier.arrive $0xFFFF;
	(pc) =	sbr.rel @p0 .LBB2_1-.Ltmp1, $4  }
0x81: {  	[hbm:s11], [sflag:s8] =	dma.local [spmem:s16], $0x3100  }
0x82: {  	_ =	swait.ge [sflag:s17], $0x3100  }
0x83: {  	[sflag:s17] =	ssyncset.done $0x0  }
0x84: {  	[sflag:s17] =	ssyncadd.s32 $0xFFFFCF00  }
0x85: {  	_ =	sfence.sel $0x180000  }
0x86: {  	[bflag:$0x0] =	sbarrier.arrive $0xFFFF  }
0x87: {  	_ =	strace $0x9000004A  }
0x88: {  	s0 =	stileid.u32;
	[bflag:$0x2] =	sbarrier.arrive $0xFFFF  }
0x89: {  	p0 =	sne.s32 s0, $0x0;
	s0 =	rddreg [dreg:$0x2]  }
0x8a: {  	s0 =	sadd.s32 @!p0 $0x100000, s0  }
0x8b: {  	[sflag:s0] =	ssyncadd.tile.s32 @!p0 $0x1;
	_ =	shalt  }
.Lfunc_end2:
_tile_overlayer_lowered:
.L_overlay_start_2:
0x8c: {  	(tag) =	ssettag $0x2  }
0x8d: {  	s0 =	rddreg [dreg:$0x0];
	s2 =	stileid.u32  }
0x8e: {  	s1 =	rddreg [dreg:$0x1];
	p0 =	sne.s32 s2, $0x0  }
0x8f: {  	s3 =	rddreg [dreg:$0x2];
	[bflag:$0x3] =	sbarrier.arrive $0xFFFF;
	s2 =	simm.s32 @!p0 $0x1C09  }
0x90: {  	[timem:s3], [sflag:s2] =	dma.local @!p0 [hbm:s0], s1  }
0x91: {  	s0 =	simm.s32 @!p0 $0x9  }
0x92: {  	_ =	swait.ge @!p0 [sflag:s0], s1  }
0x93: {  	s1 =	ssub.s32 @!p0 $0x0, s1;
	[sflag:s0] =	ssyncset.done @!p0 $0x0  }
0x94: {  	[sflag:s0] =	ssyncadd.s32 @!p0 s1  }
0x95: {  	[bflag:$0x3] =	sbarrier.arrive $0xFFFF  }
0x96: {  	_ =	shalt  }

// kernel: kernel.17.cloned.1.call-start
scs
__scs_entry_jumppad:
0x0: {  	(pc) =	sbr.rel $0x88, $3  }
0x1: {  	(tag) =	ssettag $0x0;
	lr =	simm.s32 $0x1  }
0x2: {  	[smem:$0x3F90] =	sst lr;
	_ =	strace $0xD0000000  }
0x3: {  	_ = 	snop  }
0x4: {  	_ = 	snop  }
0x5: {  	_ = 	snop  }
0x6: {  	_ = 	snop  }
0x7: {  	_ = 	snop  }
__scs_overlays_trampoline_lowered:
0x8: {  	[smem:$0x3F9F] =	sst s0  }
0x9: {  	[smem:$0x3FA0] =	sst s1  }
0xa: {  	[smem:$0x3FA1] =	sst s2  }
0xb: {  	[smem:$0x3FA2] =	sst s3  }
0xc: {  	[smem:$0x3FA3] =	sst s4  }
0xd: {  	[smem:$0x3FA4] =	sst s5  }
0xe: {  	[smem:$0x3FA5] =	sst s6  }
0xf: {  	[smem:$0x3FA6] =	sst s7  }
0x10: {  	[smem:$0x3FA7] =	sst s8  }
0x11: {  	[smem:$0x3FA8] =	sst s9;
	s0 =	simm.s32 @!p0 $0x0  }
0x12: {  	s1 =	sld [smem:$0x3F8E];
	s0 =	simm.s32 @p0 $0x1  }
0x13: {  	[smem:$0x3FA9] =	sst s0;
	s0 =	simm.s32 @!p1 $0x0  }
0x14: {  	s2 =	sld [smem:$0x3F8D];
	s0 =	simm.s32 @p1 $0x1  }
0x15: {  	[smem:$0x3FAA] =	sst s0;
	s0 =	simm.s32 @!p2 $0x0  }
0x16: {  	s3 =	sld [smem:$0x3FDB];
	s0 =	simm.s32 @p2 $0x1  }
0x17: {  	s4 =	simm.s32 $0x1BF5;
	[smem:$0x3FAC] =	sst s0  }
0x18: {  	s0 =	sld [smem:$0x3F8F];
	_ =	swait.ge [sflag:s4], $0x0  }
0x19: {  	s7 =	sld [smem:$0x3F90]  }
0x1a: {  	s8 =	sadd.s32 $0xFFFFE003, lr  }
0x1b: {  	s9 =	sadd.s32 $0xFFFFFEF7, lr;
	s5 =	simm.s32 $0xFFFFFFFF;
	p2 =	slt.u32 s8, $0xFFFFF086  }
0x1c: {  	p1 =	slt.u32 s9, $0xF7A;
	s5 =	simm.s32 @!p2 $0x0  }
0x1d: {  	s5 =	simm.s32 @p1 $0x1;
	p0 =	seq.s32 s7, s2  }
0x1e: {  	s7 =	smul.u32 @!p0 $0xF7A, s2;
	p2 =	seq.s32 @!p0 s5, $0x0  }
0x1f: {  	s9 =	smul.u32 $0xF7A, s1;
	s8 =	simm.s32 @!p0 $0x1BF5;
	p2 =	por !p2, p0  }
0x20: {  	[sflag:s8] =	ssyncset.s32 @!p0 $0xFFFFF086;
	s6 =	sadd.s32 @!p0 s3, s7;
	s7 =	simm.s32 @!p0 $0x108  }
0x21: {  	s3 =	sadd.s32 s3, s9;
	s6 =	sadd.s32 @!p0 $0x88, s6;
	s7 =	simm.s32 @p2 $0x1082  }
0x22: {  	[simem:s7], [sflag:s8] =	dma.local @!p0 [hbm:s6], $0xF7A  }
0x23: {  	s9 =	sor.u32 $0xD0000000, s2;
	s6 =	simm.s32 $0x108;
	_ =	swait.ge @!p0 [sflag:s8], $0x0  }
0x24: {  	s3 =	sadd.s32 $0x88, s3;
	s6 =	simm.s32 @!p1 $0x1082;
	[sflag:s4] =	ssyncset.s32 $0xFFFFF086  }
0x25: {  	[simem:s6], [sflag:s4] =	dma.local [hbm:s3], $0xF7A  }
0x26: {  	[smem:$0x3F90] =	sst s1;
	(tag) =	ssettag s2;
	_ =	strace s9  }
0x27: {  	s1 =	sld [smem:$0x3FA0]  }
0x28: {  	s2 =	sld [smem:$0x3FA1]  }
0x29: {  	s4 =	sld [smem:$0x3FA3]  }
0x2a: {  	p0 =	seq.s32 s5, $0x0;
	s5 =	sld [smem:$0x3FA4]  }
0x2b: {  	s6 =	sld [smem:$0x3FA5]  }
0x2c: {  	s7 =	sld [smem:$0x3FA6]  }
0x2d: {  	s3 =	simm.s32 $0x108;
	s8 =	sld [smem:$0x3FA7]  }
0x2e: {  	s3 =	simm.s32 @!p0 $0x1082;
	s9 =	sld [smem:$0x3FA8]  }
0x2f: {  	lr =	sadd.s32 s0, s3;
	s0 =	sld [smem:$0x3F9F]  }
0x30: {  	s3 =	sld [smem:$0x3FA2]  }
0x31: {  	[smem:$0x3FAB] =	sst s10  }
0x32: {  	s10 =	sld [smem:$0x3FA9];
	_ =	sdelay $0x3  }
0x33: {  	p0 =	seq.s32 s10, $0x1;
	s10 =	sld [smem:$0x3FAB];
	_ =	sdelay $0x3  }
0x34: {  	[smem:$0x3FAB] =	sst s10  }
0x35: {  	s10 =	sld [smem:$0x3FAA];
	_ =	sdelay $0x3  }
0x36: {  	p1 =	seq.s32 s10, $0x1;
	s10 =	sld [smem:$0x3FAB];
	_ =	sdelay $0x3  }
0x37: {  	[smem:$0x3FAB] =	sst s10  }
0x38: {  	s10 =	sld [smem:$0x3FAC]  }
0x39: {  	_ = 	snop;
	(pc) =	sbr.ind lr, $3  }
0x3a: {  	_ = 	snop  }
0x3b: {  	_ = 	snop  }
0x3c: {  	p2 =	seq.s32 s10, $0x1;
	s10 =	sld [smem:$0x3FAB]  }
0x3d: {  	_ =	shalt  }
0x3e: {  	_ =	shalt  }
0x3f: {  	_ =	shalt  }
0x40: {  	_ =	shalt  }
0x41: {  	_ =	shalt  }
0x42: {  	_ =	shalt  }
0x43: {  	_ =	shalt  }
0x44: {  	_ =	shalt  }
0x45: {  	_ =	shalt  }
0x46: {  	_ =	shalt  }
0x47: {  	_ =	shalt  }
0x48: {  	_ =	shalt  }
0x49: {  	_ =	shalt  }
0x4a: {  	_ =	shalt  }
0x4b: {  	_ =	shalt  }
0x4c: {  	_ =	shalt  }
0x4d: {  	_ =	shalt  }
0x4e: {  	_ =	shalt  }
0x4f: {  	_ =	shalt  }
0x50: {  	_ =	shalt  }
0x51: {  	_ =	shalt  }
0x52: {  	_ =	shalt  }
0x53: {  	_ =	shalt  }
0x54: {  	_ =	shalt  }
0x55: {  	_ =	shalt  }
0x56: {  	_ =	shalt  }
0x57: {  	_ =	shalt  }
0x58: {  	_ =	shalt  }
0x59: {  	_ =	shalt  }
0x5a: {  	_ =	shalt  }
0x5b: {  	_ =	shalt  }
0x5c: {  	_ =	shalt  }
0x5d: {  	_ =	shalt  }
0x5e: {  	_ =	shalt  }
0x5f: {  	_ =	shalt  }
0x60: {  	_ =	shalt  }
0x61: {  	_ =	shalt  }
0x62: {  	_ =	shalt  }
0x63: {  	_ =	shalt  }
0x64: {  	_ =	shalt  }
0x65: {  	_ =	shalt  }
0x66: {  	_ =	shalt  }
0x67: {  	_ =	shalt  }
0x68: {  	_ =	shalt  }
0x69: {  	_ =	shalt  }
0x6a: {  	_ =	shalt  }
0x6b: {  	_ =	shalt  }
0x6c: {  	_ =	shalt  }
0x6d: {  	_ =	shalt  }
0x6e: {  	_ =	shalt  }
0x6f: {  	_ =	shalt  }
0x70: {  	_ =	shalt  }
0x71: {  	_ =	shalt  }
0x72: {  	_ =	shalt  }
0x73: {  	_ =	shalt  }
0x74: {  	_ =	shalt  }
0x75: {  	_ =	shalt  }
0x76: {  	_ =	shalt  }
0x77: {  	_ =	shalt  }
0x78: {  	_ =	shalt  }
0x79: {  	_ =	shalt  }
0x7a: {  	_ =	shalt  }
0x7b: {  	_ =	shalt  }
0x7c: {  	_ =	shalt  }
0x7d: {  	_ =	shalt  }
0x7e: {  	_ =	shalt  }
0x7f: {  	_ =	shalt  }
0x80: {  	_ =	shalt  }
0x81: {  	_ =	shalt  }
0x82: {  	_ =	shalt  }
0x83: {  	_ =	shalt  }
0x84: {  	_ =	shalt  }
0x85: {  	_ =	shalt  }
0x86: {  	_ =	shalt  }
0x87: {  	_ =	shalt  }
.Lfunc_end0:
.L_simem_size_0:
called_computation.2_lowered:
.L_overlay_start_0:
0x88: {  	s2 =	sld [smem:$0x3FD9]  }
0x89: {  	s3 =	sld [smem:$0x3FFE];
	_ =	sdelay $0x1  }
0x8a: {  	s1 =	srdreg.scid  }
0x8b: {  	s0 =	sand.u32 $0x1, s1  }
0x8c: {  	s16 =	sshll.u32 s0, $0xA;
	s2 =	sadd.s32 s3, s2  }
0x8d: {  	s2 =	sadd.s32 s2, s16  }
0x8e: {  	[smem:$0x3FB7] =	sst s2  }
0x8f: {  	_ = 	snop  }
0x90: {  	(tm) =	ssettm $0x1  }
0x91: {  	s17 =	sld [smem:$0x3FFB];
	_ =	sdelay $0x3  }
0x92: {  	_ =	strace s17  }
0x93: {  	s2 =	sld [smem:$0x3FFC];
	_ =	sdelay $0x3  }
0x94: {  	_ =	strace s2  }
0x95: {  	s2 =	sld [smem:$0x3FFD];
	_ =	sdelay $0x3  }
0x96: {  	_ =	strace s2  }
0x97: {  	_ =	strace $0x8FFFFFFF  }
0x98: {  	s18 =	sld [smem:$0x3FDB];
	_ =	sdelay $0x1  }
0x99: {  	s19 =	simm.s32 $_scs_section_size  }
0x9a: {  	s4 =	simm.s32 $_size__tile_overlayer_lowered;
	s5 =	simm.s32 $_tile_overlayer_lowered  }
0x9b: {  	s22 =	simm.s32 $0x1BFF;
	s21 =	sshll.u32 s5, $0x1;
	s2 =	sadd.s32 s19, s18  }
0x9c: {  	s6 =	simm.s32 $0x0;
	s20 =	sshll.u32 s4, $0x1;
	s4 =	sadd.s32 s21, s2  }
0x9d: {  	[timem:s6], [sflag:s22] =	dma.local [hbm:s4], s20  }
0x9e: {  	_ =	swait.ge [sflag:s22], s20  }
0x9f: {  	s3 =	ssub.s32 $0x0, s20;
	[sflag:s22] =	ssyncset.done $0x0  }
0xa0: {  	[sflag:s22] =	ssyncadd.s32 s3;
	_ =	sdelay $0x1  }
0xa1: {  	s23 =	simm.s32 $0x1B8B  }
0xa2: {  	_ =	swait.ge [sflag:s23], $0x1  }
0xa3: {  	[sflag:s23] =	ssyncset.done $0x0  }
0xa4: {  	s25 =	simm.s32 $0x1B8E;
	s24 =	sld [smem:$0x3FFE];
	[sflag:s23] =	ssyncadd.s32 $0xFFFFFFFF  }
0xa5: {  	s26 =	simm.s32 $execute0_lowered;
	[smem:$0x3FD2] =	sst s25  }
0xa6: {  	s4 =	sshll.u32 s26, $0x1;
	_ =	strace $0x8000004C;
	[dreg:$0x1] =	wrdreg $0xFFFFFFFF  }
0xa7: {  	s28 =	simm.s32 $_size_execute0_lowered;
	s2 =	sadd.s32 s2, s4;
	[dreg:$0x0] =	wrdreg $0x0  }
0xa8: {  	s4 =	sshll.u32 s28, $0x1;
	[dreg:$0x2] =	wrdreg s2  }
0xa9: {  	[dreg:$0x3] =	wrdreg s4  }
0xaa: {  	[dreg:$0x4] =	wrdreg $0xC0  }
0xab: {  	_ =	task [dreg:s6], $0x5FFFF  }
0xac: {  	[dreg:$0x1] =	wrdreg $0xFFFFFFFF  }
0xad: {  	[dreg:$0x0] =	wrdreg $0x60  }
0xae: {  	[dreg:$0x2] =	wrdreg s24  }
0xaf: {  	[dreg:$0x3] =	wrdreg $0x70800  }
0xb0: {  	[dreg:$0x4] =	wrdreg $0x9  }
0xb1: {  	_ =	task.clear_ibuf [dreg:s6], $0x5FFFF;
	_ =	strace $0x9000004C  }
0xb2: {  	s29 =	simm.s32 $0x9;
	_ =	strace $0x8000004E  }
0xb3: {  	_ =	swait.ge [sflag:s29], $0x1  }
0xb4: {  	[sflag:s29] =	ssyncadd.s32 $0xFFFFFFFF  }
0xb5: {  	_ =	strace $0x9000004E  }
0xb6: {  	_ =	sfence  }
0xb7: {  	s30 =	sld [smem:$0x0];
	_ =	sdelay $0x2  }
0xb8: {  	s31 =	sshll.u32 s1, $0xD;
	s1 =	sshrl.u32 s1, $0x2  }
0xb9: {  	s3 =	sand.u32 $0x4000, s31;
	s1 =	sadd.s32 s1, s30  }
0xba: {  	s0 =	sor.u32 s3, s0;
	s1 =	sshll.u32 s1, $0x11  }
0xbb: {  	s0 =	sor.u32 s1, s0  }
0xbc: {  	s0 =	sadd.s32 $0x8F2B, s0  }
0xbd: {  	[sflag:s0] =	ssyncadd.remote.s32 $0x1  }
0xbe: {  	_ =	sfence.sel $0xFFFF  }
0xbf: {  	[dreg:$0x0] =	wrdreg $0xFFFFFFFF;
	(pc) =	sbr.abs _section_cstart, $3  }
0xc0: {  	[dreg:$0x1] =	wrdreg $0xFFFFFFFF  }
0xc1: {  	_ =	task.clear_ibuf [dreg:s6], $0x2FFFF;
	_ =	strace $0x9FFFFFFF  }
0xc2: {  	(tm) =	ssettm $0x7FFFFFFF  }
0xc3: {  	_ =	shalt  }
tec
execute0_lowered:
.L_overlay_start_1:
0x0: {  	(tag) =	ssettag $0x1  }
0x1: {  	s0 =	rddreg [dreg:$0x0]  }
0x2: {  	s1 =	rddreg [dreg:$0x1]  }
0x3: {  	s2 =	simm.s32 $0x0;
	s4 =	srdreg.scid;
	s9 =	stileid.u32  }
0x4: {  	s19 =	simm.s32 $0x9;
	s20 =	simm.s32 $0x3E80;
	s21 =	simm.s32 $0x960  }
0x5: {  	s22 =	simm.s32 $0x320;
	s28 =	simm.s32 $0x5;
	s29 =	simm.s32 $0x8  }
0x6: {  	s30 =	simm.s32 $0x4;
	s31 =	simm.s32 $0x2;
	[smem:$0x7FF] =	sst s2  }
0x7: {  	s3 =	sadd.s32 $0x12BA00, s0;
	s5 =	sadd.s32 $0x5A00, s0;
	s8 =	smul.u32 $0x18800, s9  }
0x8: {  	s10 =	sadd.s32 $0x98A00, s0;
	s4 =	sand.u32 $0x1, s4;
	s16 =	smul.u32 $0x186A0, s9  }
0x9: {  	s6 =	sadd.s32 $0x1EF000, s0;
	s0 =	sadd.s32 $0x2B3000, s0;
	s14 =	smul.u32 $0x30D4, s9  }
0xa: {  	s12 =	sshll.u32 s9, $0x6;
	_ =	strace $0x8000004D;
	[dreg:$0x3] =	wrdreg s0  }
0xb: {  	s7 =	ssub.s32 $0x2, s4;
	s24 =	sshll.u32 s4, $0x1;
	[dreg:$0x6] =	wrdreg s10  }
0xc: {  	s4 =	smul.u32 $0x30D400, s4;
	s12 =	sor.u32 $0x1C09, s12;
	[dreg:$0x5] =	wrdreg s24  }
0xd: {  	s23 =	sshrl.u32 s7, $0x1;
	s25 =	sadd.s32 s8, s1;
	[dreg:$0x4] =	wrdreg s8  }
0xe: {  	s8 =	sshrl.u32 s8, $0x3;
	s13 =	sshrl.u32 s16, $0x3;
	s15 =	sadd.s32 s14, s5  }
0xf: {  	s11 =	smov.u32 s16;
	s24 =	simm.s32 $0x3;
	s0 =	ssub.s32 s7, s23  }
0x10: {  	s8 =	sadd.s32 s10, s8;
	s13 =	sadd.s32 s5, s13;
	s26 =	sadd.s32 s16, s4  }
0x11: {  	s18 =	sshrl.u32 s25, $0x3;
	s23 =	simm.s32 $0x640;
	s25 =	simm.s32 $0x1  }
0x12: {  	s4 =	simm.s32 $0x7;
	s7 =	simm.s32 $0x0;
	[dreg:$0x7] =	wrdreg s8  }
0x13: {  	s0 =	smax.u32 s0, $0x1;
	s16 =	sadd.s32 $0x640, s26;
	s17 =	sadd.s32 $0x320, s26  }
0x14: {  	s26 =	simm.s32 $0xC80;
	[dreg:$0x8] =	wrdreg s0;
	s0 =	simm.s32 $0x6  }
.LBB2_1:
0x15: {  	[dreg:$0x9] =	wrdreg s7;
	p1 =	por $0x1, $0x1;
	s5 =	simm.s32 $0x0  }
.LBB2_2:
0x16: {  	s7 =	rddreg [dreg:$0x7]  }
0x17: {  	[spmem:s18], [sflag:s12] =	dma.local [hbm:s7], $0x3100  }
0x18: {  	_ =	swait.ge [sflag:s19], $0x3100  }
0x19: {  	[sflag:s19] =	ssyncset.done $0x0  }
0x1a: {  	[sflag:s19] =	ssyncadd.s32 $0xFFFFCF00  }
0x1b: {  	[bflag:$0x0] =	sbarrier.arrive $0xFFFF  }
0x1c: {  	s7 =	simm.s32 $0x0;
	s8 =	rddreg [dreg:$0x6]  }
0x1d: {  	[tilespmem:s20], [sflag:$0x9] =	stream.linear.gather [hbm4b:s8+s7], $0x3200, $0x38;
	[tilespmem:$0x1F880] =	vst v63  }
0x1e: {  	_ =	swait.ge [sflag:s19], $0x3200  }
0x1f: {  	[sflag:s19] =	ssyncset.done $0x0  }
0x20: {  	[sflag:s19] =	ssyncadd.s32 $0xFFFFCE00  }
0x21: {  	[tilespmem:s21], [sflag:$0x9] =	stream.linear.gather [hbm4b:s13+s7], $0x320, $0x38;
	[tilespmem:$0x1F880] =	vst v63  }
0x22: {  	_ =	swait.ge [sflag:s19], $0x320  }
0x23: {  	s9 =	rddreg [dreg:$0x5]  }
0x24: {  	[sflag:s19] =	ssyncset.done $0x0;
	s14 =	sor.u32 s9, s5  }
0x25: {  	[sflag:s19] =	ssyncadd.s32 $0xFFFFFCE0;
	s8 =	smul.u32 $0x186A00, s14  }
0x26: {  	[spmem:s1] =	stream.indirect.scatter.add.f32 [tilespmem:s20], [sflag:$0x8], $0x10, s21, s22, $0xb8;
	[tilespmem:$0x1F880] =	vst v63  }
0x27: {  	s8 =	sadd.s32 s11, s8  }
0x28: {  	s8 =	sshrl.u32 s8, $0x3  }
0x29: {  	s8 =	sadd.s32 s3, s8  }
0x2a: {  	[tilespmem:s7], [sflag:$0x1] =	stream.linear.gather [hbm4b:s8+s7], $0x320, $0x38;
	[tilespmem:$0x1F880] =	vst v63  }
0x2b: {  	_ = 	snop  }
0x2c: {  	[tilespmem:s23], [sflag:$0x3] =	stream.linear.gather [hbm4b:s13+s7], $0x320, $0x38;
	[tilespmem:$0x1F880] =	vst v63  }
0x2d: {  	_ =	swait.ge [sflag:s24], $0x320  }
0x2e: {  	s10 =	smul.u32 $0x186A00, s5;
	[sflag:s24] =	ssyncset.done $0x0  }
0x2f: {  	[sflag:s24] =	ssyncadd.s32 $0xFFFFFCE0  }
0x30: {  	s5 =	sadd.s32 s10, s17;
	_ =	swait.ge [sflag:s25], $0x320  }
0x31: {  	s5 =	sshrl.u32 s5, $0x3;
	[sflag:s25] =	ssyncset.done $0x0  }
0x32: {  	s5 =	sadd.s32 s5, s3;
	[sflag:s25] =	ssyncadd.s32 $0xFFFFFCE0  }
0x33: {  	[tilespmem:s26], [sflag:$0x5] =	stream.indirect.gather [hbm4b:s6+s22], $0x10, s7, s22, $0xb8;
	[tilespmem:$0x1F880] =	vst v63  }
0x34: {  	s9 =	sadd.s32 $0x0, s5  }
0x35: {  	[tilespmem:s22], [sflag:$0x2] =	stream.linear.gather [hbm4b:s9+s2], $0x320, $0x38;
	[tilespmem:$0x1F880] =	vst v63  }
0x36: {  	_ =	swait.ge [sflag:s28], $0x3200  }
0x37: {  	[sflag:s28] =	ssyncset.done $0x0  }
0x38: {  	[sflag:s28] =	ssyncadd.s32 $0xFFFFCE00  }
0x39: {  	[spmem:s1] =	stream.indirect.scatter.add.f32 [tilespmem:s26], [sflag:$0x7], $0x10, s23, s22, $0xb8;
	[tilespmem:$0x1F880] =	vst v63  }
0x3a: {  	_ =	swait.ge [sflag:s29], $0x3200  }
0x3b: {  	s7 =	sadd.s32 $0x0, s15;
	[sflag:s29] =	ssyncset.done $0x0  }
0x3c: {  	s9 =	sadd.s32 $0x64, s7;
	[sflag:s29] =	ssyncadd.s32 $0xFFFFCE00  }
0x3d: {  	[tilespmem:s21], [sflag:$0x4] =	stream.linear.gather [hbm4b:s9+s2], $0x320, $0x38;
	[tilespmem:$0x1F880] =	vst v63  }
0x3e: {  	_ =	swait.ge [sflag:s30], $0x320  }
0x3f: {  	[sflag:s30] =	ssyncset.done $0x0  }
0x40: {  	[sflag:s30] =	ssyncadd.s32 $0xFFFFFCE0  }
0x41: {  	_ =	swait.ge [sflag:s31], $0x320  }
0x42: {  	s8 =	sadd.s32 s10, s16;
	[sflag:s31] =	ssyncset.done $0x0  }
0x43: {  	s10 =	sshrl.u32 s8, $0x3;
	[sflag:s31] =	ssyncadd.s32 $0xFFFFFCE0  }
0x44: {  	[tilespmem:s20], [sflag:$0x6] =	stream.indirect.gather [hbm4b:s6+s22], $0x10, s22, s22, $0xb8;
	[tilespmem:$0x1F880] =	vst v63  }
0x45: {  	s9 =	sadd.s32 s3, s10  }
0x46: {  	[tilespmem:s2], [sflag:$0x1] =	stream.linear.gather [hbm4b:s9+s2], $0x320, $0x38;
	[tilespmem:$0x1F880] =	vst v63  }
0x47: {  	_ =	swait.ge [sflag:s0], $0x3200  }
0x48: {  	[sflag:s0] =	ssyncset.done $0x0  }
0x49: {  	[sflag:s0] =	ssyncadd.s32 $0xFFFFCE00  }
0x4a: {  	[spmem:s1] =	stream.indirect.scatter.add.f32 [tilespmem:s20], [sflag:$0x8], $0x10, s21, s22, $0xb8;
	[tilespmem:$0x1F880] =	vst v63  }
0x4b: {  	_ =	swait.ge [sflag:s4], $0x3200  }
0x4c: {  	[sflag:s4] =	ssyncset.done $0x0  }
0x4d: {  	s7 =	sadd.s32 $0xC8, s7;
	[sflag:s4] =	ssyncadd.s32 $0xFFFFCE00  }
0x4e: {  	[tilespmem:s23], [sflag:$0x3] =	stream.linear.gather [hbm4b:s7+s2], $0x320, $0x38;
	[tilespmem:$0x1F880] =	vst v63  }
0x4f: {  	_ =	swait.ge [sflag:s24], $0x320  }
0x50: {  	[sflag:s24] =	ssyncset.done $0x0  }
0x51: {  	[sflag:s24] =	ssyncadd.s32 $0xFFFFFCE0  }
0x52: {  	_ =	swait.ge [sflag:s25], $0x320  }
0x53: {  	p0 =	por p1, p1;
	[sflag:s25] =	ssyncset.done $0x0  }
0x54: {  	s8 =	sadd.s32 $0x640, s8;
	s7 =	simm.s32 $0xC8;
	[sflag:s25] =	ssyncadd.s32 $0xFFFFFCE0  }
.LBB2_3:
0x55: {  	[tilespmem:s26], [sflag:$0x5] =	stream.indirect.gather [hbm4b:s6+s22], $0x10, s2, s22, $0xb8;
	[tilespmem:$0x1F880] =	vst v63  }
0x56: {  	s9 =	smov.u32 s7  }
0x57: {  	p1 =	sne.s32 s7, $0x2FA8;
	s7 =	sadd.s32 $0xC8, s7;
	s10 =	sadd.s32 s9, s5  }
0x58: {  	[tilespmem:s22], [sflag:$0x2] =	stream.linear.gather [hbm4b:s10+s2], $0x320, $0x38;
	[tilespmem:$0x1F880] =	vst v63  }
0x59: {  	_ =	swait.ge [sflag:s28], $0x3200  }
0x5a: {  	[sflag:s28] =	ssyncset.done $0x0  }
0x5b: {  	[sflag:s28] =	ssyncadd.s32 $0xFFFFCE00  }
0x5c: {  	[spmem:s1] =	stream.indirect.scatter.add.f32 [tilespmem:s26], [sflag:$0x7], $0x10, s23, s22, $0xb8;
	[tilespmem:$0x1F880] =	vst v63  }
0x5d: {  	_ =	swait.ge [sflag:s29], $0x3200  }
0x5e: {  	s9 =	sadd.s32 s9, s15;
	[sflag:s29] =	ssyncset.done $0x0  }
0x5f: {  	s10 =	sadd.s32 $0x64, s9;
	[sflag:s29] =	ssyncadd.s32 $0xFFFFCE00  }
0x60: {  	[tilespmem:s21], [sflag:$0x4] =	stream.linear.gather [hbm4b:s10+s2], $0x320, $0x38;
	[tilespmem:$0x1F880] =	vst v63  }
0x61: {  	_ =	swait.ge [sflag:s30], $0x320  }
0x62: {  	[sflag:s30] =	ssyncset.done $0x0  }
0x63: {  	[sflag:s30] =	ssyncadd.s32 $0xFFFFFCE0  }
0x64: {  	_ =	swait.ge [sflag:s31], $0x320  }
0x65: {  	[sflag:s31] =	ssyncset.done $0x0  }
0x66: {  	s10 =	sshrl.u32 s8, $0x3;
	[sflag:s31] =	ssyncadd.s32 $0xFFFFFCE0  }
0x67: {  	[tilespmem:s20], [sflag:$0x6] =	stream.indirect.gather [hbm4b:s6+s22], $0x10, s22, s22, $0xb8;
	[tilespmem:$0x1F880] =	vst v63  }
0x68: {  	s10 =	sadd.s32 s3, s10  }
0x69: {  	[tilespmem:s2], [sflag:$0x1] =	stream.linear.gather [hbm4b:s10+s2], $0x320, $0x38;
	[tilespmem:$0x1F880] =	vst v63  }
0x6a: {  	_ =	swait.ge [sflag:s0], $0x3200  }
0x6b: {  	[sflag:s0] =	ssyncset.done $0x0  }
0x6c: {  	[sflag:s0] =	ssyncadd.s32 $0xFFFFCE00  }
0x6d: {  	[spmem:s1] =	stream.indirect.scatter.add.f32 [tilespmem:s20], [sflag:$0x8], $0x10, s21, s22, $0xb8;
	[tilespmem:$0x1F880] =	vst v63  }
0x6e: {  	_ =	swait.ge [sflag:s4], $0x3200  }
0x6f: {  	[sflag:s4] =	ssyncset.done $0x0  }
0x70: {  	s9 =	sadd.s32 $0xC8, s9;
	[sflag:s4] =	ssyncadd.s32 $0xFFFFCE00  }
0x71: {  	[tilespmem:s23], [sflag:$0x3] =	stream.linear.gather [hbm4b:s9+s2], $0x320, $0x38;
	[tilespmem:$0x1F880] =	vst v63  }
0x72: {  	_ =	swait.ge [sflag:s24], $0x320  }
.Ltmp0:
0x73: {  	[sflag:s24] =	ssyncset.done $0x0;
	(pc) =	sbr.rel @p1 .LBB2_3-.Ltmp0, $4  }
0x74: {  	[sflag:s24] =	ssyncadd.s32 $0xFFFFFCE0  }
0x75: {  	_ =	swait.ge [sflag:s25], $0x320  }
0x76: {  	[sflag:s25] =	ssyncset.done $0x0  }
0x77: {  	s8 =	sadd.s32 $0x640, s8;
	[sflag:s25] =	ssyncadd.s32 $0xFFFFFCE0  }
0x78: {  	[tilespmem:s26], [sflag:$0x5] =	stream.indirect.gather [hbm4b:s6+s22], $0x10, s2, s22, $0xb8;
	[tilespmem:$0x1F880] =	vst v63  }
0x79: {  	_ =	swait.ge [sflag:s28], $0x3200  }
0x7a: {  	[sflag:s28] =	ssyncset.done $0x0  }
0x7b: {  	[sflag:s28] =	ssyncadd.s32 $0xFFFFCE00  }
0x7c: {  	[spmem:s1] =	stream.indirect.scatter.add.f32 [tilespmem:s26], [sflag:$0x7], $0x10, s23, s22, $0xb8;
	[tilespmem:$0x1F880] =	vst v63  }
0x7d: {  	_ =	swait.ge [sflag:s29], $0x3200  }
0x7e: {  	[sflag:s29] =	ssyncset.done $0x0  }
0x7f: {  	[sflag:s29] =	ssyncadd.s32 $0xFFFFCE00  }
0x80: {  	_ =	swait.ge [sflag:s4], $0x3200  }
0x81: {  	s5 =	smul.u32 $0x188000, s14;
	[sflag:s4] =	ssyncset.done $0x0  }
0x82: {  	s7 =	rddreg [dreg:$0x4];
	[sflag:s4] =	ssyncadd.s32 $0xFFFFCE00  }
0x83: {  	s5 =	sadd.s32 s7, s5;
	[bflag:$0x0] =	sbarrier.arrive $0xFFFF  }
0x84: {  	s5 =	sshrl.u32 s5, $0x3;
	s14 =	rddreg [dreg:$0x3]  }
.Ltmp1:
0x85: {  	s5 =	sadd.s32 s14, s5;
	(pc) =	sbr.rel @p0 .LBB2_2-.Ltmp1, $4  }
0x86: {  	[hbm:s5], [sflag:s12] =	dma.local [spmem:s18], $0x3100  }
0x87: {  	_ =	swait.ge [sflag:s19], $0x3100  }
0x88: {  	[sflag:s19] =	ssyncset.done $0x0  }
0x89: {  	p1 =	por $0x0, $0x0;
	s5 =	simm.s32 $0x1;
	[sflag:s19] =	ssyncadd.s32 $0xFFFFCF00  }
0x8a: {  	s7 =	rddreg [dreg:$0x9]  }
0x8b: {  	s5 =	rddreg [dreg:$0x8];
	s7 =	sadd.s32 $0x1, s7  }
0x8c: {  	p0 =	sne.s32 s7, s5  }
.Ltmp2:
0x8d: {  	_ = 	snop;
	(pc) =	sbr.rel @p0 .LBB2_1-.Ltmp2, $1  }
0x8e: {  	_ =	sdelay $0x3  }
0x8f: {  	_ =	sfence.sel $0x180000  }
0x90: {  	[bflag:$0x0] =	sbarrier.arrive $0xFFFF  }
0x91: {  	_ =	strace $0x9000004D  }
0x92: {  	s0 =	stileid.u32;
	[bflag:$0x2] =	sbarrier.arrive $0xFFFF  }
0x93: {  	p0 =	sne.s32 s0, $0x0;
	s0 =	rddreg [dreg:$0x2]  }
0x94: {  	s0 =	sadd.s32 @!p0 $0x100000, s0  }
0x95: {  	[sflag:s0] =	ssyncadd.tile.s32 @!p0 $0x1;
	_ =	shalt  }
.Lfunc_end2:
_tile_overlayer_lowered:
.L_overlay_start_2:
0x96: {  	(tag) =	ssettag $0x2  }
0x97: {  	s0 =	rddreg [dreg:$0x0];
	s2 =	stileid.u32  }
0x98: {  	s1 =	rddreg [dreg:$0x1];
	p0 =	sne.s32 s2, $0x0  }
0x99: {  	s3 =	rddreg [dreg:$0x2];
	[bflag:$0x3] =	sbarrier.arrive $0xFFFF;
	s2 =	simm.s32 @!p0 $0x1C09  }
0x9a: {  	[timem:s3], [sflag:s2] =	dma.local @!p0 [hbm:s0], s1  }
0x9b: {  	s0 =	simm.s32 @!p0 $0x9  }
0x9c: {  	_ =	swait.ge @!p0 [sflag:s0], s1  }
0x9d: {  	s1 =	ssub.s32 @!p0 $0x0, s1;
	[sflag:s0] =	ssyncset.done @!p0 $0x0  }
0x9e: {  	[sflag:s0] =	ssyncadd.s32 @!p0 s1  }
0x9f: {  	[bflag:$0x3] =	sbarrier.arrive $0xFFFF  }
0xa0: {  	_ =	shalt  }

// kernel: kernel.20.cloned.1.call-start
scs
__scs_entry_jumppad:
0x0: {  	(pc) =	sbr.rel $0x88, $3  }
0x1: {  	(tag) =	ssettag $0x0;
	lr =	simm.s32 $0x1  }
0x2: {  	[smem:$0x3F90] =	sst lr;
	_ =	strace $0xD0000000  }
0x3: {  	_ = 	snop  }
0x4: {  	_ = 	snop  }
0x5: {  	_ = 	snop  }
0x6: {  	_ = 	snop  }
0x7: {  	_ = 	snop  }
__scs_overlays_trampoline_lowered:
0x8: {  	[smem:$0x3F9F] =	sst s0  }
0x9: {  	[smem:$0x3FA0] =	sst s1  }
0xa: {  	[smem:$0x3FA1] =	sst s2  }
0xb: {  	[smem:$0x3FA2] =	sst s3  }
0xc: {  	[smem:$0x3FA3] =	sst s4  }
0xd: {  	[smem:$0x3FA4] =	sst s5  }
0xe: {  	[smem:$0x3FA5] =	sst s6  }
0xf: {  	[smem:$0x3FA6] =	sst s7  }
0x10: {  	[smem:$0x3FA7] =	sst s8  }
0x11: {  	[smem:$0x3FA8] =	sst s9;
	s0 =	simm.s32 @!p0 $0x0  }
0x12: {  	s1 =	sld [smem:$0x3F8E];
	s0 =	simm.s32 @p0 $0x1  }
0x13: {  	[smem:$0x3FA9] =	sst s0;
	s0 =	simm.s32 @!p1 $0x0  }
0x14: {  	s2 =	sld [smem:$0x3F8D];
	s0 =	simm.s32 @p1 $0x1  }
0x15: {  	[smem:$0x3FAA] =	sst s0;
	s0 =	simm.s32 @!p2 $0x0  }
0x16: {  	s3 =	sld [smem:$0x3FDB];
	s0 =	simm.s32 @p2 $0x1  }
0x17: {  	s4 =	simm.s32 $0x1BF5;
	[smem:$0x3FAC] =	sst s0  }
0x18: {  	s0 =	sld [smem:$0x3F8F];
	_ =	swait.ge [sflag:s4], $0x0  }
0x19: {  	s7 =	sld [smem:$0x3F90]  }
0x1a: {  	s8 =	sadd.s32 $0xFFFFE003, lr  }
0x1b: {  	s9 =	sadd.s32 $0xFFFFFEF7, lr;
	s5 =	simm.s32 $0xFFFFFFFF;
	p2 =	slt.u32 s8, $0xFFFFF086  }
0x1c: {  	p1 =	slt.u32 s9, $0xF7A;
	s5 =	simm.s32 @!p2 $0x0  }
0x1d: {  	s5 =	simm.s32 @p1 $0x1;
	p0 =	seq.s32 s7, s2  }
0x1e: {  	s7 =	smul.u32 @!p0 $0xF7A, s2;
	p2 =	seq.s32 @!p0 s5, $0x0  }
0x1f: {  	s9 =	smul.u32 $0xF7A, s1;
	s8 =	simm.s32 @!p0 $0x1BF5;
	p2 =	por !p2, p0  }
0x20: {  	[sflag:s8] =	ssyncset.s32 @!p0 $0xFFFFF086;
	s6 =	sadd.s32 @!p0 s3, s7;
	s7 =	simm.s32 @!p0 $0x108  }
0x21: {  	s3 =	sadd.s32 s3, s9;
	s6 =	sadd.s32 @!p0 $0x88, s6;
	s7 =	simm.s32 @p2 $0x1082  }
0x22: {  	[simem:s7], [sflag:s8] =	dma.local @!p0 [hbm:s6], $0xF7A  }
0x23: {  	s9 =	sor.u32 $0xD0000000, s2;
	s6 =	simm.s32 $0x108;
	_ =	swait.ge @!p0 [sflag:s8], $0x0  }
0x24: {  	s3 =	sadd.s32 $0x88, s3;
	s6 =	simm.s32 @!p1 $0x1082;
	[sflag:s4] =	ssyncset.s32 $0xFFFFF086  }
0x25: {  	[simem:s6], [sflag:s4] =	dma.local [hbm:s3], $0xF7A  }
0x26: {  	[smem:$0x3F90] =	sst s1;
	(tag) =	ssettag s2;
	_ =	strace s9  }
0x27: {  	s1 =	sld [smem:$0x3FA0]  }
0x28: {  	s2 =	sld [smem:$0x3FA1]  }
0x29: {  	s4 =	sld [smem:$0x3FA3]  }
0x2a: {  	p0 =	seq.s32 s5, $0x0;
	s5 =	sld [smem:$0x3FA4]  }
0x2b: {  	s6 =	sld [smem:$0x3FA5]  }
0x2c: {  	s7 =	sld [smem:$0x3FA6]  }
0x2d: {  	s3 =	simm.s32 $0x108;
	s8 =	sld [smem:$0x3FA7]  }
0x2e: {  	s3 =	simm.s32 @!p0 $0x1082;
	s9 =	sld [smem:$0x3FA8]  }
0x2f: {  	lr =	sadd.s32 s0, s3;
	s0 =	sld [smem:$0x3F9F]  }
0x30: {  	s3 =	sld [smem:$0x3FA2]  }
0x31: {  	[smem:$0x3FAB] =	sst s10  }
0x32: {  	s10 =	sld [smem:$0x3FA9];
	_ =	sdelay $0x3  }
0x33: {  	p0 =	seq.s32 s10, $0x1;
	s10 =	sld [smem:$0x3FAB];
	_ =	sdelay $0x3  }
0x34: {  	[smem:$0x3FAB] =	sst s10  }
0x35: {  	s10 =	sld [smem:$0x3FAA];
	_ =	sdelay $0x3  }
0x36: {  	p1 =	seq.s32 s10, $0x1;
	s10 =	sld [smem:$0x3FAB];
	_ =	sdelay $0x3  }
0x37: {  	[smem:$0x3FAB] =	sst s10  }
0x38: {  	s10 =	sld [smem:$0x3FAC]  }
0x39: {  	_ = 	snop;
	(pc) =	sbr.ind lr, $3  }
0x3a: {  	_ = 	snop  }
0x3b: {  	_ = 	snop  }
0x3c: {  	p2 =	seq.s32 s10, $0x1;
	s10 =	sld [smem:$0x3FAB]  }
0x3d: {  	_ =	shalt  }
0x3e: {  	_ =	shalt  }
0x3f: {  	_ =	shalt  }
0x40: {  	_ =	shalt  }
0x41: {  	_ =	shalt  }
0x42: {  	_ =	shalt  }
0x43: {  	_ =	shalt  }
0x44: {  	_ =	shalt  }
0x45: {  	_ =	shalt  }
0x46: {  	_ =	shalt  }
0x47: {  	_ =	shalt  }
0x48: {  	_ =	shalt  }
0x49: {  	_ =	shalt  }
0x4a: {  	_ =	shalt  }
0x4b: {  	_ =	shalt  }
0x4c: {  	_ =	shalt  }
0x4d: {  	_ =	shalt  }
0x4e: {  	_ =	shalt  }
0x4f: {  	_ =	shalt  }
0x50: {  	_ =	shalt  }
0x51: {  	_ =	shalt  }
0x52: {  	_ =	shalt  }
0x53: {  	_ =	shalt  }
0x54: {  	_ =	shalt  }
0x55: {  	_ =	shalt  }
0x56: {  	_ =	shalt  }
0x57: {  	_ =	shalt  }
0x58: {  	_ =	shalt  }
0x59: {  	_ =	shalt  }
0x5a: {  	_ =	shalt  }
0x5b: {  	_ =	shalt  }
0x5c: {  	_ =	shalt  }
0x5d: {  	_ =	shalt  }
0x5e: {  	_ =	shalt  }
0x5f: {  	_ =	shalt  }
0x60: {  	_ =	shalt  }
0x61: {  	_ =	shalt  }
0x62: {  	_ =	shalt  }
0x63: {  	_ =	shalt  }
0x64: {  	_ =	shalt  }
0x65: {  	_ =	shalt  }
0x66: {  	_ =	shalt  }
0x67: {  	_ =	shalt  }
0x68: {  	_ =	shalt  }
0x69: {  	_ =	shalt  }
0x6a: {  	_ =	shalt  }
0x6b: {  	_ =	shalt  }
0x6c: {  	_ =	shalt  }
0x6d: {  	_ =	shalt  }
0x6e: {  	_ =	shalt  }
0x6f: {  	_ =	shalt  }
0x70: {  	_ =	shalt  }
0x71: {  	_ =	shalt  }
0x72: {  	_ =	shalt  }
0x73: {  	_ =	shalt  }
0x74: {  	_ =	shalt  }
0x75: {  	_ =	shalt  }
0x76: {  	_ =	shalt  }
0x77: {  	_ =	shalt  }
0x78: {  	_ =	shalt  }
0x79: {  	_ =	shalt  }
0x7a: {  	_ =	shalt  }
0x7b: {  	_ =	shalt  }
0x7c: {  	_ =	shalt  }
0x7d: {  	_ =	shalt  }
0x7e: {  	_ =	shalt  }
0x7f: {  	_ =	shalt  }
0x80: {  	_ =	shalt  }
0x81: {  	_ =	shalt  }
0x82: {  	_ =	shalt  }
0x83: {  	_ =	shalt  }
0x84: {  	_ =	shalt  }
0x85: {  	_ =	shalt  }
0x86: {  	_ =	shalt  }
0x87: {  	_ =	shalt  }
.Lfunc_end0:
.L_simem_size_0:
called_computation.3_lowered:
.L_overlay_start_0:
0x88: {  	s2 =	sld [smem:$0x3FD9]  }
0x89: {  	s3 =	sld [smem:$0x3FFE];
	_ =	sdelay $0x1  }
0x8a: {  	s1 =	srdreg.scid  }
0x8b: {  	s0 =	sand.u32 $0x1, s1  }
0x8c: {  	s17 =	sshll.u32 s0, $0xA;
	s2 =	sadd.s32 s3, s2  }
0x8d: {  	s2 =	sadd.s32 s2, s17  }
0x8e: {  	[smem:$0x3FB7] =	sst s2  }
0x8f: {  	_ = 	snop  }
0x90: {  	s2 =	sld [smem:$0x3FD0];
	(tm) =	ssettm $0x1  }
0x91: {  	s18 =	sld [smem:$0x3FFB];
	_ =	sdelay $0x3  }
0x92: {  	_ =	strace s18  }
0x93: {  	s3 =	sld [smem:$0x3FFC];
	_ =	sdelay $0x3  }
0x94: {  	_ =	strace s3  }
0x95: {  	s3 =	sld [smem:$0x3FFD];
	_ =	sdelay $0x3  }
0x96: {  	_ =	strace s3  }
0x97: {  	_ =	strace $0x8FFFFFFF  }
0x98: {  	s19 =	sld [smem:$0x3FDB];
	_ =	sdelay $0x1  }
0x99: {  	s4 =	simm.s32 $_scs_section_size  }
0x9a: {  	s5 =	simm.s32 $_size__tile_overlayer_lowered;
	s6 =	simm.s32 $_tile_overlayer_lowered  }
0x9b: {  	s22 =	simm.s32 $0x1BFF;
	s21 =	sshll.u32 s6, $0x1;
	s3 =	sadd.s32 s4, s19  }
0x9c: {  	s7 =	simm.s32 $0x0;
	s20 =	sshll.u32 s5, $0x1;
	s5 =	sadd.s32 s21, s3  }
0x9d: {  	[timem:s7], [sflag:s22] =	dma.local [hbm:s5], s20  }
0x9e: {  	_ =	swait.ge [sflag:s22], s20  }
0x9f: {  	s4 =	ssub.s32 $0x0, s20;
	[sflag:s22] =	ssyncset.done $0x0  }
0xa0: {  	[sflag:s22] =	ssyncadd.s32 s4;
	_ =	sdelay $0x1  }
0xa1: {  	s23 =	simm.s32 $0x1B8B  }
0xa2: {  	_ =	swait.ge [sflag:s23], $0x1  }
0xa3: {  	[sflag:s23] =	ssyncset.done $0x0  }
0xa4: {  	s25 =	simm.s32 $0x1B8E;
	s24 =	sld [smem:$0x3FFE];
	[sflag:s23] =	ssyncadd.s32 $0xFFFFFFFF  }
0xa5: {  	s26 =	simm.s32 $execute0_lowered;
	[smem:$0x3FD2] =	sst s25  }
0xa6: {  	s5 =	sshll.u32 s26, $0x1;
	_ =	strace $0x8000004F;
	[dreg:$0x1] =	wrdreg $0xFFFFFFFF  }
0xa7: {  	s28 =	simm.s32 $_size_execute0_lowered;
	s3 =	sadd.s32 s3, s5;
	[dreg:$0x0] =	wrdreg $0x0  }
0xa8: {  	s5 =	sshll.u32 s28, $0x1;
	[dreg:$0x2] =	wrdreg s3  }
0xa9: {  	[dreg:$0x3] =	wrdreg s5  }
0xaa: {  	[dreg:$0x4] =	wrdreg $0xC0  }
0xab: {  	_ =	task [dreg:s7], $0x5FFFF  }
0xac: {  	[dreg:$0x1] =	wrdreg $0xFFFFFFFF  }
0xad: {  	[dreg:$0x0] =	wrdreg $0x60  }
0xae: {  	[dreg:$0x2] =	wrdreg s24  }
0xaf: {  	[dreg:$0x3] =	wrdreg s2  }
0xb0: {  	[dreg:$0x4] =	wrdreg $0x195F00  }
0xb1: {  	[dreg:$0x5] =	wrdreg $0x1D7F00  }
0xb2: {  	[dreg:$0x6] =	wrdreg $0x9  }
0xb3: {  	_ =	task.clear_ibuf [dreg:s7], $0x7FFFF;
	_ =	strace $0x9000004F  }
0xb4: {  	s29 =	simm.s32 $0x9;
	_ =	strace $0x80000051  }
0xb5: {  	_ =	swait.ge [sflag:s29], $0x1  }
0xb6: {  	[sflag:s29] =	ssyncadd.s32 $0xFFFFFFFF  }
0xb7: {  	_ =	strace $0x90000051  }
0xb8: {  	_ =	sfence  }
0xb9: {  	s30 =	sld [smem:$0x0];
	_ =	sdelay $0x2  }
0xba: {  	s31 =	sshll.u32 s1, $0xD;
	s1 =	sshrl.u32 s1, $0x2  }
0xbb: {  	s3 =	sand.u32 $0x4000, s31;
	s1 =	sadd.s32 s1, s30  }
0xbc: {  	s0 =	sor.u32 s3, s0;
	s1 =	sshll.u32 s1, $0x11  }
0xbd: {  	s0 =	sor.u32 s1, s0  }
0xbe: {  	s0 =	sadd.s32 $0x8F2B, s0  }
0xbf: {  	[sflag:s0] =	ssyncadd.remote.s32 $0x1  }
0xc0: {  	_ =	sfence.sel $0xFFFF  }
0xc1: {  	[dreg:$0x0] =	wrdreg $0xFFFFFFFF;
	(pc) =	sbr.abs _section_cstart, $3  }
0xc2: {  	[dreg:$0x1] =	wrdreg $0xFFFFFFFF  }
0xc3: {  	_ =	task.clear_ibuf [dreg:s7], $0x2FFFF;
	_ =	strace $0x9FFFFFFF  }
0xc4: {  	(tm) =	ssettm $0x7FFFFFFF  }
0xc5: {  	_ =	shalt  }
tec
execute0_lowered:
.L_overlay_start_1:
0x0: {  	(tag) =	ssettag $0x1  }
0x1: {  	s19 =	rddreg [dreg:$0x0]  }
0x2: {  	s5 =	rddreg [dreg:$0x1]  }
0x3: {  	s2 =	rddreg [dreg:$0x2]  }
0x4: {  	s3 =	rddreg [dreg:$0x3];
	s1 =	stileid.u32  }
0x5: {  	s0 =	rddreg [dreg:$0x4];
	s4 =	simm.s32 $0x0;
	s20 =	smul.u32 $0x4200, s1  }
0x6: {  	[smem:$0x7FF] =	sst s4  }
0x7: {  	s18 =	smul.u32 $0x108, s1;
	s25 =	sshll.u32 s1, $0x6;
	s6 =	sshrl.u32 s20, $0x3  }
0x8: {  	_ =	strace $0x80000050;
	s7 =	sadd.s32 s20, s2;
	s5 =	sadd.s32 s5, s6  }
0x9: {  	s6 =	sor.u32 $0x1C01, s25;
	s8 =	sshrl.u32 s7, $0x3;
	s7 =	simm.s32 $0x1  }
0xa: {  	[spmem:s8], [sflag:s6] =	dma.local [hbm:s5], $0x840  }
0xb: {  	s9 =	sshrl.u32 s18, $0x3;
	_ =	swait.ge [sflag:s7], $0x840  }
0xc: {  	s10 =	sadd.s32 s18, s3;
	s9 =	sadd.s32 s9, s19;
	[sflag:s7] =	ssyncset.done $0x0  }
0xd: {  	s10 =	sshrl.u32 s10, $0x3;
	s9 =	sadd.s32 $0x5A00, s9;
	[sflag:s7] =	ssyncadd.s32 $0xFFFFF7C0  }
0xe: {  	[spmem:s10], [sflag:s6] =	dma.local [hbm:s9], $0x21  }
0xf: {  	s12 =	srdreg.scid;
	_ =	swait.ge [sflag:s7], $0x21  }
0x10: {  	s11 =	sadd.s32 $0x36800, s19;
	s21 =	sand.u32 $0x1, s12;
	[sflag:s7] =	ssyncset.done $0x0  }
0x11: {  	s12 =	simm.s32 $0x18E20;
	s13 =	sshll.u32 s21, $0x4;
	[sflag:s7] =	ssyncadd.s32 $0xFFFFFFDF  }
0x12: {  	[tilespmem:s12], [sflag:$0x1] =	stream.linear.gather [hbm4b:s11+s4], $0x7D0, $0x38;
	[tilespmem:$0x1D8F8] =	vst v63  }
0x13: {  	s13 =	sor.u32 s1, s13;
	_ =	swait.ge [sflag:s7], $0x7D0  }
0x14: {  	s14 =	smul.u32 $0x6200, s13;
	[sflag:s7] =	ssyncset.done $0x0  }
0x15: {  	s16 =	sadd.s32 $0x39C00, s19;
	s17 =	smul.u32 $0xC40, s13;
	[sflag:s7] =	ssyncadd.s32 $0xFFFFF830  }
0x16: {  	s13 =	sadd.s32 s16, s14;
	s14 =	simm.s32 $0x620;
	[bflag:$0x0] =	sbarrier.arrive $0xFFFF  }
0x17: {  	[tilespmem:s14], [sflag:$0x1] =	stream.linear.gather [hbm4b:s13+s4], $0x18800, $0x38;
	[tilespmem:$0x1D8F8] =	vst v63  }
0x18: {  	_ =	swait.ge [sflag:s7], $0x18800  }
0x19: {  	s22 =	sadd.s32 $0x36A00, s19;
	s15 =	sshrl.u32 s17, $0x3;
	[sflag:s7] =	ssyncset.done $0x0  }
0x1a: {  	s15 =	sadd.s32 s22, s15;
	[sflag:s7] =	ssyncadd.s32 $0xFFFE7800  }
0x1b: {  	[tilespmem:s4], [sflag:$0x1] =	stream.linear.gather [hbm4b:s15+s4], $0x620, $0x38;
	[tilespmem:$0x1D8F8] =	vst v63  }
0x1c: {  	_ =	swait.ge [sflag:s7], $0x620  }
0x1d: {  	[sflag:s7] =	ssyncset.done $0x0  }
0x1e: {  	[sflag:s7] =	ssyncadd.s32 $0xFFFFF9E0  }
0x1f: {  	[spmem:s2] =	stream.indirect.scatter.add.f32 [tilespmem:s14], [sflag:$0x1], $0x40, s4, s14, $0xb8;
	[tilespmem:$0x1D8F8] =	vst v63  }
0x20: {  	_ =	swait.ge [sflag:s7], $0x18800  }
0x21: {  	[sflag:s7] =	ssyncset.done $0x0  }
0x22: {  	[sflag:s7] =	ssyncadd.s32 $0xFFFE7800  }
0x23: {  	[spmem:s3] =	stream.indirect.scatter.add.f32 [tilespmem:s12], [sflag:$0x1], $0x1, s4, s14, $0xb8;
	[tilespmem:$0x1D8F8] =	vst v63  }
0x24: {  	s17 =	sadd.s32 $0x620, s17;
	_ =	swait.ge [sflag:s7], $0x620  }
0x25: {  	s23 =	sshll.u32 s17, $0x3;
	[sflag:s7] =	ssyncset.done $0x0  }
0x26: {  	s16 =	sadd.s32 s16, s23;
	[sflag:s7] =	ssyncadd.s32 $0xFFFFF9E0  }
0x27: {  	[tilespmem:s14], [sflag:$0x1] =	stream.linear.gather [hbm4b:s16+s4], $0x18800, $0x38;
	[tilespmem:$0x1D8F8] =	vst v63  }
0x28: {  	_ =	swait.ge [sflag:s7], $0x18800  }
0x29: {  	s17 =	sshrl.u32 s17, $0x3;
	[sflag:s7] =	ssyncset.done $0x0  }
0x2a: {  	s17 =	sadd.s32 s22, s17;
	[sflag:s7] =	ssyncadd.s32 $0xFFFE7800  }
0x2b: {  	[tilespmem:s4], [sflag:$0x1] =	stream.linear.gather [hbm4b:s17+s4], $0x620, $0x38;
	[tilespmem:$0x1D8F8] =	vst v63  }
0x2c: {  	_ =	swait.ge [sflag:s7], $0x620  }
0x2d: {  	[sflag:s7] =	ssyncset.done $0x0  }
0x2e: {  	[sflag:s7] =	ssyncadd.s32 $0xFFFFF9E0  }
0x2f: {  	[spmem:s2] =	stream.indirect.scatter.add.f32 [tilespmem:s14], [sflag:$0x1], $0x40, s4, s14, $0xb8;
	[tilespmem:$0x1D8F8] =	vst v63  }
0x30: {  	_ =	swait.ge [sflag:s7], $0x18800  }
0x31: {  	s26 =	smul.u32 $0x42000, s21;
	[sflag:s7] =	ssyncset.done $0x0  }
0x32: {  	s28 =	smul.u32 $0x1080, s21;
	s21 =	ssub.s32 $0x2, s21;
	[sflag:s7] =	ssyncadd.s32 $0xFFFE7800  }
0x33: {  	[spmem:s3] =	stream.indirect.scatter.add.f32 [tilespmem:s12], [sflag:$0x1], $0x1, s4, s14, $0xb8;
	[tilespmem:$0x1D8F8] =	vst v63  }
0x34: {  	s30 =	sshrl.u32 s21, $0x1;
	s20 =	sadd.s32 s20, s26;
	_ =	swait.ge [sflag:s7], $0x620  }
0x35: {  	s31 =	ssub.s32 s21, s30;
	s20 =	sshrl.u32 s20, $0x3;
	[sflag:s7] =	ssyncset.done $0x0  }
0x36: {  	s20 =	sadd.s32 s20, s19;
	s22 =	sadd.s32 s18, s28;
	[sflag:s7] =	ssyncadd.s32 $0xFFFFF9E0  }
0x37: {  	s18 =	sadd.s32 $0x5E00, s20;
	s20 =	smax.u32 s31, $0x1;
	[bflag:$0x0] =	sbarrier.arrive $0xFFFF  }
0x38: {  	[hbm:s18], [sflag:s6] =	dma.local [spmem:s8], $0x840  }
0x39: {  	s29 =	sshrl.u32 s22, $0x3;
	p0 =	sne.s32 s20, $0x1;
	_ =	swait.ge [sflag:s7], $0x840  }
.Ltmp0:
0x3a: {  	s19 =	sadd.s32 s29, s19;
	[sflag:s7] =	ssyncset.done $0x0;
	(pc) =	sbr.rel @!p0 .LBB2_2-.Ltmp0, $4  }
0x3b: {  	s19 =	sadd.s32 $0x16600, s19;
	[sflag:s7] =	ssyncadd.s32 $0xFFFFF7C0  }
0x3c: {  	[hbm:s19], [sflag:s6] =	dma.local [spmem:s10], $0x21  }
0x3d: {  	_ =	swait.ge [sflag:s7], $0x21  }
0x3e: {  	s20 =	sadd.s32 $0xFFFFFFFF, s20;
	[sflag:s7] =	ssyncset.done $0x0  }
.LBB2_1:
0x3f: {  	p0 =	sne.s32 s20, $0x1;
	s20 =	sadd.s32 $0xFFFFFFFF, s20;
	[sflag:s7] =	ssyncadd.s32 $0xFFFFFFDF  }
0x40: {  	[spmem:s8], [sflag:s6] =	dma.local [hbm:s5], $0x840  }
0x41: {  	_ =	swait.ge [sflag:s7], $0x840  }
0x42: {  	[sflag:s7] =	ssyncset.done $0x0  }
0x43: {  	[sflag:s7] =	ssyncadd.s32 $0xFFFFF7C0  }
0x44: {  	[spmem:s10], [sflag:s6] =	dma.local [hbm:s9], $0x21  }
0x45: {  	_ =	swait.ge [sflag:s7], $0x21  }
0x46: {  	[sflag:s7] =	ssyncset.done $0x0  }
0x47: {  	[sflag:s7] =	ssyncadd.s32 $0xFFFFFFDF  }
0x48: {  	[tilespmem:s12], [sflag:$0x1] =	stream.linear.gather [hbm4b:s11+s4], $0x7D0, $0x38;
	[tilespmem:$0x1D8F8] =	vst v63  }
0x49: {  	_ =	swait.ge [sflag:s7], $0x7D0  }
0x4a: {  	[sflag:s7] =	ssyncset.done $0x0  }
0x4b: {  	[sflag:s7] =	ssyncadd.s32 $0xFFFFF830  }
0x4c: {  	[bflag:$0x0] =	sbarrier.arrive $0xFFFF  }
0x4d: {  	[tilespmem:s14], [sflag:$0x1] =	stream.linear.gather [hbm4b:s13+s4], $0x18800, $0x38;
	[tilespmem:$0x1D8F8] =	vst v63  }
0x4e: {  	_ =	swait.ge [sflag:s7], $0x18800  }
0x4f: {  	[sflag:s7] =	ssyncset.done $0x0  }
0x50: {  	[sflag:s7] =	ssyncadd.s32 $0xFFFE7800  }
0x51: {  	[tilespmem:s4], [sflag:$0x1] =	stream.linear.gather [hbm4b:s15+s4], $0x620, $0x38;
	[tilespmem:$0x1D8F8] =	vst v63  }
0x52: {  	_ =	swait.ge [sflag:s7], $0x620  }
0x53: {  	[sflag:s7] =	ssyncset.done $0x0  }
0x54: {  	[sflag:s7] =	ssyncadd.s32 $0xFFFFF9E0  }
0x55: {  	[spmem:s2] =	stream.indirect.scatter.add.f32 [tilespmem:s14], [sflag:$0x1], $0x40, s4, s14, $0xb8;
	[tilespmem:$0x1D8F8] =	vst v63  }
0x56: {  	_ =	swait.ge [sflag:s7], $0x18800  }
0x57: {  	[sflag:s7] =	ssyncset.done $0x0  }
0x58: {  	[sflag:s7] =	ssyncadd.s32 $0xFFFE7800  }
0x59: {  	[spmem:s3] =	stream.indirect.scatter.add.f32 [tilespmem:s12], [sflag:$0x1], $0x1, s4, s14, $0xb8;
	[tilespmem:$0x1D8F8] =	vst v63  }
0x5a: {  	_ =	swait.ge [sflag:s7], $0x620  }
0x5b: {  	[sflag:s7] =	ssyncset.done $0x0  }
0x5c: {  	[sflag:s7] =	ssyncadd.s32 $0xFFFFF9E0  }
0x5d: {  	[tilespmem:s14], [sflag:$0x1] =	stream.linear.gather [hbm4b:s16+s4], $0x18800, $0x38;
	[tilespmem:$0x1D8F8] =	vst v63  }
0x5e: {  	_ =	swait.ge [sflag:s7], $0x18800  }
0x5f: {  	[sflag:s7] =	ssyncset.done $0x0  }
0x60: {  	[sflag:s7] =	ssyncadd.s32 $0xFFFE7800  }
0x61: {  	[tilespmem:s4], [sflag:$0x1] =	stream.linear.gather [hbm4b:s17+s4], $0x620, $0x38;
	[tilespmem:$0x1D8F8] =	vst v63  }
0x62: {  	_ =	swait.ge [sflag:s7], $0x620  }
0x63: {  	[sflag:s7] =	ssyncset.done $0x0  }
0x64: {  	[sflag:s7] =	ssyncadd.s32 $0xFFFFF9E0  }
0x65: {  	[spmem:s2] =	stream.indirect.scatter.add.f32 [tilespmem:s14], [sflag:$0x1], $0x40, s4, s14, $0xb8;
	[tilespmem:$0x1D8F8] =	vst v63  }
0x66: {  	_ =	swait.ge [sflag:s7], $0x18800  }
0x67: {  	[sflag:s7] =	ssyncset.done $0x0  }
0x68: {  	[sflag:s7] =	ssyncadd.s32 $0xFFFE7800  }
0x69: {  	[spmem:s3] =	stream.indirect.scatter.add.f32 [tilespmem:s12], [sflag:$0x1], $0x1, s4, s14, $0xb8;
	[tilespmem:$0x1D8F8] =	vst v63  }
0x6a: {  	_ =	swait.ge [sflag:s7], $0x620  }
0x6b: {  	[sflag:s7] =	ssyncset.done $0x0  }
0x6c: {  	[sflag:s7] =	ssyncadd.s32 $0xFFFFF9E0  }
0x6d: {  	[bflag:$0x0] =	sbarrier.arrive $0xFFFF  }
0x6e: {  	[hbm:s18], [sflag:s6] =	dma.local [spmem:s8], $0x840  }
0x6f: {  	_ =	swait.ge [sflag:s7], $0x840  }
.Ltmp1:
0x70: {  	[sflag:s7] =	ssyncset.done $0x0;
	(pc) =	sbr.rel @p0 .LBB2_1-.Ltmp1, $4  }
0x71: {  	[sflag:s7] =	ssyncadd.s32 $0xFFFFF7C0  }
0x72: {  	[hbm:s19], [sflag:s6] =	dma.local [spmem:s10], $0x21  }
0x73: {  	_ =	swait.ge [sflag:s7], $0x21  }
0x74: {  	[sflag:s7] =	ssyncset.done $0x0  }
.LBB2_2:
0x75: {  	[sflag:s7] =	ssyncadd.s32 $0xFFFFFFDF  }
0x76: {  	_ =	sfence.sel $0x180000  }
0x77: {  	[bflag:$0x0] =	sbarrier.arrive $0xFFFF  }
0x78: {  	p0 =	sne.s32 s1, $0x0;
	_ =	strace $0x90000050  }
0x79: {  	s0 =	sadd.s32 @!p0 $0x100000, s0;
	[bflag:$0x2] =	sbarrier.arrive $0xFFFF  }
0x7a: {  	[sflag:s0] =	ssyncadd.tile.s32 @!p0 $0x1;
	_ =	shalt  }
.Lfunc_end2:
_tile_overlayer_lowered:
.L_overlay_start_2:
0x7b: {  	(tag) =	ssettag $0x2  }
0x7c: {  	s0 =	rddreg [dreg:$0x0];
	s2 =	stileid.u32  }
0x7d: {  	s1 =	rddreg [dreg:$0x1];
	p0 =	sne.s32 s2, $0x0  }
0x7e: {  	s3 =	rddreg [dreg:$0x2];
	[bflag:$0x3] =	sbarrier.arrive $0xFFFF;
	s2 =	simm.s32 @!p0 $0x1C01  }
0x7f: {  	[timem:s3], [sflag:s2] =	dma.local @!p0 [hbm:s0], s1  }
0x80: {  	s0 =	simm.s32 @!p0 $0x1  }
0x81: {  	_ =	swait.ge @!p0 [sflag:s0], s1  }
0x82: {  	s1 =	ssub.s32 @!p0 $0x0, s1;
	[sflag:s0] =	ssyncset.done @!p0 $0x0  }
0x83: {  	[sflag:s0] =	ssyncadd.s32 @!p0 s1  }
0x84: {  	[bflag:$0x3] =	sbarrier.arrive $0xFFFF  }
0x85: {  	_ =	shalt  }

</sc_bundles>
